<compile_context>
chip_gen: v7x
topology: tpu7x:2x2x1
jax: 0.10.2.dev20260603
libtpu: 0.0.44.dev20260713+nightly
codegen_flags: <defaults>
</compile_context>

<pallas_src>
import functools

import jax
import jax.numpy as jnp
from jax import lax
from jax.experimental import pallas as pl
from jax.experimental.pallas import tpu as pltpu
from jax.experimental.pallas import tpu_sc as plsc

EPS = 1e-05

NC = 2
NS = 16
L = 16
NW = NC * NS

_f32 = jnp.float32
_i32 = jnp.int32


def _degree_kernel(n_pad, n_batches, batch):
    seg = n_pad // NS

    mesh = plsc.VectorSubcoreMesh(core_axis_name="c", subcore_axis_name="s")

    @functools.partial(
        pl.kernel,
        out_type=jax.ShapeDtypeStruct((NC * 2 * n_pad,), _f32),
        mesh=mesh,
        scratch_types=[
            pltpu.VMEM_SHARED((n_pad,), _f32),
            pltpu.VMEM_SHARED((n_pad,), _f32),
            pltpu.VMEM((n_batches, batch), _i32),
            pltpu.VMEM((batch,), _f32),
        ],
    )
    def deg_k(src_hbm, dst_hbm, zeros_hbm, out_hbm,
              hist_s, hist_d, idx_v, ones_v):
        c = lax.axis_index("c")
        s = lax.axis_index("s")
        w = c * NS + s
        soff = pl.multiple_of(s * seg, 128)
        ooff_s = pl.multiple_of(c * 2 * n_pad + s * seg, 128)
        ooff_d = pl.multiple_of(c * 2 * n_pad + n_pad + s * seg, 128)

        for k in range(batch // L):
            ones_v[pl.ds(k * L, L)] = jnp.ones((L,), _f32)

        pltpu.sync_copy(zeros_hbm, hist_s.at[pl.ds(soff, seg)])
        pltpu.sync_copy(zeros_hbm, hist_d.at[pl.ds(soff, seg)])
        plsc.subcore_barrier()

        pltpu.sync_copy(src_hbm.at[w], idx_v)

        def body_s(j, _):
            pltpu.sync_copy(ones_v, hist_s.at[idx_v.at[j]], add=True)
            return _

        lax.fori_loop(0, n_batches, body_s, None)
        pltpu.sync_copy(dst_hbm.at[w], idx_v)

        def body_d(j, _):
            pltpu.sync_copy(ones_v, hist_d.at[idx_v.at[j]], add=True)
            return _

        lax.fori_loop(0, n_batches, body_d, None)
        plsc.subcore_barrier()

        pltpu.sync_copy(hist_s.at[pl.ds(soff, seg)],
                        out_hbm.at[pl.ds(ooff_s, seg)])
        pltpu.sync_copy(hist_d.at[pl.ds(soff, seg)],
                        out_hbm.at[pl.ds(ooff_d, seg)])

    return deg_k


def _agg_kernel(n_pad, n_batches, batch, dtype):
    rows_seg = n_pad // NS

    mesh = plsc.VectorSubcoreMesh(core_axis_name="c", subcore_axis_name="s")

    chunk = 16
    nq = n_batches // chunk

    @functools.partial(
        pl.kernel,
        out_type=jax.ShapeDtypeStruct((NC, n_pad, 128), dtype),
        mesh=mesh,
        scratch_types=[
            pltpu.VMEM_SHARED((n_pad, 128), dtype),
            pltpu.VMEM((2, chunk, batch), _i32),
            pltpu.VMEM((2, chunk, batch), _i32),
            pltpu.VMEM((2, batch, 128), dtype),
        ] + [pltpu.SemaphoreType.DMA] * 6,
    )
    def agg_k(h_hbm, src_hbm, dst_hbm, zrows_hbm, out_hbm,
              agg_sh, sidx_c, didx_c, rows_v, *sems):
        gsems = sems[0:2]
        ssems = sems[2:4]
        isem_s, isem_d = sems[4], sems[5]
        c = lax.axis_index("c")
        s = lax.axis_index("s")
        w = c * NS + s
        roff = pl.multiple_of(s * rows_seg, 8)

        pltpu.sync_copy(zrows_hbm, agg_sh.at[pl.ds(roff, rows_seg)])
        pltpu.sync_copy(src_hbm.at[w, pl.ds(0, chunk)], sidx_c.at[0])
        pltpu.sync_copy(dst_hbm.at[w, pl.ds(0, chunk)], didx_c.at[0])
        plsc.subcore_barrier()

        pltpu.async_copy(h_hbm.at[sidx_c.at[0, 0]], rows_v.at[0], gsems[0])

        @pl.loop(0, nq)
        def _(q):
            qm = lax.rem(q, 2)
            qn = lax.rem(q + 1, 2)
            qoff = pl.multiple_of((q + 1) * chunk, chunk)

            @pl.when(q < nq - 1)
            def _pf():
                pltpu.async_copy(src_hbm.at[w, pl.ds(qoff, chunk)],
                                 sidx_c.at[qn], isem_s)
                pltpu.async_copy(dst_hbm.at[w, pl.ds(qoff, chunk)],
                                 didx_c.at[qn], isem_d)

            for jj in range(chunk):
                b = jj % 2
                nb = 1 - b
                pltpu.make_async_copy(
                    h_hbm.at[sidx_c.at[qm, jj]], rows_v.at[b],
                    gsems[b]).wait()
                pltpu.async_copy(rows_v.at[b], agg_sh.at[didx_c.at[qm, jj]],
                                 ssems[b], add=True)
                if jj == 0:
                    @pl.when(q > 0)
                    def _w0():
                        pltpu.make_async_copy(
                            rows_v.at[nb], agg_sh.at[didx_c.at[qm, jj]],
                            ssems[nb]).wait()
                    pltpu.async_copy(h_hbm.at[sidx_c.at[qm, jj + 1]],
                                     rows_v.at[nb], gsems[nb])
                elif jj < chunk - 1:
                    pltpu.make_async_copy(
                        rows_v.at[nb], agg_sh.at[didx_c.at[qm, jj]],
                        ssems[nb]).wait()
                    pltpu.async_copy(h_hbm.at[sidx_c.at[qm, jj + 1]],
                                     rows_v.at[nb], gsems[nb])
                else:
                    @pl.when(q < nq - 1)
                    def _gnext():
                        pltpu.make_async_copy(
                            src_hbm.at[w, pl.ds(qoff, chunk)],
                            sidx_c.at[qn], isem_s).wait()
                        pltpu.make_async_copy(
                            dst_hbm.at[w, pl.ds(qoff, chunk)],
                            didx_c.at[qn], isem_d).wait()
                        pltpu.make_async_copy(
                            rows_v.at[nb], agg_sh.at[didx_c.at[qm, jj]],
                            ssems[nb]).wait()
                        pltpu.async_copy(h_hbm.at[sidx_c.at[qn, 0]],
                                         rows_v.at[nb], gsems[nb])

        pltpu.make_async_copy(
            rows_v.at[0], agg_sh.at[didx_c.at[0, 0]], ssems[0]).wait()
        pltpu.make_async_copy(
            rows_v.at[1], agg_sh.at[didx_c.at[0, 0]], ssems[1]).wait()
        plsc.subcore_barrier()

        pltpu.sync_copy(agg_sh.at[pl.ds(roff, rows_seg)],
                        out_hbm.at[c, pl.ds(roff, rows_seg)])

    return agg_k


def _mm_body(x_ref, w_ref, h_ref):
    h_ref[...] = jnp.dot(x_ref[...], w_ref[...], preferred_element_type=_f32)


def _scale_body(h_ref, degs_ref, hs_ref, nd_ref):
    degs = degs_ref[...]
    ds = degs[0, 0] + degs[1, 0]
    dd = degs[0, 1] + degs[1, 1]
    ns = jnp.where(ds > 0, lax.rsqrt(jnp.maximum(ds, 1.0)), 0.0)
    nd = jnp.where(dd > 0, lax.rsqrt(jnp.maximum(dd, 1.0)), 0.0)
    hs_ref[...] = h_ref[...] * ns[:, None]
    nd_ref[...] = nd[:, None]


def _ep_body(parts_ref, nd_ref, b_ref, x_ref, o_ref):
    parts = parts_ref[...].astype(_f32)
    agg = parts[0] + parts[1]
    agg = agg * nd_ref[...] + b_ref[...]
    mean = jnp.mean(agg, axis=1, keepdims=True)
    cen = agg - mean
    var = jnp.mean(cen * cen, axis=1, keepdims=True)
    hn = cen / jnp.sqrt(var + EPS)
    o_ref[...] = jnp.maximum(hn, 0.0) + x_ref[...]


def kernel(x, edge_index, W, b):
    n, d_in = x.shape
    d_out = W.shape[1]
    e = edge_index.shape[1]

    n_pad = ((n + 1 + 2047) // 2048) * 2048
    batch = 128
    ept = -(-e // NW)
    n_batches = -(-(-(-ept // batch)) // 16) * 16
    e_pad = NW * n_batches * batch

    src = edge_index[0].astype(_i32)
    dst = edge_index[1].astype(_i32)
    pad_i = n + jnp.arange(e_pad - e, dtype=_i32) % (n_pad - n)
    pad_s = pad_i
    pad_d = pad_i
    src_p = jnp.concatenate([src, pad_s]).reshape(NW, n_batches, batch)
    dst_p = jnp.concatenate([dst, pad_d]).reshape(NW, n_batches, batch)
    deg_k = _degree_kernel(n_pad, n_batches, batch)
    zeros_h = jnp.zeros((n_pad // NS,), _f32)
    degs = deg_k(src_p, dst_p, zeros_h).reshape(NC, 2, n_pad)

    mblk = 1000
    h_mm = pl.pallas_call(
        _mm_body,
        grid=(n // mblk,),
        in_specs=[
            pl.BlockSpec((mblk, d_in), lambda i: (i, 0)),
            pl.BlockSpec((d_in, d_out), lambda i: (0, 0)),
        ],
        out_specs=pl.BlockSpec((mblk, d_out), lambda i: (i, 0)),
        out_shape=jax.ShapeDtypeStruct((n_pad, d_out), _f32),
    )(x, W)

    blk = 1024
    h_scaled, norm_dst = pl.pallas_call(
        _scale_body,
        grid=(n_pad // blk,),
        in_specs=[
            pl.BlockSpec((blk, d_out), lambda i: (i, 0)),
            pl.BlockSpec((NC, 2, blk), lambda i: (0, 0, i)),
        ],
        out_specs=[
            pl.BlockSpec((blk, d_out), lambda i: (i, 0)),
            pl.BlockSpec((blk, 1), lambda i: (i, 0)),
        ],
        out_shape=[
            jax.ShapeDtypeStruct((n_pad, d_out), _f32),
            jax.ShapeDtypeStruct((n_pad, 1), _f32),
        ],
    )(h_mm, degs)

    agg_k = _agg_kernel(n_pad, n_batches, batch, _f32)
    zrows = jnp.zeros((n_pad // NS, 128), _f32)
    parts = agg_k(h_scaled, src_p, dst_p, zrows)

    eblk = 2000
    out = pl.pallas_call(
        _ep_body,
        grid=(n // eblk,),
        in_specs=[
            pl.BlockSpec((NC, eblk, 128), lambda i: (0, i, 0)),
            pl.BlockSpec((eblk, 1), lambda i: (i, 0)),
            pl.BlockSpec((1, 128), lambda i: (0, 0)),
            pl.BlockSpec((eblk, 128), lambda i: (i, 0)),
        ],
        out_specs=pl.BlockSpec((eblk, 128), lambda i: (i, 0)),
        out_shape=jax.ShapeDtypeStruct((n, d_out), _f32),
    )(parts, norm_dst[:n], b.reshape(1, 128), x)

    return out

# --- scband reference (transcript-rebuilt; emitter-appended) ---
"""Pipeline reference for scband-gnnbasic-block-9182640079114 (READ-ONLY COPY).

The authoritative reference and input builder live on the scoring server;
editing this copy changes nothing except your own understanding.
"""

import jax, jax.numpy as jnp
import numpy as np

N_NODES = 10000
N_EDGES = 320000
D_IN = 128
D_OUT = 128
EPS = 1e-05


def setup_inputs(seed: int = 0) -> dict:
    key = jax.random.key(seed)
    k1, k2, k3, k4 = jax.random.split(key, 4)
    x = jax.random.normal(k1, (N_NODES, D_IN), dtype=jnp.float32)
    edge_index = jax.random.randint(k2, (2, N_EDGES), 0, N_NODES, dtype=jnp.int64)
    W = jax.random.normal(k3, (D_IN, D_OUT), dtype=jnp.float32) * (1.0 / np.sqrt(D_IN))
    b = jnp.zeros((D_OUT,), dtype=jnp.float32)
    return {"x": x, "edge_index": edge_index, "W": W, "b": b}


def reference(x, edge_index, W, b):
    src = edge_index[0]
    dst = edge_index[1]
    n = x.shape[0]
    ones = jnp.ones((src.shape[0],), dtype=x.dtype)
    deg_out = jax.ops.segment_sum(ones, src, num_segments=n)
    deg_in = jax.ops.segment_sum(ones, dst, num_segments=n)
    # DGL GraphConv norm='both': deg^{-1/2} with 0-degree -> 0
    norm_src = jnp.where(deg_out > 0, jax.lax.rsqrt(jnp.maximum(deg_out, 1.0)), 0.0)
    norm_dst = jnp.where(deg_in > 0, jax.lax.rsqrt(jnp.maximum(deg_in, 1.0)), 0.0)
    # GCN: (D_in^{-1/2} A D_out^{-1/2}) X W + b
    h = x @ W
    h = h * norm_src[:, None]
    msg = jnp.take(h, src, axis=0)
    agg = jax.ops.segment_sum(msg, dst, num_segments=n)
    agg = agg * norm_dst[:, None]
    agg = agg + b
    # NodeNorm nn_type='n' (biased variance, eps=1e-5)
    mean = jnp.mean(agg, axis=1, keepdims=True)
    var = jnp.var(agg, axis=1, keepdims=True)
    hn = (agg - mean) / jnp.sqrt(var + EPS)
    # activation (relu) then residual: block_type 'n_a_r'
    out = jax.nn.relu(hn) + x
    return out

if __name__ == "__main__":
    import jax
    _d = setup_inputs()
    print(jax.jit(kernel)(*tuple(_d.values())))

</pallas_src>

<mosaic_0001>
#map = affine_map<(d0, d1) -> (0, 0, 0)>
#map1 = affine_map<(d0, d1) -> (0)>
module attributes {stable_mosaic.version = 14 : i64} {
  func.func @deg_k(%arg0: i32, %arg1: i32, %arg2: memref<32x80x128xi32, #tpu.memory_space<hbm>>, %arg3: memref<32x80x128xi32, #tpu.memory_space<hbm>>, %arg4: memref<640xf32, #tpu.memory_space<hbm>>, %arg5: memref<40960xf32, #tpu.memory_space<hbm>>, %arg6: memref<10240xf32, #tpu.memory_space<vmem_shared>>, %arg7: memref<10240xf32, #tpu.memory_space<vmem_shared>>, %arg8: memref<80x128xi32, #tpu.memory_space<vmem>>, %arg9: memref<128xf32, #tpu.memory_space<vmem>>) attributes {dimension_semantics = [#tpu.dimension_semantics<core_parallel>, #tpu.dimension_semantics<subcore_parallel>], iteration_bounds = array<i64: 2, 16>, scalar_prefetch = 0 : i64, scratch_operands = 4 : i64, tpu.core_type = #tpu.core_type<sc_vector_subcore>, window_params = [{transform_indices = #map}, {transform_indices = #map}, {transform_indices = #map1}, {transform_indices = #map1}]} {
    %mul3A = arith.constant 16 : i32
    %mul3A_0 = arith.muli %arg0, %mul3A : i32
    %add3A = arith.addi %mul3A_0, %arg1 : i32
    %mul3A_1 = arith.constant 640 : i32
    %mul3A_2 = arith.muli %arg1, %mul3A_1 : i32
    %multiple_of3A = tpu.assume_multiple %mul3A_2, 128 : i32
    %mul3A_3 = arith.constant 2 : i32
    %mul3A_4 = arith.muli %arg0, %mul3A_3 : i32
    %mul3A_5 = arith.constant 10240 : i32
    %mul3A_6 = arith.muli %mul3A_4, %mul3A_5 : i32
    %mul3A_7 = arith.constant 640 : i32
    %mul3A_8 = arith.muli %arg1, %mul3A_7 : i32
    %add3A_9 = arith.addi %mul3A_6, %mul3A_8 : i32
    %multiple_of3A_10 = tpu.assume_multiple %add3A_9, 128 : i32
    %mul3A_11 = arith.constant 2 : i32
    %mul3A_12 = arith.muli %arg0, %mul3A_11 : i32
    %mul3A_13 = arith.constant 10240 : i32
    %mul3A_14 = arith.muli %mul3A_12, %mul3A_13 : i32
    %add3A_15 = arith.constant 10240 : i32
    %add3A_16 = arith.addi %mul3A_14, %add3A_15 : i32
    %mul3A_17 = arith.constant 640 : i32
    %mul3A_18 = arith.muli %arg1, %mul3A_17 : i32
    %add3A_19 = arith.addi %add3A_16, %mul3A_18 : i32
    %multiple_of3A_20 = tpu.assume_multiple %add3A_19, 128 : i32
    %broadcast_in_dim3A = arith.constant 1.000000e+00 : f32
    %broadcast_in_dim3A_21 = vector.broadcast %broadcast_in_dim3A : f32 to vector<16xf32>
    %swap3A = arith.constant 0 : index
    %swap3A_22 = tpu.vector_load %arg9[%swap3A] {strides = array<i32>} : memref<128xf32, #tpu.memory_space<vmem>>, vector<16xf32>,
    %swap3A_23 = vector.shape_cast %swap3A_22 : vector<16xf32> to vector<16xf32>
    %swap3A_24 = vector.shape_cast %broadcast_in_dim3A_21 : vector<16xf32> to vector<16xf32>
    tpu.vector_store %arg9[%swap3A], %swap3A_24 {strides = array<i32>} : memref<128xf32, #tpu.memory_space<vmem>>, vector<16xf32>,
    %broadcast_in_dim3A_25 = arith.constant 1.000000e+00 : f32
    %broadcast_in_dim3A_26 = vector.broadcast %broadcast_in_dim3A_25 : f32 to vector<16xf32>
    %swap3A_27 = arith.constant 16 : index
    %swap3A_28 = tpu.vector_load %arg9[%swap3A_27] {strides = array<i32>} : memref<128xf32, #tpu.memory_space<vmem>>, vector<16xf32>,
    %swap3A_29 = vector.shape_cast %swap3A_28 : vector<16xf32> to vector<16xf32>
    %swap3A_30 = vector.shape_cast %broadcast_in_dim3A_26 : vector<16xf32> to vector<16xf32>
    tpu.vector_store %arg9[%swap3A_27], %swap3A_30 {strides = array<i32>} : memref<128xf32, #tpu.memory_space<vmem>>, vector<16xf32>,
    %broadcast_in_dim3A_31 = arith.constant 1.000000e+00 : f32
    %broadcast_in_dim3A_32 = vector.broadcast %broadcast_in_dim3A_31 : f32 to vector<16xf32>
    %swap3A_33 = arith.constant 32 : index
    %swap3A_34 = tpu.vector_load %arg9[%swap3A_33] {strides = array<i32>} : memref<128xf32, #tpu.memory_space<vmem>>, vector<16xf32>,
    %swap3A_35 = vector.shape_cast %swap3A_34 : vector<16xf32> to vector<16xf32>
    %swap3A_36 = vector.shape_cast %broadcast_in_dim3A_32 : vector<16xf32> to vector<16xf32>
    tpu.vector_store %arg9[%swap3A_33], %swap3A_36 {strides = array<i32>} : memref<128xf32, #tpu.memory_space<vmem>>, vector<16xf32>,
    %broadcast_in_dim3A_37 = arith.constant 1.000000e+00 : f32
    %broadcast_in_dim3A_38 = vector.broadcast %broadcast_in_dim3A_37 : f32 to vector<16xf32>
    %swap3A_39 = arith.constant 48 : index
    %swap3A_40 = tpu.vector_load %arg9[%swap3A_39] {strides = array<i32>} : memref<128xf32, #tpu.memory_space<vmem>>, vector<16xf32>,
    %swap3A_41 = vector.shape_cast %swap3A_40 : vector<16xf32> to vector<16xf32>
    %swap3A_42 = vector.shape_cast %broadcast_in_dim3A_38 : vector<16xf32> to vector<16xf32>
    tpu.vector_store %arg9[%swap3A_39], %swap3A_42 {strides = array<i32>} : memref<128xf32, #tpu.memory_space<vmem>>, vector<16xf32>,
    %broadcast_in_dim3A_43 = arith.constant 1.000000e+00 : f32
    %broadcast_in_dim3A_44 = vector.broadcast %broadcast_in_dim3A_43 : f32 to vector<16xf32>
    %swap3A_45 = arith.constant 64 : index
    %swap3A_46 = tpu.vector_load %arg9[%swap3A_45] {strides = array<i32>} : memref<128xf32, #tpu.memory_space<vmem>>, vector<16xf32>,
    %swap3A_47 = vector.shape_cast %swap3A_46 : vector<16xf32> to vector<16xf32>
    %swap3A_48 = vector.shape_cast %broadcast_in_dim3A_44 : vector<16xf32> to vector<16xf32>
    tpu.vector_store %arg9[%swap3A_45], %swap3A_48 {strides = array<i32>} : memref<128xf32, #tpu.memory_space<vmem>>, vector<16xf32>,
    %broadcast_in_dim3A_49 = arith.constant 1.000000e+00 : f32
    %broadcast_in_dim3A_50 = vector.broadcast %broadcast_in_dim3A_49 : f32 to vector<16xf32>
    %swap3A_51 = arith.constant 80 : index
    %swap3A_52 = tpu.vector_load %arg9[%swap3A_51] {strides = array<i32>} : memref<128xf32, #tpu.memory_space<vmem>>, vector<16xf32>,
    %swap3A_53 = vector.shape_cast %swap3A_52 : vector<16xf32> to vector<16xf32>
    %swap3A_54 = vector.shape_cast %broadcast_in_dim3A_50 : vector<16xf32> to vector<16xf32>
    tpu.vector_store %arg9[%swap3A_51], %swap3A_54 {strides = array<i32>} : memref<128xf32, #tpu.memory_space<vmem>>, vector<16xf32>,
    %broadcast_in_dim3A_55 = arith.constant 1.000000e+00 : f32
    %broadcast_in_dim3A_56 = vector.broadcast %broadcast_in_dim3A_55 : f32 to vector<16xf32>
    %swap3A_57 = arith.constant 96 : index
    %swap3A_58 = tpu.vector_load %arg9[%swap3A_57] {strides = array<i32>} : memref<128xf32, #tpu.memory_space<vmem>>, vector<16xf32>,
    %swap3A_59 = vector.shape_cast %swap3A_58 : vector<16xf32> to vector<16xf32>
    %swap3A_60 = vector.shape_cast %broadcast_in_dim3A_56 : vector<16xf32> to vector<16xf32>
    tpu.vector_store %arg9[%swap3A_57], %swap3A_60 {strides = array<i32>} : memref<128xf32, #tpu.memory_space<vmem>>, vector<16xf32>,
    %broadcast_in_dim3A_61 = arith.constant 1.000000e+00 : f32
    %broadcast_in_dim3A_62 = vector.broadcast %broadcast_in_dim3A_61 : f32 to vector<16xf32>
    %swap3A_63 = arith.constant 112 : index
    %swap3A_64 = tpu.vector_load %arg9[%swap3A_63] {strides = array<i32>} : memref<128xf32, #tpu.memory_space<vmem>>, vector<16xf32>,
    %swap3A_65 = vector.shape_cast %swap3A_64 : vector<16xf32> to vector<16xf32>
    %swap3A_66 = vector.shape_cast %broadcast_in_dim3A_62 : vector<16xf32> to vector<16xf32>
    tpu.vector_store %arg9[%swap3A_63], %swap3A_66 {strides = array<i32>} : memref<128xf32, #tpu.memory_space<vmem>>, vector<16xf32>,
    "tpu.region"() ({
      %run_scoped3A = tpu.sem_alloc : memref<!tpu.dma_semaphore, #tpu.memory_space<semaphore_mem>>
      %dma_start3A = tpu.memref_slice %arg6[%multiple_of3A] : memref<10240xf32, #tpu.memory_space<vmem_shared>> -> memref<640xf32, #tpu.memory_space<vmem_shared>>
      tpu.enqueue_dma source(%arg4 : memref<640xf32, #tpu.memory_space<hbm>>) target(%dma_start3A : memref<640xf32, #tpu.memory_space<vmem_shared>>) target_semaphore(%run_scoped3A : memref<!tpu.dma_semaphore, #tpu.memory_space<semaphore_mem>>)
      %dma_wait3A = tpu.memref_slice %arg6[%multiple_of3A] : memref<10240xf32, #tpu.memory_space<vmem_shared>> -> memref<640xf32, #tpu.memory_space<vmem_shared>>
      tpu.wait_dma2 semaphore(%run_scoped3A : memref<!tpu.dma_semaphore, #tpu.memory_space<semaphore_mem>>) src(%arg4 : memref<640xf32, #tpu.memory_space<hbm>>) dst(%dma_wait3A : memref<640xf32, #tpu.memory_space<vmem_shared>>)
      tpu.yield
    }) : () -> ()
    "tpu.region"() ({
      %run_scoped3A = tpu.sem_alloc : memref<!tpu.dma_semaphore, #tpu.memory_space<semaphore_mem>>
      %dma_start3A = tpu.memref_slice %arg7[%multiple_of3A] : memref<10240xf32, #tpu.memory_space<vmem_shared>> -> memref<640xf32, #tpu.memory_space<vmem_shared>>
      tpu.enqueue_dma source(%arg4 : memref<640xf32, #tpu.memory_space<hbm>>) target(%dma_start3A : memref<640xf32, #tpu.memory_space<vmem_shared>>) target_semaphore(%run_scoped3A : memref<!tpu.dma_semaphore, #tpu.memory_space<semaphore_mem>>)
      %dma_wait3A = tpu.memref_slice %arg7[%multiple_of3A] : memref<10240xf32, #tpu.memory_space<vmem_shared>> -> memref<640xf32, #tpu.memory_space<vmem_shared>>
      tpu.wait_dma2 semaphore(%run_scoped3A : memref<!tpu.dma_semaphore, #tpu.memory_space<semaphore_mem>>) src(%arg4 : memref<640xf32, #tpu.memory_space<hbm>>) dst(%dma_wait3A : memref<640xf32, #tpu.memory_space<vmem_shared>>)
      tpu.yield
    }) : () -> ()
    %barrier3A = arith.constant 0 : index
    tpu.barrier barrier_id(%barrier3A)
    "tpu.region"() ({
      %run_scoped3A = tpu.sem_alloc : memref<!tpu.dma_semaphore, #tpu.memory_space<semaphore_mem>>
      %dma_start3A = arith.constant 0 : i32
      %dma_start3A_77 = arith.constant 0 : i32
      %dma_start3A_78 = tpu.memref_slice %arg2[%add3A, %dma_start3A, %dma_start3A_77] : memref<32x80x128xi32, #tpu.memory_space<hbm>> -> memref<1x80x128xi32, #tpu.memory_space<hbm>>
      %dma_start3A_79 = tpu.memref_squeeze %dma_start3A_78 : memref<1x80x128xi32, #tpu.memory_space<hbm>> -> memref<80x128xi32, #tpu.memory_space<hbm>>
      %dma_start3A_80 = arith.constant 0 : i32
      %dma_start3A_81 = arith.constant 0 : i32
      %dma_start3A_82 = tpu.memref_slice %arg2[%add3A, %dma_start3A_80, %dma_start3A_81] : memref<32x80x128xi32, #tpu.memory_space<hbm>> -> memref<1x80x128xi32, #tpu.memory_space<hbm>>
      %dma_start3A_83 = tpu.memref_squeeze %dma_start3A_82 : memref<1x80x128xi32, #tpu.memory_space<hbm>> -> memref<80x128xi32, #tpu.memory_space<hbm>>
      tpu.enqueue_dma source(%dma_start3A_83 : memref<80x128xi32, #tpu.memory_space<hbm>>) target(%arg8 : memref<80x128xi32, #tpu.memory_space<vmem>>) target_semaphore(%run_scoped3A : memref<!tpu.dma_semaphore, #tpu.memory_space<semaphore_mem>>)
      %dma_wait3A = arith.constant 0 : i32
      %dma_wait3A_84 = arith.constant 0 : i32
      %dma_wait3A_85 = tpu.memref_slice %arg2[%add3A, %dma_wait3A, %dma_wait3A_84] : memref<32x80x128xi32, #tpu.memory_space<hbm>> -> memref<1x80x128xi32, #tpu.memory_space<hbm>>
      %dma_wait3A_86 = tpu.memref_squeeze %dma_wait3A_85 : memref<1x80x128xi32, #tpu.memory_space<hbm>> -> memref<80x128xi32, #tpu.memory_space<hbm>>
      %dma_wait3A_87 = arith.constant 0 : i32
      %dma_wait3A_88 = arith.constant 0 : i32
      %dma_wait3A_89 = tpu.memref_slice %arg2[%add3A, %dma_wait3A_87, %dma_wait3A_88] : memref<32x80x128xi32, #tpu.memory_space<hbm>> -> memref<1x80x128xi32, #tpu.memory_space<hbm>>
      %dma_wait3A_90 = tpu.memref_squeeze %dma_wait3A_89 : memref<1x80x128xi32, #tpu.memory_space<hbm>> -> memref<80x128xi32, #tpu.memory_space<hbm>>
      tpu.wait_dma2 semaphore(%run_scoped3A : memref<!tpu.dma_semaphore, #tpu.memory_space<semaphore_mem>>) src(%dma_wait3A_90 : memref<80x128xi32, #tpu.memory_space<hbm>>) dst(%arg8 : memref<80x128xi32, #tpu.memory_space<vmem>>)
      tpu.yield
    }) : () -> ()
    %scan3A = arith.constant 0 : i32
    %scan3A_67 = arith.constant 80 : i32
    %scan3A_68 = arith.addi %scan3A, %scan3A_67 : i32
    %scan3A_69 = arith.constant 1 : i32
    scf.for %scan3A_77 = %scan3A to %scan3A_68 step %scan3A_69  : i32 {
      "tpu.region"() ({
        %run_scoped3A = tpu.sem_alloc : memref<!tpu.dma_semaphore, #tpu.memory_space<semaphore_mem>>
        %dma_start3A = arith.constant 0 : i32
        %dma_start3A_78 = tpu.memref_slice %arg8[%scan3A_77, %dma_start3A] : memref<80x128xi32, #tpu.memory_space<vmem>> -> memref<1x128xi32, #tpu.memory_space<vmem>>
        %dma_start3A_79 = tpu.memref_squeeze %dma_start3A_78 : memref<1x128xi32, #tpu.memory_space<vmem>> -> memref<128xi32, #tpu.memory_space<vmem>>
        %dma_start3A_80 = arith.constant 0 : i32
        %dma_start3A_81 = tpu.memref_slice %arg6[%dma_start3A_80] : memref<10240xf32, #tpu.memory_space<vmem_shared>> -> memref<10240xf32, #tpu.memory_space<vmem_shared>>
        tpu.enqueue_indirect_dma source(%arg9 : memref<128xf32, #tpu.memory_space<vmem>>) target(%dma_start3A_81 : memref<10240xf32, #tpu.memory_space<vmem_shared>>) offsets(%dma_start3A_79 : memref<128xi32, #tpu.memory_space<vmem>>) semaphore(%run_scoped3A : memref<!tpu.dma_semaphore, #tpu.memory_space<semaphore_mem>>) {add = true}
        %dma_wait3A = arith.constant 0 : i32
        %dma_wait3A_82 = tpu.memref_slice %arg8[%scan3A_77, %dma_wait3A] : memref<80x128xi32, #tpu.memory_space<vmem>> -> memref<1x128xi32, #tpu.memory_space<vmem>>
        %dma_wait3A_83 = tpu.memref_squeeze %dma_wait3A_82 : memref<1x128xi32, #tpu.memory_space<vmem>> -> memref<128xi32, #tpu.memory_space<vmem>>
        %dma_wait3A_84 = arith.constant 0 : i32
        %dma_wait3A_85 = tpu.memref_slice %arg6[%dma_wait3A_84] : memref<10240xf32, #tpu.memory_space<vmem_shared>> -> memref<10240xf32, #tpu.memory_space<vmem_shared>>
        tpu.wait_indirect_dma semaphore(%run_scoped3A : memref<!tpu.dma_semaphore, #tpu.memory_space<semaphore_mem>>) src(%arg9 : memref<128xf32, #tpu.memory_space<vmem>>) dst(%dma_wait3A_85 : memref<10240xf32, #tpu.memory_space<vmem_shared>>)
        tpu.yield
      }) : () -> ()
    }
    %scan3A_70 = arith.constant 80 : i32
    "tpu.region"() ({
      %run_scoped3A = tpu.sem_alloc : memref<!tpu.dma_semaphore, #tpu.memory_space<semaphore_mem>>
      %dma_start3A = arith.constant 0 : i32
      %dma_start3A_77 = arith.constant 0 : i32
      %dma_start3A_78 = tpu.memref_slice %arg3[%add3A, %dma_start3A, %dma_start3A_77] : memref<32x80x128xi32, #tpu.memory_space<hbm>> -> memref<1x80x128xi32, #tpu.memory_space<hbm>>
      %dma_start3A_79 = tpu.memref_squeeze %dma_start3A_78 : memref<1x80x128xi32, #tpu.memory_space<hbm>> -> memref<80x128xi32, #tpu.memory_space<hbm>>
      %dma_start3A_80 = arith.constant 0 : i32
      %dma_start3A_81 = arith.constant 0 : i32
      %dma_start3A_82 = tpu.memref_slice %arg3[%add3A, %dma_start3A_80, %dma_start3A_81] : memref<32x80x128xi32, #tpu.memory_space<hbm>> -> memref<1x80x128xi32, #tpu.memory_space<hbm>>
      %dma_start3A_83 = tpu.memref_squeeze %dma_start3A_82 : memref<1x80x128xi32, #tpu.memory_space<hbm>> -> memref<80x128xi32, #tpu.memory_space<hbm>>
      tpu.enqueue_dma source(%dma_start3A_83 : memref<80x128xi32, #tpu.memory_space<hbm>>) target(%arg8 : memref<80x128xi32, #tpu.memory_space<vmem>>) target_semaphore(%run_scoped3A : memref<!tpu.dma_semaphore, #tpu.memory_space<semaphore_mem>>)
      %dma_wait3A = arith.constant 0 : i32
      %dma_wait3A_84 = arith.constant 0 : i32
      %dma_wait3A_85 = tpu.memref_slice %arg3[%add3A, %dma_wait3A, %dma_wait3A_84] : memref<32x80x128xi32, #tpu.memory_space<hbm>> -> memref<1x80x128xi32, #tpu.memory_space<hbm>>
      %dma_wait3A_86 = tpu.memref_squeeze %dma_wait3A_85 : memref<1x80x128xi32, #tpu.memory_space<hbm>> -> memref<80x128xi32, #tpu.memory_space<hbm>>
      %dma_wait3A_87 = arith.constant 0 : i32
      %dma_wait3A_88 = arith.constant 0 : i32
      %dma_wait3A_89 = tpu.memref_slice %arg3[%add3A, %dma_wait3A_87, %dma_wait3A_88] : memref<32x80x128xi32, #tpu.memory_space<hbm>> -> memref<1x80x128xi32, #tpu.memory_space<hbm>>
      %dma_wait3A_90 = tpu.memref_squeeze %dma_wait3A_89 : memref<1x80x128xi32, #tpu.memory_space<hbm>> -> memref<80x128xi32, #tpu.memory_space<hbm>>
      tpu.wait_dma2 semaphore(%run_scoped3A : memref<!tpu.dma_semaphore, #tpu.memory_space<semaphore_mem>>) src(%dma_wait3A_90 : memref<80x128xi32, #tpu.memory_space<hbm>>) dst(%arg8 : memref<80x128xi32, #tpu.memory_space<vmem>>)
      tpu.yield
    }) : () -> ()
    %scan3A_71 = arith.constant 0 : i32
    %scan3A_72 = arith.constant 80 : i32
    %scan3A_73 = arith.addi %scan3A_71, %scan3A_72 : i32
    %scan3A_74 = arith.constant 1 : i32
    scf.for %scan3A_77 = %scan3A_71 to %scan3A_73 step %scan3A_74  : i32 {
      "tpu.region"() ({
        %run_scoped3A = tpu.sem_alloc : memref<!tpu.dma_semaphore, #tpu.memory_space<semaphore_mem>>
        %dma_start3A = arith.constant 0 : i32
        %dma_start3A_78 = tpu.memref_slice %arg8[%scan3A_77, %dma_start3A] : memref<80x128xi32, #tpu.memory_space<vmem>> -> memref<1x128xi32, #tpu.memory_space<vmem>>
        %dma_start3A_79 = tpu.memref_squeeze %dma_start3A_78 : memref<1x128xi32, #tpu.memory_space<vmem>> -> memref<128xi32, #tpu.memory_space<vmem>>
        %dma_start3A_80 = arith.constant 0 : i32
        %dma_start3A_81 = tpu.memref_slice %arg7[%dma_start3A_80] : memref<10240xf32, #tpu.memory_space<vmem_shared>> -> memref<10240xf32, #tpu.memory_space<vmem_shared>>
        tpu.enqueue_indirect_dma source(%arg9 : memref<128xf32, #tpu.memory_space<vmem>>) target(%dma_start3A_81 : memref<10240xf32, #tpu.memory_space<vmem_shared>>) offsets(%dma_start3A_79 : memref<128xi32, #tpu.memory_space<vmem>>) semaphore(%run_scoped3A : memref<!tpu.dma_semaphore, #tpu.memory_space<semaphore_mem>>) {add = true}
        %dma_wait3A = arith.constant 0 : i32
        %dma_wait3A_82 = tpu.memref_slice %arg8[%scan3A_77, %dma_wait3A] : memref<80x128xi32, #tpu.memory_space<vmem>> -> memref<1x128xi32, #tpu.memory_space<vmem>>
        %dma_wait3A_83 = tpu.memref_squeeze %dma_wait3A_82 : memref<1x128xi32, #tpu.memory_space<vmem>> -> memref<128xi32, #tpu.memory_space<vmem>>
        %dma_wait3A_84 = arith.constant 0 : i32
        %dma_wait3A_85 = tpu.memref_slice %arg7[%dma_wait3A_84] : memref<10240xf32, #tpu.memory_space<vmem_shared>> -> memref<10240xf32, #tpu.memory_space<vmem_shared>>
        tpu.wait_indirect_dma semaphore(%run_scoped3A : memref<!tpu.dma_semaphore, #tpu.memory_space<semaphore_mem>>) src(%arg9 : memref<128xf32, #tpu.memory_space<vmem>>) dst(%dma_wait3A_85 : memref<10240xf32, #tpu.memory_space<vmem_shared>>)
        tpu.yield
      }) : () -> ()
    }
    %scan3A_75 = arith.constant 80 : i32
    %barrier3A_76 = arith.constant 0 : index
    tpu.barrier barrier_id(%barrier3A_76)
    "tpu.region"() ({
      %run_scoped3A = tpu.sem_alloc : memref<!tpu.dma_semaphore, #tpu.memory_space<semaphore_mem>>
      %dma_start3A = tpu.memref_slice %arg5[%multiple_of3A_10] : memref<40960xf32, #tpu.memory_space<hbm>> -> memref<640xf32, #tpu.memory_space<hbm>>
      %dma_start3A_77 = tpu.memref_slice %arg6[%multiple_of3A] : memref<10240xf32, #tpu.memory_space<vmem_shared>> -> memref<640xf32, #tpu.memory_space<vmem_shared>>
      tpu.enqueue_dma source(%dma_start3A_77 : memref<640xf32, #tpu.memory_space<vmem_shared>>) target(%dma_start3A : memref<640xf32, #tpu.memory_space<hbm>>) target_semaphore(%run_scoped3A : memref<!tpu.dma_semaphore, #tpu.memory_space<semaphore_mem>>)
      %dma_wait3A = tpu.memref_slice %arg5[%multiple_of3A_10] : memref<40960xf32, #tpu.memory_space<hbm>> -> memref<640xf32, #tpu.memory_space<hbm>>
      %dma_wait3A_78 = tpu.memref_slice %arg6[%multiple_of3A] : memref<10240xf32, #tpu.memory_space<vmem_shared>> -> memref<640xf32, #tpu.memory_space<vmem_shared>>
      tpu.wait_dma2 semaphore(%run_scoped3A : memref<!tpu.dma_semaphore, #tpu.memory_space<semaphore_mem>>) src(%dma_wait3A_78 : memref<640xf32, #tpu.memory_space<vmem_shared>>) dst(%dma_wait3A : memref<640xf32, #tpu.memory_space<hbm>>)
      tpu.yield
    }) : () -> ()
    "tpu.region"() ({
      %run_scoped3A = tpu.sem_alloc : memref<!tpu.dma_semaphore, #tpu.memory_space<semaphore_mem>>
      %dma_start3A = tpu.memref_slice %arg5[%multiple_of3A_20] : memref<40960xf32, #tpu.memory_space<hbm>> -> memref<640xf32, #tpu.memory_space<hbm>>
      %dma_start3A_77 = tpu.memref_slice %arg7[%multiple_of3A] : memref<10240xf32, #tpu.memory_space<vmem_shared>> -> memref<640xf32, #tpu.memory_space<vmem_shared>>
      tpu.enqueue_dma source(%dma_start3A_77 : memref<640xf32, #tpu.memory_space<vmem_shared>>) target(%dma_start3A : memref<640xf32, #tpu.memory_space<hbm>>) target_semaphore(%run_scoped3A : memref<!tpu.dma_semaphore, #tpu.memory_space<semaphore_mem>>)
      %dma_wait3A = tpu.memref_slice %arg5[%multiple_of3A_20] : memref<40960xf32, #tpu.memory_space<hbm>> -> memref<640xf32, #tpu.memory_space<hbm>>
      %dma_wait3A_78 = tpu.memref_slice %arg7[%multiple_of3A] : memref<10240xf32, #tpu.memory_space<vmem_shared>> -> memref<640xf32, #tpu.memory_space<vmem_shared>>
      tpu.wait_dma2 semaphore(%run_scoped3A : memref<!tpu.dma_semaphore, #tpu.memory_space<semaphore_mem>>) src(%dma_wait3A_78 : memref<640xf32, #tpu.memory_space<vmem_shared>>) dst(%dma_wait3A : memref<640xf32, #tpu.memory_space<hbm>>)
      tpu.yield
    }) : () -> ()
    return
  }
}

#map = affine_map<(d0, d1) -> (0, 0)>
#map1 = affine_map<(d0, d1) -> (0, 0, 0)>
module attributes {stable_mosaic.version = 14 : i64} {
  func.func @agg_k(%arg0: i32, %arg1: i32, %arg2: memref<10240x128xf32, #tpu.memory_space<hbm>>, %arg3: memref<32x80x128xi32, #tpu.memory_space<hbm>>, %arg4: memref<32x80x128xi32, #tpu.memory_space<hbm>>, %arg5: memref<640x128xf32, #tpu.memory_space<hbm>>, %arg6: memref<2x10240x128xf32, #tpu.memory_space<hbm>>, %arg7: memref<10240x128xf32, #tpu.memory_space<vmem_shared>>, %arg8: memref<2x16x128xi32, #tpu.memory_space<vmem>>, %arg9: memref<2x16x128xi32, #tpu.memory_space<vmem>>, %arg10: memref<2x128x128xf32, #tpu.memory_space<vmem>>, %arg11: memref<!tpu.dma_semaphore, #tpu.memory_space<semaphore_mem>>, %arg12: memref<!tpu.dma_semaphore, #tpu.memory_space<semaphore_mem>>, %arg13: memref<!tpu.dma_semaphore, #tpu.memory_space<semaphore_mem>>, %arg14: memref<!tpu.dma_semaphore, #tpu.memory_space<semaphore_mem>>, %arg15: memref<!tpu.dma_semaphore, #tpu.memory_space<semaphore_mem>>, %arg16: memref<!tpu.dma_semaphore, #tpu.memory_space<semaphore_mem>>) attributes {dimension_semantics = [#tpu.dimension_semantics<core_parallel>, #tpu.dimension_semantics<subcore_parallel>], iteration_bounds = array<i64: 2, 16>, scalar_prefetch = 0 : i64, scratch_operands = 10 : i64, tpu.core_type = #tpu.core_type<sc_vector_subcore>, window_params = [{transform_indices = #map}, {transform_indices = #map1}, {transform_indices = #map1}, {transform_indices = #map}, {transform_indices = #map1}]} {
    %mul3A = arith.constant 16 : i32
    %mul3A_0 = arith.muli %arg0, %mul3A : i32
    %add3A = arith.addi %mul3A_0, %arg1 : i32
    %mul3A_1 = arith.constant 640 : i32
    %mul3A_2 = arith.muli %arg1, %mul3A_1 : i32
    %multiple_of3A = tpu.assume_multiple %mul3A_2, 8 : i32
    "tpu.region"() ({
      %run_scoped3A_46 = tpu.sem_alloc : memref<!tpu.dma_semaphore, #tpu.memory_space<semaphore_mem>>
      %dma_start3A_47 = arith.constant 0 : i32
      %dma_start3A_48 = tpu.memref_slice %arg7[%multiple_of3A, %dma_start3A_47] : memref<10240x128xf32, #tpu.memory_space<vmem_shared>> -> memref<640x128xf32, #tpu.memory_space<vmem_shared>>
      tpu.enqueue_dma source(%arg5 : memref<640x128xf32, #tpu.memory_space<hbm>>) target(%dma_start3A_48 : memref<640x128xf32, #tpu.memory_space<vmem_shared>>) target_semaphore(%run_scoped3A_46 : memref<!tpu.dma_semaphore, #tpu.memory_space<semaphore_mem>>)
      %dma_wait3A_49 = arith.constant 0 : i32
      %dma_wait3A_50 = tpu.memref_slice %arg7[%multiple_of3A, %dma_wait3A_49] : memref<10240x128xf32, #tpu.memory_space<vmem_shared>> -> memref<640x128xf32, #tpu.memory_space<vmem_shared>>
      tpu.wait_dma2 semaphore(%run_scoped3A_46 : memref<!tpu.dma_semaphore, #tpu.memory_space<semaphore_mem>>) src(%arg5 : memref<640x128xf32, #tpu.memory_space<hbm>>) dst(%dma_wait3A_50 : memref<640x128xf32, #tpu.memory_space<vmem_shared>>)
      tpu.yield
    }) : () -> ()
    %run_scoped3A = arith.constant 0 : i32
    "tpu.region"() ({
      %run_scoped3A_46 = tpu.sem_alloc : memref<!tpu.dma_semaphore, #tpu.memory_space<semaphore_mem>>
      %dma_start3A_47 = arith.constant 0 : i32
      %dma_start3A_48 = arith.constant 0 : i32
      %dma_start3A_49 = tpu.memref_slice %arg8[%run_scoped3A, %dma_start3A_47, %dma_start3A_48] : memref<2x16x128xi32, #tpu.memory_space<vmem>> -> memref<1x16x128xi32, #tpu.memory_space<vmem>>
      %dma_start3A_50 = tpu.memref_squeeze %dma_start3A_49 : memref<1x16x128xi32, #tpu.memory_space<vmem>> -> memref<16x128xi32, #tpu.memory_space<vmem>>
      %dma_start3A_51 = arith.constant 0 : i32
      %dma_start3A_52 = arith.constant 0 : i32
      %dma_start3A_53 = tpu.memref_slice %arg3[%add3A, %dma_start3A_51, %dma_start3A_52] : memref<32x80x128xi32, #tpu.memory_space<hbm>> -> memref<1x16x128xi32, #tpu.memory_space<hbm>>
      %dma_start3A_54 = tpu.memref_squeeze %dma_start3A_53 : memref<1x16x128xi32, #tpu.memory_space<hbm>> -> memref<16x128xi32, #tpu.memory_space<hbm>>
      %dma_start3A_55 = arith.constant 0 : i32
      %dma_start3A_56 = arith.constant 0 : i32
      %dma_start3A_57 = tpu.memref_slice %arg8[%run_scoped3A, %dma_start3A_55, %dma_start3A_56] : memref<2x16x128xi32, #tpu.memory_space<vmem>> -> memref<1x16x128xi32, #tpu.memory_space<vmem>>
      %dma_start3A_58 = tpu.memref_squeeze %dma_start3A_57 : memref<1x16x128xi32, #tpu.memory_space<vmem>> -> memref<16x128xi32, #tpu.memory_space<vmem>>
      %dma_start3A_59 = arith.constant 0 : i32
      %dma_start3A_60 = arith.constant 0 : i32
      %dma_start3A_61 = tpu.memref_slice %arg3[%add3A, %dma_start3A_59, %dma_start3A_60] : memref<32x80x128xi32, #tpu.memory_space<hbm>> -> memref<1x16x128xi32, #tpu.memory_space<hbm>>
      %dma_start3A_62 = tpu.memref_squeeze %dma_start3A_61 : memref<1x16x128xi32, #tpu.memory_space<hbm>> -> memref<16x128xi32, #tpu.memory_space<hbm>>
      tpu.enqueue_dma source(%dma_start3A_62 : memref<16x128xi32, #tpu.memory_space<hbm>>) target(%dma_start3A_58 : memref<16x128xi32, #tpu.memory_space<vmem>>) target_semaphore(%run_scoped3A_46 : memref<!tpu.dma_semaphore, #tpu.memory_space<semaphore_mem>>)
      %dma_wait3A_63 = arith.constant 0 : i32
      %dma_wait3A_64 = arith.constant 0 : i32
      %dma_wait3A_65 = tpu.memref_slice %arg8[%run_scoped3A, %dma_wait3A_63, %dma_wait3A_64] : memref<2x16x128xi32, #tpu.memory_space<vmem>> -> memref<1x16x128xi32, #tpu.memory_space<vmem>>
      %dma_wait3A_66 = tpu.memref_squeeze %dma_wait3A_65 : memref<1x16x128xi32, #tpu.memory_space<vmem>> -> memref<16x128xi32, #tpu.memory_space<vmem>>
      %dma_wait3A_67 = arith.constant 0 : i32
      %dma_wait3A_68 = arith.constant 0 : i32
      %dma_wait3A_69 = tpu.memref_slice %arg3[%add3A, %dma_wait3A_67, %dma_wait3A_68] : memref<32x80x128xi32, #tpu.memory_space<hbm>> -> memref<1x16x128xi32, #tpu.memory_space<hbm>>
      %dma_wait3A_70 = tpu.memref_squeeze %dma_wait3A_69 : memref<1x16x128xi32, #tpu.memory_space<hbm>> -> memref<16x128xi32, #tpu.memory_space<hbm>>
      %dma_wait3A_71 = arith.constant 0 : i32
      %dma_wait3A_72 = arith.constant 0 : i32
      %dma_wait3A_73 = tpu.memref_slice %arg8[%run_scoped3A, %dma_wait3A_71, %dma_wait3A_72] : memref<2x16x128xi32, #tpu.memory_space<vmem>> -> memref<1x16x128xi32, #tpu.memory_space<vmem>>
      %dma_wait3A_74 = tpu.memref_squeeze %dma_wait3A_73 : memref<1x16x128xi32, #tpu.memory_space<vmem>> -> memref<16x128xi32, #tpu.memory_space<vmem>>
      %dma_wait3A_75 = arith.constant 0 : i32
      %dma_wait3A_76 = arith.constant 0 : i32
      %dma_wait3A_77 = tpu.memref_slice %arg3[%add3A, %dma_wait3A_75, %dma_wait3A_76] : memref<32x80x128xi32, #tpu.memory_space<hbm>> -> memref<1x16x128xi32, #tpu.memory_space<hbm>>
      %dma_wait3A_78 = tpu.memref_squeeze %dma_wait3A_77 : memref<1x16x128xi32, #tpu.memory_space<hbm>> -> memref<16x128xi32, #tpu.memory_space<hbm>>
      tpu.wait_dma2 semaphore(%run_scoped3A_46 : memref<!tpu.dma_semaphore, #tpu.memory_space<semaphore_mem>>) src(%dma_wait3A_78 : memref<16x128xi32, #tpu.memory_space<hbm>>) dst(%dma_wait3A_74 : memref<16x128xi32, #tpu.memory_space<vmem>>)
      tpu.yield
    }) : () -> ()
    %run_scoped3A_3 = arith.constant 0 : i32
    "tpu.region"() ({
      %run_scoped3A_46 = tpu.sem_alloc : memref<!tpu.dma_semaphore, #tpu.memory_space<semaphore_mem>>
      %dma_start3A_47 = arith.constant 0 : i32
      %dma_start3A_48 = arith.constant 0 : i32
      %dma_start3A_49 = tpu.memref_slice %arg9[%run_scoped3A_3, %dma_start3A_47, %dma_start3A_48] : memref<2x16x128xi32, #tpu.memory_space<vmem>> -> memref<1x16x128xi32, #tpu.memory_space<vmem>>
      %dma_start3A_50 = tpu.memref_squeeze %dma_start3A_49 : memref<1x16x128xi32, #tpu.memory_space<vmem>> -> memref<16x128xi32, #tpu.memory_space<vmem>>
      %dma_start3A_51 = arith.constant 0 : i32
      %dma_start3A_52 = arith.constant 0 : i32
      %dma_start3A_53 = tpu.memref_slice %arg4[%add3A, %dma_start3A_51, %dma_start3A_52] : memref<32x80x128xi32, #tpu.memory_space<hbm>> -> memref<1x16x128xi32, #tpu.memory_space<hbm>>
      %dma_start3A_54 = tpu.memref_squeeze %dma_start3A_53 : memref<1x16x128xi32, #tpu.memory_space<hbm>> -> memref<16x128xi32, #tpu.memory_space<hbm>>
      %dma_start3A_55 = arith.constant 0 : i32
      %dma_start3A_56 = arith.constant 0 : i32
      %dma_start3A_57 = tpu.memref_slice %arg9[%run_scoped3A_3, %dma_start3A_55, %dma_start3A_56] : memref<2x16x128xi32, #tpu.memory_space<vmem>> -> memref<1x16x128xi32, #tpu.memory_space<vmem>>
      %dma_start3A_58 = tpu.memref_squeeze %dma_start3A_57 : memref<1x16x128xi32, #tpu.memory_space<vmem>> -> memref<16x128xi32, #tpu.memory_space<vmem>>
      %dma_start3A_59 = arith.constant 0 : i32
      %dma_start3A_60 = arith.constant 0 : i32
      %dma_start3A_61 = tpu.memref_slice %arg4[%add3A, %dma_start3A_59, %dma_start3A_60] : memref<32x80x128xi32, #tpu.memory_space<hbm>> -> memref<1x16x128xi32, #tpu.memory_space<hbm>>
      %dma_start3A_62 = tpu.memref_squeeze %dma_start3A_61 : memref<1x16x128xi32, #tpu.memory_space<hbm>> -> memref<16x128xi32, #tpu.memory_space<hbm>>
      tpu.enqueue_dma source(%dma_start3A_62 : memref<16x128xi32, #tpu.memory_space<hbm>>) target(%dma_start3A_58 : memref<16x128xi32, #tpu.memory_space<vmem>>) target_semaphore(%run_scoped3A_46 : memref<!tpu.dma_semaphore, #tpu.memory_space<semaphore_mem>>)
      %dma_wait3A_63 = arith.constant 0 : i32
      %dma_wait3A_64 = arith.constant 0 : i32
      %dma_wait3A_65 = tpu.memref_slice %arg9[%run_scoped3A_3, %dma_wait3A_63, %dma_wait3A_64] : memref<2x16x128xi32, #tpu.memory_space<vmem>> -> memref<1x16x128xi32, #tpu.memory_space<vmem>>
      %dma_wait3A_66 = tpu.memref_squeeze %dma_wait3A_65 : memref<1x16x128xi32, #tpu.memory_space<vmem>> -> memref<16x128xi32, #tpu.memory_space<vmem>>
      %dma_wait3A_67 = arith.constant 0 : i32
      %dma_wait3A_68 = arith.constant 0 : i32
      %dma_wait3A_69 = tpu.memref_slice %arg4[%add3A, %dma_wait3A_67, %dma_wait3A_68] : memref<32x80x128xi32, #tpu.memory_space<hbm>> -> memref<1x16x128xi32, #tpu.memory_space<hbm>>
      %dma_wait3A_70 = tpu.memref_squeeze %dma_wait3A_69 : memref<1x16x128xi32, #tpu.memory_space<hbm>> -> memref<16x128xi32, #tpu.memory_space<hbm>>
      %dma_wait3A_71 = arith.constant 0 : i32
      %dma_wait3A_72 = arith.constant 0 : i32
      %dma_wait3A_73 = tpu.memref_slice %arg9[%run_scoped3A_3, %dma_wait3A_71, %dma_wait3A_72] : memref<2x16x128xi32, #tpu.memory_space<vmem>> -> memref<1x16x128xi32, #tpu.memory_space<vmem>>
      %dma_wait3A_74 = tpu.memref_squeeze %dma_wait3A_73 : memref<1x16x128xi32, #tpu.memory_space<vmem>> -> memref<16x128xi32, #tpu.memory_space<vmem>>
      %dma_wait3A_75 = arith.constant 0 : i32
      %dma_wait3A_76 = arith.constant 0 : i32
      %dma_wait3A_77 = tpu.memref_slice %arg4[%add3A, %dma_wait3A_75, %dma_wait3A_76] : memref<32x80x128xi32, #tpu.memory_space<hbm>> -> memref<1x16x128xi32, #tpu.memory_space<hbm>>
      %dma_wait3A_78 = tpu.memref_squeeze %dma_wait3A_77 : memref<1x16x128xi32, #tpu.memory_space<hbm>> -> memref<16x128xi32, #tpu.memory_space<hbm>>
      tpu.wait_dma2 semaphore(%run_scoped3A_46 : memref<!tpu.dma_semaphore, #tpu.memory_space<semaphore_mem>>) src(%dma_wait3A_78 : memref<16x128xi32, #tpu.memory_space<hbm>>) dst(%dma_wait3A_74 : memref<16x128xi32, #tpu.memory_space<vmem>>)
      tpu.yield
    }) : () -> ()
    %barrier3A = arith.constant 0 : index
    tpu.barrier barrier_id(%barrier3A)
    %dma_start3A = arith.constant 0 : i32
    %dma_start3A_4 = arith.constant 0 : i32
    %dma_start3A_5 = arith.constant 0 : i32
    %dma_start3A_6 = arith.constant 0 : i32
    %dma_start3A_7 = arith.constant 0 : i32
    %dma_start3A_8 = tpu.memref_slice %arg10[%dma_start3A_5, %dma_start3A_6, %dma_start3A_7] : memref<2x128x128xf32, #tpu.memory_space<vmem>> -> memref<1x128x128xf32, #tpu.memory_space<vmem>>
    %dma_start3A_9 = tpu.memref_squeeze %dma_start3A_8 : memref<1x128x128xf32, #tpu.memory_space<vmem>> -> memref<128x128xf32, #tpu.memory_space<vmem>>
    %dma_start3A_10 = arith.constant 0 : i32
    %dma_start3A_11 = tpu.memref_slice %arg8[%dma_start3A, %dma_start3A_4, %dma_start3A_10] : memref<2x16x128xi32, #tpu.memory_space<vmem>> -> memref<1x1x128xi32, #tpu.memory_space<vmem>>
    %dma_start3A_12 = tpu.memref_squeeze %dma_start3A_11 : memref<1x1x128xi32, #tpu.memory_space<vmem>> -> memref<128xi32, #tpu.memory_space<vmem>>
    %dma_start3A_13 = arith.constant 0 : i32
    %dma_start3A_14 = arith.constant 0 : i32
    %dma_start3A_15 = tpu.memref_slice %arg2[%dma_start3A_13, %dma_start3A_14] : memref<10240x128xf32, #tpu.memory_space<hbm>> -> memref<10240x128xf32, #tpu.memory_space<hbm>>
    tpu.enqueue_indirect_dma source(%dma_start3A_15 : memref<10240x128xf32, #tpu.memory_space<hbm>>) target(%dma_start3A_9 : memref<128x128xf32, #tpu.memory_space<vmem>>) offsets(%dma_start3A_12 : memref<128xi32, #tpu.memory_space<vmem>>) semaphore(%arg11 : memref<!tpu.dma_semaphore, #tpu.memory_space<semaphore_mem>>)
    %scan3A = arith.constant 0 : i32
    %scan3A_16 = arith.constant 5 : i32
    %scan3A_17 = arith.addi %scan3A, %scan3A_16 : i32
    %scan3A_18 = arith.constant 1 : i32
    scf.for %scan3A_46 = %scan3A to %scan3A_17 step %scan3A_18  : i32 {
      %mul3A_47 = arith.constant 1 : i32
      %mul3A_48 = arith.muli %scan3A_46, %mul3A_47 : i32
      %add3A_49 = arith.constant 0 : i32
      %add3A_50 = arith.addi %add3A_49, %mul3A_48 : i32
      %rem3A = arith.constant 2 : i32
      %rem3A_51 = arith.remsi %add3A_50, %rem3A : i32
      %add3A_52 = arith.constant 1 : i32
      %add3A_53 = arith.addi %add3A_50, %add3A_52 : i32
      %rem3A_54 = arith.constant 2 : i32
      %rem3A_55 = arith.remsi %add3A_53, %rem3A_54 : i32
      %add3A_56 = arith.constant 1 : i32
      %add3A_57 = arith.addi %add3A_50, %add3A_56 : i32
      %mul3A_58 = arith.constant 16 : i32
      %mul3A_59 = arith.muli %add3A_57, %mul3A_58 : i32
      %multiple_of3A_60 = tpu.assume_multiple %mul3A_59, 16 : i32
      %lt3A = arith.constant 4 : i32
      %lt3A_61 = arith.cmpi slt, %add3A_50, %lt3A : i32
      %convert_element_type3A = arith.extui %lt3A_61 : i1 to i32
      %cond3A = arith.constant 0 : i32
      %cond3A_62 = arith.cmpi ne, %convert_element_type3A, %cond3A : i32
      scf.if %cond3A_62 {
        %dma_start3A_804 = arith.constant 0 : i32
        %dma_start3A_805 = arith.constant 0 : i32
        %dma_start3A_806 = tpu.memref_slice %arg8[%rem3A_55, %dma_start3A_804, %dma_start3A_805] : memref<2x16x128xi32, #tpu.memory_space<vmem>> -> memref<1x16x128xi32, #tpu.memory_space<vmem>>
        %dma_start3A_807 = tpu.memref_squeeze %dma_start3A_806 : memref<1x16x128xi32, #tpu.memory_space<vmem>> -> memref<16x128xi32, #tpu.memory_space<vmem>>
        %dma_start3A_808 = arith.constant 0 : i32
        %dma_start3A_809 = tpu.memref_slice %arg3[%add3A, %multiple_of3A_60, %dma_start3A_808] : memref<32x80x128xi32, #tpu.memory_space<hbm>> -> memref<1x16x128xi32, #tpu.memory_space<hbm>>
        %dma_start3A_810 = tpu.memref_squeeze %dma_start3A_809 : memref<1x16x128xi32, #tpu.memory_space<hbm>> -> memref<16x128xi32, #tpu.memory_space<hbm>>
        %dma_start3A_811 = arith.constant 0 : i32
        %dma_start3A_812 = arith.constant 0 : i32
        %dma_start3A_813 = tpu.memref_slice %arg8[%rem3A_55, %dma_start3A_811, %dma_start3A_812] : memref<2x16x128xi32, #tpu.memory_space<vmem>> -> memref<1x16x128xi32, #tpu.memory_space<vmem>>
        %dma_start3A_814 = tpu.memref_squeeze %dma_start3A_813 : memref<1x16x128xi32, #tpu.memory_space<vmem>> -> memref<16x128xi32, #tpu.memory_space<vmem>>
        %dma_start3A_815 = arith.constant 0 : i32
        %dma_start3A_816 = tpu.memref_slice %arg3[%add3A, %multiple_of3A_60, %dma_start3A_815] : memref<32x80x128xi32, #tpu.memory_space<hbm>> -> memref<1x16x128xi32, #tpu.memory_space<hbm>>
        %dma_start3A_817 = tpu.memref_squeeze %dma_start3A_816 : memref<1x16x128xi32, #tpu.memory_space<hbm>> -> memref<16x128xi32, #tpu.memory_space<hbm>>
        tpu.enqueue_dma source(%dma_start3A_817 : memref<16x128xi32, #tpu.memory_space<hbm>>) target(%dma_start3A_814 : memref<16x128xi32, #tpu.memory_space<vmem>>) target_semaphore(%arg15 : memref<!tpu.dma_semaphore, #tpu.memory_space<semaphore_mem>>)
        %dma_start3A_818 = arith.constant 0 : i32
        %dma_start3A_819 = arith.constant 0 : i32
        %dma_start3A_820 = tpu.memref_slice %arg9[%rem3A_55, %dma_start3A_818, %dma_start3A_819] : memref<2x16x128xi32, #tpu.memory_space<vmem>> -> memref<1x16x128xi32, #tpu.memory_space<vmem>>
        %dma_start3A_821 = tpu.memref_squeeze %dma_start3A_820 : memref<1x16x128xi32, #tpu.memory_space<vmem>> -> memref<16x128xi32, #tpu.memory_space<vmem>>
        %dma_start3A_822 = arith.constant 0 : i32
        %dma_start3A_823 = tpu.memref_slice %arg4[%add3A, %multiple_of3A_60, %dma_start3A_822] : memref<32x80x128xi32, #tpu.memory_space<hbm>> -> memref<1x16x128xi32, #tpu.memory_space<hbm>>
        %dma_start3A_824 = tpu.memref_squeeze %dma_start3A_823 : memref<1x16x128xi32, #tpu.memory_space<hbm>> -> memref<16x128xi32, #tpu.memory_space<hbm>>
        %dma_start3A_825 = arith.constant 0 : i32
        %dma_start3A_826 = arith.constant 0 : i32
        %dma_start3A_827 = tpu.memref_slice %arg9[%rem3A_55, %dma_start3A_825, %dma_start3A_826] : memref<2x16x128xi32, #tpu.memory_space<vmem>> -> memref<1x16x128xi32, #tpu.memory_space<vmem>>
        %dma_start3A_828 = tpu.memref_squeeze %dma_start3A_827 : memref<1x16x128xi32, #tpu.memory_space<vmem>> -> memref<16x128xi32, #tpu.memory_space<vmem>>
        %dma_start3A_829 = arith.constant 0 : i32
        %dma_start3A_830 = tpu.memref_slice %arg4[%add3A, %multiple_of3A_60, %dma_start3A_829] : memref<32x80x128xi32, #tpu.memory_space<hbm>> -> memref<1x16x128xi32, #tpu.memory_space<hbm>>
        %dma_start3A_831 = tpu.memref_squeeze %dma_start3A_830 : memref<1x16x128xi32, #tpu.memory_space<hbm>> -> memref<16x128xi32, #tpu.memory_space<hbm>>
        tpu.enqueue_dma source(%dma_start3A_831 : memref<16x128xi32, #tpu.memory_space<hbm>>) target(%dma_start3A_828 : memref<16x128xi32, #tpu.memory_space<vmem>>) target_semaphore(%arg16 : memref<!tpu.dma_semaphore, #tpu.memory_space<semaphore_mem>>)
      } else {
      }
      %dma_wait3A_63 = arith.constant 0 : i32
      %dma_wait3A_64 = arith.constant 0 : i32
      %dma_wait3A_65 = arith.constant 0 : i32
      %dma_wait3A_66 = arith.constant 0 : i32
      %dma_wait3A_67 = tpu.memref_slice %arg10[%dma_wait3A_64, %dma_wait3A_65, %dma_wait3A_66] : memref<2x128x128xf32, #tpu.memory_space<vmem>> -> memref<1x128x128xf32, #tpu.memory_space<vmem>>
      %dma_wait3A_68 = tpu.memref_squeeze %dma_wait3A_67 : memref<1x128x128xf32, #tpu.memory_space<vmem>> -> memref<128x128xf32, #tpu.memory_space<vmem>>
      %dma_wait3A_69 = arith.constant 0 : i32
      %dma_wait3A_70 = tpu.memref_slice %arg8[%rem3A_51, %dma_wait3A_63, %dma_wait3A_69] : memref<2x16x128xi32, #tpu.memory_space<vmem>> -> memref<1x1x128xi32, #tpu.memory_space<vmem>>
      %dma_wait3A_71 = tpu.memref_squeeze %dma_wait3A_70 : memref<1x1x128xi32, #tpu.memory_space<vmem>> -> memref<128xi32, #tpu.memory_space<vmem>>
      %dma_wait3A_72 = arith.constant 0 : i32
      %dma_wait3A_73 = arith.constant 0 : i32
      %dma_wait3A_74 = tpu.memref_slice %arg2[%dma_wait3A_72, %dma_wait3A_73] : memref<10240x128xf32, #tpu.memory_space<hbm>> -> memref<10240x128xf32, #tpu.memory_space<hbm>>
      tpu.wait_indirect_dma semaphore(%arg11 : memref<!tpu.dma_semaphore, #tpu.memory_space<semaphore_mem>>) src(%dma_wait3A_74 : memref<10240x128xf32, #tpu.memory_space<hbm>>) dst(%dma_wait3A_68 : memref<128x128xf32, #tpu.memory_space<vmem>>)
      %dma_start3A_75 = arith.constant 0 : i32
      %dma_start3A_76 = arith.constant 0 : i32
      %dma_start3A_77 = arith.constant 0 : i32
      %dma_start3A_78 = arith.constant 0 : i32
      %dma_start3A_79 = tpu.memref_slice %arg10[%dma_start3A_75, %dma_start3A_77, %dma_start3A_78] : memref<2x128x128xf32, #tpu.memory_space<vmem>> -> memref<1x128x128xf32, #tpu.memory_space<vmem>>
      %dma_start3A_80 = tpu.memref_squeeze %dma_start3A_79 : memref<1x128x128xf32, #tpu.memory_space<vmem>> -> memref<128x128xf32, #tpu.memory_space<vmem>>
      %dma_start3A_81 = arith.constant 0 : i32
      %dma_start3A_82 = tpu.memref_slice %arg9[%rem3A_51, %dma_start3A_76, %dma_start3A_81] : memref<2x16x128xi32, #tpu.memory_space<vmem>> -> memref<1x1x128xi32, #tpu.memory_space<vmem>>
      %dma_start3A_83 = tpu.memref_squeeze %dma_start3A_82 : memref<1x1x128xi32, #tpu.memory_space<vmem>> -> memref<128xi32, #tpu.memory_space<vmem>>
      %dma_start3A_84 = arith.constant 0 : i32
      %dma_start3A_85 = arith.constant 0 : i32
      %dma_start3A_86 = tpu.memref_slice %arg7[%dma_start3A_84, %dma_start3A_85] : memref<10240x128xf32, #tpu.memory_space<vmem_shared>> -> memref<10240x128xf32, #tpu.memory_space<vmem_shared>>
      tpu.enqueue_indirect_dma source(%dma_start3A_80 : memref<128x128xf32, #tpu.memory_space<vmem>>) target(%dma_start3A_86 : memref<10240x128xf32, #tpu.memory_space<vmem_shared>>) offsets(%dma_start3A_83 : memref<128xi32, #tpu.memory_space<vmem>>) semaphore(%arg13 : memref<!tpu.dma_semaphore, #tpu.memory_space<semaphore_mem>>) {add = true}
      %gt3A = arith.constant 0 : i32
      %gt3A_87 = arith.cmpi sgt, %add3A_50, %gt3A : i32
      %convert_element_type3A_88 = arith.extui %gt3A_87 : i1 to i32
      %cond3A_89 = arith.constant 0 : i32
      %cond3A_90 = arith.cmpi ne, %convert_element_type3A_88, %cond3A_89 : i32
      scf.if %cond3A_90 {
        %dma_wait3A_804 = arith.constant 1 : i32
        %dma_wait3A_805 = arith.constant 0 : i32
        %dma_wait3A_806 = arith.constant 0 : i32
        %dma_wait3A_807 = arith.constant 0 : i32
        %dma_wait3A_808 = tpu.memref_slice %arg10[%dma_wait3A_804, %dma_wait3A_806, %dma_wait3A_807] : memref<2x128x128xf32, #tpu.memory_space<vmem>> -> memref<1x128x128xf32, #tpu.memory_space<vmem>>
        %dma_wait3A_809 = tpu.memref_squeeze %dma_wait3A_808 : memref<1x128x128xf32, #tpu.memory_space<vmem>> -> memref<128x128xf32, #tpu.memory_space<vmem>>
        %dma_wait3A_810 = arith.constant 0 : i32
        %dma_wait3A_811 = tpu.memref_slice %arg9[%rem3A_51, %dma_wait3A_805, %dma_wait3A_810] : memref<2x16x128xi32, #tpu.memory_space<vmem>> -> memref<1x1x128xi32, #tpu.memory_space<vmem>>
        %dma_wait3A_812 = tpu.memref_squeeze %dma_wait3A_811 : memref<1x1x128xi32, #tpu.memory_space<vmem>> -> memref<128xi32, #tpu.memory_space<vmem>>
        %dma_wait3A_813 = arith.constant 0 : i32
        %dma_wait3A_814 = arith.constant 0 : i32
        %dma_wait3A_815 = tpu.memref_slice %arg7[%dma_wait3A_813, %dma_wait3A_814] : memref<10240x128xf32, #tpu.memory_space<vmem_shared>> -> memref<10240x128xf32, #tpu.memory_space<vmem_shared>>
        tpu.wait_indirect_dma semaphore(%arg14 : memref<!tpu.dma_semaphore, #tpu.memory_space<semaphore_mem>>) src(%dma_wait3A_809 : memref<128x128xf32, #tpu.memory_space<vmem>>) dst(%dma_wait3A_815 : memref<10240x128xf32, #tpu.memory_space<vmem_shared>>)
      } else {
      }
      %dma_start3A_91 = arith.constant 1 : i32
      %dma_start3A_92 = arith.constant 1 : i32
      %dma_start3A_93 = arith.constant 0 : i32
      %dma_start3A_94 = arith.constant 0 : i32
      %dma_start3A_95 = tpu.memref_slice %arg10[%dma_start3A_92, %dma_start3A_93, %dma_start3A_94] : memref<2x128x128xf32, #tpu.memory_space<vmem>> -> memref<1x128x128xf32, #tpu.memory_space<vmem>>
      %dma_start3A_96 = tpu.memref_squeeze %dma_start3A_95 : memref<1x128x128xf32, #tpu.memory_space<vmem>> -> memref<128x128xf32, #tpu.memory_space<vmem>>
      %dma_start3A_97 = arith.constant 0 : i32
      %dma_start3A_98 = tpu.memref_slice %arg8[%rem3A_51, %dma_start3A_91, %dma_start3A_97] : memref<2x16x128xi32, #tpu.memory_space<vmem>> -> memref<1x1x128xi32, #tpu.memory_space<vmem>>
      %dma_start3A_99 = tpu.memref_squeeze %dma_start3A_98 : memref<1x1x128xi32, #tpu.memory_space<vmem>> -> memref<128xi32, #tpu.memory_space<vmem>>
      %dma_start3A_100 = arith.constant 0 : i32
      %dma_start3A_101 = arith.constant 0 : i32
      %dma_start3A_102 = tpu.memref_slice %arg2[%dma_start3A_100, %dma_start3A_101] : memref<10240x128xf32, #tpu.memory_space<hbm>> -> memref<10240x128xf32, #tpu.memory_space<hbm>>
      tpu.enqueue_indirect_dma source(%dma_start3A_102 : memref<10240x128xf32, #tpu.memory_space<hbm>>) target(%dma_start3A_96 : memref<128x128xf32, #tpu.memory_space<vmem>>) offsets(%dma_start3A_99 : memref<128xi32, #tpu.memory_space<vmem>>) semaphore(%arg12 : memref<!tpu.dma_semaphore, #tpu.memory_space<semaphore_mem>>)
      %dma_wait3A_103 = arith.constant 1 : i32
      %dma_wait3A_104 = arith.constant 1 : i32
      %dma_wait3A_105 = arith.constant 0 : i32
      %dma_wait3A_106 = arith.constant 0 : i32
      %dma_wait3A_107 = tpu.memref_slice %arg10[%dma_wait3A_104, %dma_wait3A_105, %dma_wait3A_106] : memref<2x128x128xf32, #tpu.memory_space<vmem>> -> memref<1x128x128xf32, #tpu.memory_space<vmem>>
      %dma_wait3A_108 = tpu.memref_squeeze %dma_wait3A_107 : memref<1x128x128xf32, #tpu.memory_space<vmem>> -> memref<128x128xf32, #tpu.memory_space<vmem>>
      %dma_wait3A_109 = arith.constant 0 : i32
      %dma_wait3A_110 = tpu.memref_slice %arg8[%rem3A_51, %dma_wait3A_103, %dma_wait3A_109] : memref<2x16x128xi32, #tpu.memory_space<vmem>> -> memref<1x1x128xi32, #tpu.memory_space<vmem>>
      %dma_wait3A_111 = tpu.memref_squeeze %dma_wait3A_110 : memref<1x1x128xi32, #tpu.memory_space<vmem>> -> memref<128xi32, #tpu.memory_space<vmem>>
      %dma_wait3A_112 = arith.constant 0 : i32
      %dma_wait3A_113 = arith.constant 0 : i32
      %dma_wait3A_114 = tpu.memref_slice %arg2[%dma_wait3A_112, %dma_wait3A_113] : memref<10240x128xf32, #tpu.memory_space<hbm>> -> memref<10240x128xf32, #tpu.memory_space<hbm>>
      tpu.wait_indirect_dma semaphore(%arg12 : memref<!tpu.dma_semaphore, #tpu.memory_space<semaphore_mem>>) src(%dma_wait3A_114 : memref<10240x128xf32, #tpu.memory_space<hbm>>) dst(%dma_wait3A_108 : memref<128x128xf32, #tpu.memory_space<vmem>>)
      %dma_start3A_115 = arith.constant 1 : i32
      %dma_start3A_116 = arith.constant 1 : i32
      %dma_start3A_117 = arith.constant 0 : i32
      %dma_start3A_118 = arith.constant 0 : i32
      %dma_start3A_119 = tpu.memref_slice %arg10[%dma_start3A_115, %dma_start3A_117, %dma_start3A_118] : memref<2x128x128xf32, #tpu.memory_space<vmem>> -> memref<1x128x128xf32, #tpu.memory_space<vmem>>
      %dma_start3A_120 = tpu.memref_squeeze %dma_start3A_119 : memref<1x128x128xf32, #tpu.memory_space<vmem>> -> memref<128x128xf32, #tpu.memory_space<vmem>>
      %dma_start3A_121 = arith.constant 0 : i32
      %dma_start3A_122 = tpu.memref_slice %arg9[%rem3A_51, %dma_start3A_116, %dma_start3A_121] : memref<2x16x128xi32, #tpu.memory_space<vmem>> -> memref<1x1x128xi32, #tpu.memory_space<vmem>>
      %dma_start3A_123 = tpu.memref_squeeze %dma_start3A_122 : memref<1x1x128xi32, #tpu.memory_space<vmem>> -> memref<128xi32, #tpu.memory_space<vmem>>
      %dma_start3A_124 = arith.constant 0 : i32
      %dma_start3A_125 = arith.constant 0 : i32
      %dma_start3A_126 = tpu.memref_slice %arg7[%dma_start3A_124, %dma_start3A_125] : memref<10240x128xf32, #tpu.memory_space<vmem_shared>> -> memref<10240x128xf32, #tpu.memory_space<vmem_shared>>
      tpu.enqueue_indirect_dma source(%dma_start3A_120 : memref<128x128xf32, #tpu.memory_space<vmem>>) target(%dma_start3A_126 : memref<10240x128xf32, #tpu.memory_space<vmem_shared>>) offsets(%dma_start3A_123 : memref<128xi32, #tpu.memory_space<vmem>>) semaphore(%arg14 : memref<!tpu.dma_semaphore, #tpu.memory_space<semaphore_mem>>) {add = true}
      %dma_wait3A_127 = arith.constant 0 : i32
      %dma_wait3A_128 = arith.constant 1 : i32
      %dma_wait3A_129 = arith.constant 0 : i32
      %dma_wait3A_130 = arith.constant 0 : i32
      %dma_wait3A_131 = tpu.memref_slice %arg10[%dma_wait3A_127, %dma_wait3A_129, %dma_wait3A_130] : memref<2x128x128xf32, #tpu.memory_space<vmem>> -> memref<1x128x128xf32, #tpu.memory_space<vmem>>
      %dma_wait3A_132 = tpu.memref_squeeze %dma_wait3A_131 : memref<1x128x128xf32, #tpu.memory_space<vmem>> -> memref<128x128xf32, #tpu.memory_space<vmem>>
      %dma_wait3A_133 = arith.constant 0 : i32
      %dma_wait3A_134 = tpu.memref_slice %arg9[%rem3A_51, %dma_wait3A_128, %dma_wait3A_133] : memref<2x16x128xi32, #tpu.memory_space<vmem>> -> memref<1x1x128xi32, #tpu.memory_space<vmem>>
      %dma_wait3A_135 = tpu.memref_squeeze %dma_wait3A_134 : memref<1x1x128xi32, #tpu.memory_space<vmem>> -> memref<128xi32, #tpu.memory_space<vmem>>
      %dma_wait3A_136 = arith.constant 0 : i32
      %dma_wait3A_137 = arith.constant 0 : i32
      %dma_wait3A_138 = tpu.memref_slice %arg7[%dma_wait3A_136, %dma_wait3A_137] : memref<10240x128xf32, #tpu.memory_space<vmem_shared>> -> memref<10240x128xf32, #tpu.memory_space<vmem_shared>>
      tpu.wait_indirect_dma semaphore(%arg13 : memref<!tpu.dma_semaphore, #tpu.memory_space<semaphore_mem>>) src(%dma_wait3A_132 : memref<128x128xf32, #tpu.memory_space<vmem>>) dst(%dma_wait3A_138 : memref<10240x128xf32, #tpu.memory_space<vmem_shared>>)
      %dma_start3A_139 = arith.constant 2 : i32
      %dma_start3A_140 = arith.constant 0 : i32
      %dma_start3A_141 = arith.constant 0 : i32
      %dma_start3A_142 = arith.constant 0 : i32
      %dma_start3A_143 = tpu.memref_slice %arg10[%dma_start3A_140, %dma_start3A_141, %dma_start3A_142] : memref<2x128x128xf32, #tpu.memory_space<vmem>> -> memref<1x128x128xf32, #tpu.memory_space<vmem>>
      %dma_start3A_144 = tpu.memref_squeeze %dma_start3A_143 : memref<1x128x128xf32, #tpu.memory_space<vmem>> -> memref<128x128xf32, #tpu.memory_space<vmem>>
      %dma_start3A_145 = arith.constant 0 : i32
      %dma_start3A_146 = tpu.memref_slice %arg8[%rem3A_51, %dma_start3A_139, %dma_start3A_145] : memref<2x16x128xi32, #tpu.memory_space<vmem>> -> memref<1x1x128xi32, #tpu.memory_space<vmem>>
      %dma_start3A_147 = tpu.memref_squeeze %dma_start3A_146 : memref<1x1x128xi32, #tpu.memory_space<vmem>> -> memref<128xi32, #tpu.memory_space<vmem>>
      %dma_start3A_148 = arith.constant 0 : i32
      %dma_start3A_149 = arith.constant 0 : i32
      %dma_start3A_150 = tpu.memref_slice %arg2[%dma_start3A_148, %dma_start3A_149] : memref<10240x128xf32, #tpu.memory_space<hbm>> -> memref<10240x128xf32, #tpu.memory_space<hbm>>
      tpu.enqueue_indirect_dma source(%dma_start3A_150 : memref<10240x128xf32, #tpu.memory_space<hbm>>) target(%dma_start3A_144 : memref<128x128xf32, #tpu.memory_space<vmem>>) offsets(%dma_start3A_147 : memref<128xi32, #tpu.memory_space<vmem>>) semaphore(%arg11 : memref<!tpu.dma_semaphore, #tpu.memory_space<semaphore_mem>>)
      %dma_wait3A_151 = arith.constant 2 : i32
      %dma_wait3A_152 = arith.constant 0 : i32
      %dma_wait3A_153 = arith.constant 0 : i32
      %dma_wait3A_154 = arith.constant 0 : i32
      %dma_wait3A_155 = tpu.memref_slice %arg10[%dma_wait3A_152, %dma_wait3A_153, %dma_wait3A_154] : memref<2x128x128xf32, #tpu.memory_space<vmem>> -> memref<1x128x128xf32, #tpu.memory_space<vmem>>
      %dma_wait3A_156 = tpu.memref_squeeze %dma_wait3A_155 : memref<1x128x128xf32, #tpu.memory_space<vmem>> -> memref<128x128xf32, #tpu.memory_space<vmem>>
      %dma_wait3A_157 = arith.constant 0 : i32
      %dma_wait3A_158 = tpu.memref_slice %arg8[%rem3A_51, %dma_wait3A_151, %dma_wait3A_157] : memref<2x16x128xi32, #tpu.memory_space<vmem>> -> memref<1x1x128xi32, #tpu.memory_space<vmem>>
      %dma_wait3A_159 = tpu.memref_squeeze %dma_wait3A_158 : memref<1x1x128xi32, #tpu.memory_space<vmem>> -> memref<128xi32, #tpu.memory_space<vmem>>
      %dma_wait3A_160 = arith.constant 0 : i32
      %dma_wait3A_161 = arith.constant 0 : i32
      %dma_wait3A_162 = tpu.memref_slice %arg2[%dma_wait3A_160, %dma_wait3A_161] : memref<10240x128xf32, #tpu.memory_space<hbm>> -> memref<10240x128xf32, #tpu.memory_space<hbm>>
      tpu.wait_indirect_dma semaphore(%arg11 : memref<!tpu.dma_semaphore, #tpu.memory_space<semaphore_mem>>) src(%dma_wait3A_162 : memref<10240x128xf32, #tpu.memory_space<hbm>>) dst(%dma_wait3A_156 : memref<128x128xf32, #tpu.memory_space<vmem>>)
      %dma_start3A_163 = arith.constant 0 : i32
      %dma_start3A_164 = arith.constant 2 : i32
      %dma_start3A_165 = arith.constant 0 : i32
      %dma_start3A_166 = arith.constant 0 : i32
      %dma_start3A_167 = tpu.memref_slice %arg10[%dma_start3A_163, %dma_start3A_165, %dma_start3A_166] : memref<2x128x128xf32, #tpu.memory_space<vmem>> -> memref<1x128x128xf32, #tpu.memory_space<vmem>>
      %dma_start3A_168 = tpu.memref_squeeze %dma_start3A_167 : memref<1x128x128xf32, #tpu.memory_space<vmem>> -> memref<128x128xf32, #tpu.memory_space<vmem>>
      %dma_start3A_169 = arith.constant 0 : i32
      %dma_start3A_170 = tpu.memref_slice %arg9[%rem3A_51, %dma_start3A_164, %dma_start3A_169] : memref<2x16x128xi32, #tpu.memory_space<vmem>> -> memref<1x1x128xi32, #tpu.memory_space<vmem>>
      %dma_start3A_171 = tpu.memref_squeeze %dma_start3A_170 : memref<1x1x128xi32, #tpu.memory_space<vmem>> -> memref<128xi32, #tpu.memory_space<vmem>>
      %dma_start3A_172 = arith.constant 0 : i32
      %dma_start3A_173 = arith.constant 0 : i32
      %dma_start3A_174 = tpu.memref_slice %arg7[%dma_start3A_172, %dma_start3A_173] : memref<10240x128xf32, #tpu.memory_space<vmem_shared>> -> memref<10240x128xf32, #tpu.memory_space<vmem_shared>>
      tpu.enqueue_indirect_dma source(%dma_start3A_168 : memref<128x128xf32, #tpu.memory_space<vmem>>) target(%dma_start3A_174 : memref<10240x128xf32, #tpu.memory_space<vmem_shared>>) offsets(%dma_start3A_171 : memref<128xi32, #tpu.memory_space<vmem>>) semaphore(%arg13 : memref<!tpu.dma_semaphore, #tpu.memory_space<semaphore_mem>>) {add = true}
      %dma_wait3A_175 = arith.constant 1 : i32
      %dma_wait3A_176 = arith.constant 2 : i32
      %dma_wait3A_177 = arith.constant 0 : i32
      %dma_wait3A_178 = arith.constant 0 : i32
      %dma_wait3A_179 = tpu.memref_slice %arg10[%dma_wait3A_175, %dma_wait3A_177, %dma_wait3A_178] : memref<2x128x128xf32, #tpu.memory_space<vmem>> -> memref<1x128x128xf32, #tpu.memory_space<vmem>>
      %dma_wait3A_180 = tpu.memref_squeeze %dma_wait3A_179 : memref<1x128x128xf32, #tpu.memory_space<vmem>> -> memref<128x128xf32, #tpu.memory_space<vmem>>
      %dma_wait3A_181 = arith.constant 0 : i32
      %dma_wait3A_182 = tpu.memref_slice %arg9[%rem3A_51, %dma_wait3A_176, %dma_wait3A_181] : memref<2x16x128xi32, #tpu.memory_space<vmem>> -> memref<1x1x128xi32, #tpu.memory_space<vmem>>
      %dma_wait3A_183 = tpu.memref_squeeze %dma_wait3A_182 : memref<1x1x128xi32, #tpu.memory_space<vmem>> -> memref<128xi32, #tpu.memory_space<vmem>>
      %dma_wait3A_184 = arith.constant 0 : i32
      %dma_wait3A_185 = arith.constant 0 : i32
      %dma_wait3A_186 = tpu.memref_slice %arg7[%dma_wait3A_184, %dma_wait3A_185] : memref<10240x128xf32, #tpu.memory_space<vmem_shared>> -> memref<10240x128xf32, #tpu.memory_space<vmem_shared>>
      tpu.wait_indirect_dma semaphore(%arg14 : memref<!tpu.dma_semaphore, #tpu.memory_space<semaphore_mem>>) src(%dma_wait3A_180 : memref<128x128xf32, #tpu.memory_space<vmem>>) dst(%dma_wait3A_186 : memref<10240x128xf32, #tpu.memory_space<vmem_shared>>)
      %dma_start3A_187 = arith.constant 3 : i32
      %dma_start3A_188 = arith.constant 1 : i32
      %dma_start3A_189 = arith.constant 0 : i32
      %dma_start3A_190 = arith.constant 0 : i32
      %dma_start3A_191 = tpu.memref_slice %arg10[%dma_start3A_188, %dma_start3A_189, %dma_start3A_190] : memref<2x128x128xf32, #tpu.memory_space<vmem>> -> memref<1x128x128xf32, #tpu.memory_space<vmem>>
      %dma_start3A_192 = tpu.memref_squeeze %dma_start3A_191 : memref<1x128x128xf32, #tpu.memory_space<vmem>> -> memref<128x128xf32, #tpu.memory_space<vmem>>
      %dma_start3A_193 = arith.constant 0 : i32
      %dma_start3A_194 = tpu.memref_slice %arg8[%rem3A_51, %dma_start3A_187, %dma_start3A_193] : memref<2x16x128xi32, #tpu.memory_space<vmem>> -> memref<1x1x128xi32, #tpu.memory_space<vmem>>
      %dma_start3A_195 = tpu.memref_squeeze %dma_start3A_194 : memref<1x1x128xi32, #tpu.memory_space<vmem>> -> memref<128xi32, #tpu.memory_space<vmem>>
      %dma_start3A_196 = arith.constant 0 : i32
      %dma_start3A_197 = arith.constant 0 : i32
      %dma_start3A_198 = tpu.memref_slice %arg2[%dma_start3A_196, %dma_start3A_197] : memref<10240x128xf32, #tpu.memory_space<hbm>> -> memref<10240x128xf32, #tpu.memory_space<hbm>>
      tpu.enqueue_indirect_dma source(%dma_start3A_198 : memref<10240x128xf32, #tpu.memory_space<hbm>>) target(%dma_start3A_192 : memref<128x128xf32, #tpu.memory_space<vmem>>) offsets(%dma_start3A_195 : memref<128xi32, #tpu.memory_space<vmem>>) semaphore(%arg12 : memref<!tpu.dma_semaphore, #tpu.memory_space<semaphore_mem>>)
      %dma_wait3A_199 = arith.constant 3 : i32
      %dma_wait3A_200 = arith.constant 1 : i32
      %dma_wait3A_201 = arith.constant 0 : i32
      %dma_wait3A_202 = arith.constant 0 : i32
      %dma_wait3A_203 = tpu.memref_slice %arg10[%dma_wait3A_200, %dma_wait3A_201, %dma_wait3A_202] : memref<2x128x128xf32, #tpu.memory_space<vmem>> -> memref<1x128x128xf32, #tpu.memory_space<vmem>>
      %dma_wait3A_204 = tpu.memref_squeeze %dma_wait3A_203 : memref<1x128x128xf32, #tpu.memory_space<vmem>> -> memref<128x128xf32, #tpu.memory_space<vmem>>
      %dma_wait3A_205 = arith.constant 0 : i32
      %dma_wait3A_206 = tpu.memref_slice %arg8[%rem3A_51, %dma_wait3A_199, %dma_wait3A_205] : memref<2x16x128xi32, #tpu.memory_space<vmem>> -> memref<1x1x128xi32, #tpu.memory_space<vmem>>
      %dma_wait3A_207 = tpu.memref_squeeze %dma_wait3A_206 : memref<1x1x128xi32, #tpu.memory_space<vmem>> -> memref<128xi32, #tpu.memory_space<vmem>>
      %dma_wait3A_208 = arith.constant 0 : i32
      %dma_wait3A_209 = arith.constant 0 : i32
      %dma_wait3A_210 = tpu.memref_slice %arg2[%dma_wait3A_208, %dma_wait3A_209] : memref<10240x128xf32, #tpu.memory_space<hbm>> -> memref<10240x128xf32, #tpu.memory_space<hbm>>
      tpu.wait_indirect_dma semaphore(%arg12 : memref<!tpu.dma_semaphore, #tpu.memory_space<semaphore_mem>>) src(%dma_wait3A_210 : memref<10240x128xf32, #tpu.memory_space<hbm>>) dst(%dma_wait3A_204 : memref<128x128xf32, #tpu.memory_space<vmem>>)
      %dma_start3A_211 = arith.constant 1 : i32
      %dma_start3A_212 = arith.constant 3 : i32
      %dma_start3A_213 = arith.constant 0 : i32
      %dma_start3A_214 = arith.constant 0 : i32
      %dma_start3A_215 = tpu.memref_slice %arg10[%dma_start3A_211, %dma_start3A_213, %dma_start3A_214] : memref<2x128x128xf32, #tpu.memory_space<vmem>> -> memref<1x128x128xf32, #tpu.memory_space<vmem>>
      %dma_start3A_216 = tpu.memref_squeeze %dma_start3A_215 : memref<1x128x128xf32, #tpu.memory_space<vmem>> -> memref<128x128xf32, #tpu.memory_space<vmem>>
      %dma_start3A_217 = arith.constant 0 : i32
      %dma_start3A_218 = tpu.memref_slice %arg9[%rem3A_51, %dma_start3A_212, %dma_start3A_217] : memref<2x16x128xi32, #tpu.memory_space<vmem>> -> memref<1x1x128xi32, #tpu.memory_space<vmem>>
      %dma_start3A_219 = tpu.memref_squeeze %dma_start3A_218 : memref<1x1x128xi32, #tpu.memory_space<vmem>> -> memref<128xi32, #tpu.memory_space<vmem>>
      %dma_start3A_220 = arith.constant 0 : i32
      %dma_start3A_221 = arith.constant 0 : i32
      %dma_start3A_222 = tpu.memref_slice %arg7[%dma_start3A_220, %dma_start3A_221] : memref<10240x128xf32, #tpu.memory_space<vmem_shared>> -> memref<10240x128xf32, #tpu.memory_space<vmem_shared>>
      tpu.enqueue_indirect_dma source(%dma_start3A_216 : memref<128x128xf32, #tpu.memory_space<vmem>>) target(%dma_start3A_222 : memref<10240x128xf32, #tpu.memory_space<vmem_shared>>) offsets(%dma_start3A_219 : memref<128xi32, #tpu.memory_space<vmem>>) semaphore(%arg14 : memref<!tpu.dma_semaphore, #tpu.memory_space<semaphore_mem>>) {add = true}
      %dma_wait3A_223 = arith.constant 0 : i32
      %dma_wait3A_224 = arith.constant 3 : i32
      %dma_wait3A_225 = arith.constant 0 : i32
      %dma_wait3A_226 = arith.constant 0 : i32
      %dma_wait3A_227 = tpu.memref_slice %arg10[%dma_wait3A_223, %dma_wait3A_225, %dma_wait3A_226] : memref<2x128x128xf32, #tpu.memory_space<vmem>> -> memref<1x128x128xf32, #tpu.memory_space<vmem>>
      %dma_wait3A_228 = tpu.memref_squeeze %dma_wait3A_227 : memref<1x128x128xf32, #tpu.memory_space<vmem>> -> memref<128x128xf32, #tpu.memory_space<vmem>>
      %dma_wait3A_229 = arith.constant 0 : i32
      %dma_wait3A_230 = tpu.memref_slice %arg9[%rem3A_51, %dma_wait3A_224, %dma_wait3A_229] : memref<2x16x128xi32, #tpu.memory_space<vmem>> -> memref<1x1x128xi32, #tpu.memory_space<vmem>>
      %dma_wait3A_231 = tpu.memref_squeeze %dma_wait3A_230 : memref<1x1x128xi32, #tpu.memory_space<vmem>> -> memref<128xi32, #tpu.memory_space<vmem>>
      %dma_wait3A_232 = arith.constant 0 : i32
      %dma_wait3A_233 = arith.constant 0 : i32
      %dma_wait3A_234 = tpu.memref_slice %arg7[%dma_wait3A_232, %dma_wait3A_233] : memref<10240x128xf32, #tpu.memory_space<vmem_shared>> -> memref<10240x128xf32, #tpu.memory_space<vmem_shared>>
      tpu.wait_indirect_dma semaphore(%arg13 : memref<!tpu.dma_semaphore, #tpu.memory_space<semaphore_mem>>) src(%dma_wait3A_228 : memref<128x128xf32, #tpu.memory_space<vmem>>) dst(%dma_wait3A_234 : memref<10240x128xf32, #tpu.memory_space<vmem_shared>>)
      %dma_start3A_235 = arith.constant 4 : i32
      %dma_start3A_236 = arith.constant 0 : i32
      %dma_start3A_237 = arith.constant 0 : i32
      %dma_start3A_238 = arith.constant 0 : i32
      %dma_start3A_239 = tpu.memref_slice %arg10[%dma_start3A_236, %dma_start3A_237, %dma_start3A_238] : memref<2x128x128xf32, #tpu.memory_space<vmem>> -> memref<1x128x128xf32, #tpu.memory_space<vmem>>
      %dma_start3A_240 = tpu.memref_squeeze %dma_start3A_239 : memref<1x128x128xf32, #tpu.memory_space<vmem>> -> memref<128x128xf32, #tpu.memory_space<vmem>>
      %dma_start3A_241 = arith.constant 0 : i32
      %dma_start3A_242 = tpu.memref_slice %arg8[%rem3A_51, %dma_start3A_235, %dma_start3A_241] : memref<2x16x128xi32, #tpu.memory_space<vmem>> -> memref<1x1x128xi32, #tpu.memory_space<vmem>>
      %dma_start3A_243 = tpu.memref_squeeze %dma_start3A_242 : memref<1x1x128xi32, #tpu.memory_space<vmem>> -> memref<128xi32, #tpu.memory_space<vmem>>
      %dma_start3A_244 = arith.constant 0 : i32
      %dma_start3A_245 = arith.constant 0 : i32
      %dma_start3A_246 = tpu.memref_slice %arg2[%dma_start3A_244, %dma_start3A_245] : memref<10240x128xf32, #tpu.memory_space<hbm>> -> memref<10240x128xf32, #tpu.memory_space<hbm>>
      tpu.enqueue_indirect_dma source(%dma_start3A_246 : memref<10240x128xf32, #tpu.memory_space<hbm>>) target(%dma_start3A_240 : memref<128x128xf32, #tpu.memory_space<vmem>>) offsets(%dma_start3A_243 : memref<128xi32, #tpu.memory_space<vmem>>) semaphore(%arg11 : memref<!tpu.dma_semaphore, #tpu.memory_space<semaphore_mem>>)
      %dma_wait3A_247 = arith.constant 4 : i32
      %dma_wait3A_248 = arith.constant 0 : i32
      %dma_wait3A_249 = arith.constant 0 : i32
      %dma_wait3A_250 = arith.constant 0 : i32
      %dma_wait3A_251 = tpu.memref_slice %arg10[%dma_wait3A_248, %dma_wait3A_249, %dma_wait3A_250] : memref<2x128x128xf32, #tpu.memory_space<vmem>> -> memref<1x128x128xf32, #tpu.memory_space<vmem>>
      %dma_wait3A_252 = tpu.memref_squeeze %dma_wait3A_251 : memref<1x128x128xf32, #tpu.memory_space<vmem>> -> memref<128x128xf32, #tpu.memory_space<vmem>>
      %dma_wait3A_253 = arith.constant 0 : i32
      %dma_wait3A_254 = tpu.memref_slice %arg8[%rem3A_51, %dma_wait3A_247, %dma_wait3A_253] : memref<2x16x128xi32, #tpu.memory_space<vmem>> -> memref<1x1x128xi32, #tpu.memory_space<vmem>>
      %dma_wait3A_255 = tpu.memref_squeeze %dma_wait3A_254 : memref<1x1x128xi32, #tpu.memory_space<vmem>> -> memref<128xi32, #tpu.memory_space<vmem>>
      %dma_wait3A_256 = arith.constant 0 : i32
      %dma_wait3A_257 = arith.constant 0 : i32
      %dma_wait3A_258 = tpu.memref_slice %arg2[%dma_wait3A_256, %dma_wait3A_257] : memref<10240x128xf32, #tpu.memory_space<hbm>> -> memref<10240x128xf32, #tpu.memory_space<hbm>>
      tpu.wait_indirect_dma semaphore(%arg11 : memref<!tpu.dma_semaphore, #tpu.memory_space<semaphore_mem>>) src(%dma_wait3A_258 : memref<10240x128xf32, #tpu.memory_space<hbm>>) dst(%dma_wait3A_252 : memref<128x128xf32, #tpu.memory_space<vmem>>)
      %dma_start3A_259 = arith.constant 0 : i32
      %dma_start3A_260 = arith.constant 4 : i32
      %dma_start3A_261 = arith.constant 0 : i32
      %dma_start3A_262 = arith.constant 0 : i32
      %dma_start3A_263 = tpu.memref_slice %arg10[%dma_start3A_259, %dma_start3A_261, %dma_start3A_262] : memref<2x128x128xf32, #tpu.memory_space<vmem>> -> memref<1x128x128xf32, #tpu.memory_space<vmem>>
      %dma_start3A_264 = tpu.memref_squeeze %dma_start3A_263 : memref<1x128x128xf32, #tpu.memory_space<vmem>> -> memref<128x128xf32, #tpu.memory_space<vmem>>
      %dma_start3A_265 = arith.constant 0 : i32
      %dma_start3A_266 = tpu.memref_slice %arg9[%rem3A_51, %dma_start3A_260, %dma_start3A_265] : memref<2x16x128xi32, #tpu.memory_space<vmem>> -> memref<1x1x128xi32, #tpu.memory_space<vmem>>
      %dma_start3A_267 = tpu.memref_squeeze %dma_start3A_266 : memref<1x1x128xi32, #tpu.memory_space<vmem>> -> memref<128xi32, #tpu.memory_space<vmem>>
      %dma_start3A_268 = arith.constant 0 : i32
      %dma_start3A_269 = arith.constant 0 : i32
      %dma_start3A_270 = tpu.memref_slice %arg7[%dma_start3A_268, %dma_start3A_269] : memref<10240x128xf32, #tpu.memory_space<vmem_shared>> -> memref<10240x128xf32, #tpu.memory_space<vmem_shared>>
      tpu.enqueue_indirect_dma source(%dma_start3A_264 : memref<128x128xf32, #tpu.memory_space<vmem>>) target(%dma_start3A_270 : memref<10240x128xf32, #tpu.memory_space<vmem_shared>>) offsets(%dma_start3A_267 : memref<128xi32, #tpu.memory_space<vmem>>) semaphore(%arg13 : memref<!tpu.dma_semaphore, #tpu.memory_space<semaphore_mem>>) {add = true}
      %dma_wait3A_271 = arith.constant 1 : i32
      %dma_wait3A_272 = arith.constant 4 : i32
      %dma_wait3A_273 = arith.constant 0 : i32
      %dma_wait3A_274 = arith.constant 0 : i32
      %dma_wait3A_275 = tpu.memref_slice %arg10[%dma_wait3A_271, %dma_wait3A_273, %dma_wait3A_274] : memref<2x128x128xf32, #tpu.memory_space<vmem>> -> memref<1x128x128xf32, #tpu.memory_space<vmem>>
      %dma_wait3A_276 = tpu.memref_squeeze %dma_wait3A_275 : memref<1x128x128xf32, #tpu.memory_space<vmem>> -> memref<128x128xf32, #tpu.memory_space<vmem>>
      %dma_wait3A_277 = arith.constant 0 : i32
      %dma_wait3A_278 = tpu.memref_slice %arg9[%rem3A_51, %dma_wait3A_272, %dma_wait3A_277] : memref<2x16x128xi32, #tpu.memory_space<vmem>> -> memref<1x1x128xi32, #tpu.memory_space<vmem>>
      %dma_wait3A_279 = tpu.memref_squeeze %dma_wait3A_278 : memref<1x1x128xi32, #tpu.memory_space<vmem>> -> memref<128xi32, #tpu.memory_space<vmem>>
      %dma_wait3A_280 = arith.constant 0 : i32
      %dma_wait3A_281 = arith.constant 0 : i32
      %dma_wait3A_282 = tpu.memref_slice %arg7[%dma_wait3A_280, %dma_wait3A_281] : memref<10240x128xf32, #tpu.memory_space<vmem_shared>> -> memref<10240x128xf32, #tpu.memory_space<vmem_shared>>
      tpu.wait_indirect_dma semaphore(%arg14 : memref<!tpu.dma_semaphore, #tpu.memory_space<semaphore_mem>>) src(%dma_wait3A_276 : memref<128x128xf32, #tpu.memory_space<vmem>>) dst(%dma_wait3A_282 : memref<10240x128xf32, #tpu.memory_space<vmem_shared>>)
      %dma_start3A_283 = arith.constant 5 : i32
      %dma_start3A_284 = arith.constant 1 : i32
      %dma_start3A_285 = arith.constant 0 : i32
      %dma_start3A_286 = arith.constant 0 : i32
      %dma_start3A_287 = tpu.memref_slice %arg10[%dma_start3A_284, %dma_start3A_285, %dma_start3A_286] : memref<2x128x128xf32, #tpu.memory_space<vmem>> -> memref<1x128x128xf32, #tpu.memory_space<vmem>>
      %dma_start3A_288 = tpu.memref_squeeze %dma_start3A_287 : memref<1x128x128xf32, #tpu.memory_space<vmem>> -> memref<128x128xf32, #tpu.memory_space<vmem>>
      %dma_start3A_289 = arith.constant 0 : i32
      %dma_start3A_290 = tpu.memref_slice %arg8[%rem3A_51, %dma_start3A_283, %dma_start3A_289] : memref<2x16x128xi32, #tpu.memory_space<vmem>> -> memref<1x1x128xi32, #tpu.memory_space<vmem>>
      %dma_start3A_291 = tpu.memref_squeeze %dma_start3A_290 : memref<1x1x128xi32, #tpu.memory_space<vmem>> -> memref<128xi32, #tpu.memory_space<vmem>>
      %dma_start3A_292 = arith.constant 0 : i32
      %dma_start3A_293 = arith.constant 0 : i32
      %dma_start3A_294 = tpu.memref_slice %arg2[%dma_start3A_292, %dma_start3A_293] : memref<10240x128xf32, #tpu.memory_space<hbm>> -> memref<10240x128xf32, #tpu.memory_space<hbm>>
      tpu.enqueue_indirect_dma source(%dma_start3A_294 : memref<10240x128xf32, #tpu.memory_space<hbm>>) target(%dma_start3A_288 : memref<128x128xf32, #tpu.memory_space<vmem>>) offsets(%dma_start3A_291 : memref<128xi32, #tpu.memory_space<vmem>>) semaphore(%arg12 : memref<!tpu.dma_semaphore, #tpu.memory_space<semaphore_mem>>)
      %dma_wait3A_295 = arith.constant 5 : i32
      %dma_wait3A_296 = arith.constant 1 : i32
      %dma_wait3A_297 = arith.constant 0 : i32
      %dma_wait3A_298 = arith.constant 0 : i32
      %dma_wait3A_299 = tpu.memref_slice %arg10[%dma_wait3A_296, %dma_wait3A_297, %dma_wait3A_298] : memref<2x128x128xf32, #tpu.memory_space<vmem>> -> memref<1x128x128xf32, #tpu.memory_space<vmem>>
      %dma_wait3A_300 = tpu.memref_squeeze %dma_wait3A_299 : memref<1x128x128xf32, #tpu.memory_space<vmem>> -> memref<128x128xf32, #tpu.memory_space<vmem>>
      %dma_wait3A_301 = arith.constant 0 : i32
      %dma_wait3A_302 = tpu.memref_slice %arg8[%rem3A_51, %dma_wait3A_295, %dma_wait3A_301] : memref<2x16x128xi32, #tpu.memory_space<vmem>> -> memref<1x1x128xi32, #tpu.memory_space<vmem>>
      %dma_wait3A_303 = tpu.memref_squeeze %dma_wait3A_302 : memref<1x1x128xi32, #tpu.memory_space<vmem>> -> memref<128xi32, #tpu.memory_space<vmem>>
      %dma_wait3A_304 = arith.constant 0 : i32
      %dma_wait3A_305 = arith.constant 0 : i32
      %dma_wait3A_306 = tpu.memref_slice %arg2[%dma_wait3A_304, %dma_wait3A_305] : memref<10240x128xf32, #tpu.memory_space<hbm>> -> memref<10240x128xf32, #tpu.memory_space<hbm>>
      tpu.wait_indirect_dma semaphore(%arg12 : memref<!tpu.dma_semaphore, #tpu.memory_space<semaphore_mem>>) src(%dma_wait3A_306 : memref<10240x128xf32, #tpu.memory_space<hbm>>) dst(%dma_wait3A_300 : memref<128x128xf32, #tpu.memory_space<vmem>>)
      %dma_start3A_307 = arith.constant 1 : i32
      %dma_start3A_308 = arith.constant 5 : i32
      %dma_start3A_309 = arith.constant 0 : i32
      %dma_start3A_310 = arith.constant 0 : i32
      %dma_start3A_311 = tpu.memref_slice %arg10[%dma_start3A_307, %dma_start3A_309, %dma_start3A_310] : memref<2x128x128xf32, #tpu.memory_space<vmem>> -> memref<1x128x128xf32, #tpu.memory_space<vmem>>
      %dma_start3A_312 = tpu.memref_squeeze %dma_start3A_311 : memref<1x128x128xf32, #tpu.memory_space<vmem>> -> memref<128x128xf32, #tpu.memory_space<vmem>>
      %dma_start3A_313 = arith.constant 0 : i32
      %dma_start3A_314 = tpu.memref_slice %arg9[%rem3A_51, %dma_start3A_308, %dma_start3A_313] : memref<2x16x128xi32, #tpu.memory_space<vmem>> -> memref<1x1x128xi32, #tpu.memory_space<vmem>>
      %dma_start3A_315 = tpu.memref_squeeze %dma_start3A_314 : memref<1x1x128xi32, #tpu.memory_space<vmem>> -> memref<128xi32, #tpu.memory_space<vmem>>
      %dma_start3A_316 = arith.constant 0 : i32
      %dma_start3A_317 = arith.constant 0 : i32
      %dma_start3A_318 = tpu.memref_slice %arg7[%dma_start3A_316, %dma_start3A_317] : memref<10240x128xf32, #tpu.memory_space<vmem_shared>> -> memref<10240x128xf32, #tpu.memory_space<vmem_shared>>
      tpu.enqueue_indirect_dma source(%dma_start3A_312 : memref<128x128xf32, #tpu.memory_space<vmem>>) target(%dma_start3A_318 : memref<10240x128xf32, #tpu.memory_space<vmem_shared>>) offsets(%dma_start3A_315 : memref<128xi32, #tpu.memory_space<vmem>>) semaphore(%arg14 : memref<!tpu.dma_semaphore, #tpu.memory_space<semaphore_mem>>) {add = true}
      %dma_wait3A_319 = arith.constant 0 : i32
      %dma_wait3A_320 = arith.constant 5 : i32
      %dma_wait3A_321 = arith.constant 0 : i32
      %dma_wait3A_322 = arith.constant 0 : i32
      %dma_wait3A_323 = tpu.memref_slice %arg10[%dma_wait3A_319, %dma_wait3A_321, %dma_wait3A_322] : memref<2x128x128xf32, #tpu.memory_space<vmem>> -> memref<1x128x128xf32, #tpu.memory_space<vmem>>
      %dma_wait3A_324 = tpu.memref_squeeze %dma_wait3A_323 : memref<1x128x128xf32, #tpu.memory_space<vmem>> -> memref<128x128xf32, #tpu.memory_space<vmem>>
      %dma_wait3A_325 = arith.constant 0 : i32
      %dma_wait3A_326 = tpu.memref_slice %arg9[%rem3A_51, %dma_wait3A_320, %dma_wait3A_325] : memref<2x16x128xi32, #tpu.memory_space<vmem>> -> memref<1x1x128xi32, #tpu.memory_space<vmem>>
      %dma_wait3A_327 = tpu.memref_squeeze %dma_wait3A_326 : memref<1x1x128xi32, #tpu.memory_space<vmem>> -> memref<128xi32, #tpu.memory_space<vmem>>
      %dma_wait3A_328 = arith.constant 0 : i32
      %dma_wait3A_329 = arith.constant 0 : i32
      %dma_wait3A_330 = tpu.memref_slice %arg7[%dma_wait3A_328, %dma_wait3A_329] : memref<10240x128xf32, #tpu.memory_space<vmem_shared>> -> memref<10240x128xf32, #tpu.memory_space<vmem_shared>>
      tpu.wait_indirect_dma semaphore(%arg13 : memref<!tpu.dma_semaphore, #tpu.memory_space<semaphore_mem>>) src(%dma_wait3A_324 : memref<128x128xf32, #tpu.memory_space<vmem>>) dst(%dma_wait3A_330 : memref<10240x128xf32, #tpu.memory_space<vmem_shared>>)
      %dma_start3A_331 = arith.constant 6 : i32
      %dma_start3A_332 = arith.constant 0 : i32
      %dma_start3A_333 = arith.constant 0 : i32
      %dma_start3A_334 = arith.constant 0 : i32
      %dma_start3A_335 = tpu.memref_slice %arg10[%dma_start3A_332, %dma_start3A_333, %dma_start3A_334] : memref<2x128x128xf32, #tpu.memory_space<vmem>> -> memref<1x128x128xf32, #tpu.memory_space<vmem>>
      %dma_start3A_336 = tpu.memref_squeeze %dma_start3A_335 : memref<1x128x128xf32, #tpu.memory_space<vmem>> -> memref<128x128xf32, #tpu.memory_space<vmem>>
      %dma_start3A_337 = arith.constant 0 : i32
      %dma_start3A_338 = tpu.memref_slice %arg8[%rem3A_51, %dma_start3A_331, %dma_start3A_337] : memref<2x16x128xi32, #tpu.memory_space<vmem>> -> memref<1x1x128xi32, #tpu.memory_space<vmem>>
      %dma_start3A_339 = tpu.memref_squeeze %dma_start3A_338 : memref<1x1x128xi32, #tpu.memory_space<vmem>> -> memref<128xi32, #tpu.memory_space<vmem>>
      %dma_start3A_340 = arith.constant 0 : i32
      %dma_start3A_341 = arith.constant 0 : i32
      %dma_start3A_342 = tpu.memref_slice %arg2[%dma_start3A_340, %dma_start3A_341] : memref<10240x128xf32, #tpu.memory_space<hbm>> -> memref<10240x128xf32, #tpu.memory_space<hbm>>
      tpu.enqueue_indirect_dma source(%dma_start3A_342 : memref<10240x128xf32, #tpu.memory_space<hbm>>) target(%dma_start3A_336 : memref<128x128xf32, #tpu.memory_space<vmem>>) offsets(%dma_start3A_339 : memref<128xi32, #tpu.memory_space<vmem>>) semaphore(%arg11 : memref<!tpu.dma_semaphore, #tpu.memory_space<semaphore_mem>>)
      %dma_wait3A_343 = arith.constant 6 : i32
      %dma_wait3A_344 = arith.constant 0 : i32
      %dma_wait3A_345 = arith.constant 0 : i32
      %dma_wait3A_346 = arith.constant 0 : i32
      %dma_wait3A_347 = tpu.memref_slice %arg10[%dma_wait3A_344, %dma_wait3A_345, %dma_wait3A_346] : memref<2x128x128xf32, #tpu.memory_space<vmem>> -> memref<1x128x128xf32, #tpu.memory_space<vmem>>
      %dma_wait3A_348 = tpu.memref_squeeze %dma_wait3A_347 : memref<1x128x128xf32, #tpu.memory_space<vmem>> -> memref<128x128xf32, #tpu.memory_space<vmem>>
      %dma_wait3A_349 = arith.constant 0 : i32
      %dma_wait3A_350 = tpu.memref_slice %arg8[%rem3A_51, %dma_wait3A_343, %dma_wait3A_349] : memref<2x16x128xi32, #tpu.memory_space<vmem>> -> memref<1x1x128xi32, #tpu.memory_space<vmem>>
      %dma_wait3A_351 = tpu.memref_squeeze %dma_wait3A_350 : memref<1x1x128xi32, #tpu.memory_space<vmem>> -> memref<128xi32, #tpu.memory_space<vmem>>
      %dma_wait3A_352 = arith.constant 0 : i32
      %dma_wait3A_353 = arith.constant 0 : i32
      %dma_wait3A_354 = tpu.memref_slice %arg2[%dma_wait3A_352, %dma_wait3A_353] : memref<10240x128xf32, #tpu.memory_space<hbm>> -> memref<10240x128xf32, #tpu.memory_space<hbm>>
      tpu.wait_indirect_dma semaphore(%arg11 : memref<!tpu.dma_semaphore, #tpu.memory_space<semaphore_mem>>) src(%dma_wait3A_354 : memref<10240x128xf32, #tpu.memory_space<hbm>>) dst(%dma_wait3A_348 : memref<128x128xf32, #tpu.memory_space<vmem>>)
      %dma_start3A_355 = arith.constant 0 : i32
      %dma_start3A_356 = arith.constant 6 : i32
      %dma_start3A_357 = arith.constant 0 : i32
      %dma_start3A_358 = arith.constant 0 : i32
      %dma_start3A_359 = tpu.memref_slice %arg10[%dma_start3A_355, %dma_start3A_357, %dma_start3A_358] : memref<2x128x128xf32, #tpu.memory_space<vmem>> -> memref<1x128x128xf32, #tpu.memory_space<vmem>>
      %dma_start3A_360 = tpu.memref_squeeze %dma_start3A_359 : memref<1x128x128xf32, #tpu.memory_space<vmem>> -> memref<128x128xf32, #tpu.memory_space<vmem>>
      %dma_start3A_361 = arith.constant 0 : i32
      %dma_start3A_362 = tpu.memref_slice %arg9[%rem3A_51, %dma_start3A_356, %dma_start3A_361] : memref<2x16x128xi32, #tpu.memory_space<vmem>> -> memref<1x1x128xi32, #tpu.memory_space<vmem>>
      %dma_start3A_363 = tpu.memref_squeeze %dma_start3A_362 : memref<1x1x128xi32, #tpu.memory_space<vmem>> -> memref<128xi32, #tpu.memory_space<vmem>>
      %dma_start3A_364 = arith.constant 0 : i32
      %dma_start3A_365 = arith.constant 0 : i32
      %dma_start3A_366 = tpu.memref_slice %arg7[%dma_start3A_364, %dma_start3A_365] : memref<10240x128xf32, #tpu.memory_space<vmem_shared>> -> memref<10240x128xf32, #tpu.memory_space<vmem_shared>>
      tpu.enqueue_indirect_dma source(%dma_start3A_360 : memref<128x128xf32, #tpu.memory_space<vmem>>) target(%dma_start3A_366 : memref<10240x128xf32, #tpu.memory_space<vmem_shared>>) offsets(%dma_start3A_363 : memref<128xi32, #tpu.memory_space<vmem>>) semaphore(%arg13 : memref<!tpu.dma_semaphore, #tpu.memory_space<semaphore_mem>>) {add = true}
      %dma_wait3A_367 = arith.constant 1 : i32
      %dma_wait3A_368 = arith.constant 6 : i32
      %dma_wait3A_369 = arith.constant 0 : i32
      %dma_wait3A_370 = arith.constant 0 : i32
      %dma_wait3A_371 = tpu.memref_slice %arg10[%dma_wait3A_367, %dma_wait3A_369, %dma_wait3A_370] : memref<2x128x128xf32, #tpu.memory_space<vmem>> -> memref<1x128x128xf32, #tpu.memory_space<vmem>>
      %dma_wait3A_372 = tpu.memref_squeeze %dma_wait3A_371 : memref<1x128x128xf32, #tpu.memory_space<vmem>> -> memref<128x128xf32, #tpu.memory_space<vmem>>
      %dma_wait3A_373 = arith.constant 0 : i32
      %dma_wait3A_374 = tpu.memref_slice %arg9[%rem3A_51, %dma_wait3A_368, %dma_wait3A_373] : memref<2x16x128xi32, #tpu.memory_space<vmem>> -> memref<1x1x128xi32, #tpu.memory_space<vmem>>
      %dma_wait3A_375 = tpu.memref_squeeze %dma_wait3A_374 : memref<1x1x128xi32, #tpu.memory_space<vmem>> -> memref<128xi32, #tpu.memory_space<vmem>>
      %dma_wait3A_376 = arith.constant 0 : i32
      %dma_wait3A_377 = arith.constant 0 : i32
      %dma_wait3A_378 = tpu.memref_slice %arg7[%dma_wait3A_376, %dma_wait3A_377] : memref<10240x128xf32, #tpu.memory_space<vmem_shared>> -> memref<10240x128xf32, #tpu.memory_space<vmem_shared>>
      tpu.wait_indirect_dma semaphore(%arg14 : memref<!tpu.dma_semaphore, #tpu.memory_space<semaphore_mem>>) src(%dma_wait3A_372 : memref<128x128xf32, #tpu.memory_space<vmem>>) dst(%dma_wait3A_378 : memref<10240x128xf32, #tpu.memory_space<vmem_shared>>)
      %dma_start3A_379 = arith.constant 7 : i32
      %dma_start3A_380 = arith.constant 1 : i32
      %dma_start3A_381 = arith.constant 0 : i32
      %dma_start3A_382 = arith.constant 0 : i32
      %dma_start3A_383 = tpu.memref_slice %arg10[%dma_start3A_380, %dma_start3A_381, %dma_start3A_382] : memref<2x128x128xf32, #tpu.memory_space<vmem>> -> memref<1x128x128xf32, #tpu.memory_space<vmem>>
      %dma_start3A_384 = tpu.memref_squeeze %dma_start3A_383 : memref<1x128x128xf32, #tpu.memory_space<vmem>> -> memref<128x128xf32, #tpu.memory_space<vmem>>
      %dma_start3A_385 = arith.constant 0 : i32
      %dma_start3A_386 = tpu.memref_slice %arg8[%rem3A_51, %dma_start3A_379, %dma_start3A_385] : memref<2x16x128xi32, #tpu.memory_space<vmem>> -> memref<1x1x128xi32, #tpu.memory_space<vmem>>
      %dma_start3A_387 = tpu.memref_squeeze %dma_start3A_386 : memref<1x1x128xi32, #tpu.memory_space<vmem>> -> memref<128xi32, #tpu.memory_space<vmem>>
      %dma_start3A_388 = arith.constant 0 : i32
      %dma_start3A_389 = arith.constant 0 : i32
      %dma_start3A_390 = tpu.memref_slice %arg2[%dma_start3A_388, %dma_start3A_389] : memref<10240x128xf32, #tpu.memory_space<hbm>> -> memref<10240x128xf32, #tpu.memory_space<hbm>>
      tpu.enqueue_indirect_dma source(%dma_start3A_390 : memref<10240x128xf32, #tpu.memory_space<hbm>>) target(%dma_start3A_384 : memref<128x128xf32, #tpu.memory_space<vmem>>) offsets(%dma_start3A_387 : memref<128xi32, #tpu.memory_space<vmem>>) semaphore(%arg12 : memref<!tpu.dma_semaphore, #tpu.memory_space<semaphore_mem>>)
      %dma_wait3A_391 = arith.constant 7 : i32
      %dma_wait3A_392 = arith.constant 1 : i32
      %dma_wait3A_393 = arith.constant 0 : i32
      %dma_wait3A_394 = arith.constant 0 : i32
      %dma_wait3A_395 = tpu.memref_slice %arg10[%dma_wait3A_392, %dma_wait3A_393, %dma_wait3A_394] : memref<2x128x128xf32, #tpu.memory_space<vmem>> -> memref<1x128x128xf32, #tpu.memory_space<vmem>>
      %dma_wait3A_396 = tpu.memref_squeeze %dma_wait3A_395 : memref<1x128x128xf32, #tpu.memory_space<vmem>> -> memref<128x128xf32, #tpu.memory_space<vmem>>
      %dma_wait3A_397 = arith.constant 0 : i32
      %dma_wait3A_398 = tpu.memref_slice %arg8[%rem3A_51, %dma_wait3A_391, %dma_wait3A_397] : memref<2x16x128xi32, #tpu.memory_space<vmem>> -> memref<1x1x128xi32, #tpu.memory_space<vmem>>
      %dma_wait3A_399 = tpu.memref_squeeze %dma_wait3A_398 : memref<1x1x128xi32, #tpu.memory_space<vmem>> -> memref<128xi32, #tpu.memory_space<vmem>>
      %dma_wait3A_400 = arith.constant 0 : i32
      %dma_wait3A_401 = arith.constant 0 : i32
      %dma_wait3A_402 = tpu.memref_slice %arg2[%dma_wait3A_400, %dma_wait3A_401] : memref<10240x128xf32, #tpu.memory_space<hbm>> -> memref<10240x128xf32, #tpu.memory_space<hbm>>
      tpu.wait_indirect_dma semaphore(%arg12 : memref<!tpu.dma_semaphore, #tpu.memory_space<semaphore_mem>>) src(%dma_wait3A_402 : memref<10240x128xf32, #tpu.memory_space<hbm>>) dst(%dma_wait3A_396 : memref<128x128xf32, #tpu.memory_space<vmem>>)
      %dma_start3A_403 = arith.constant 1 : i32
      %dma_start3A_404 = arith.constant 7 : i32
      %dma_start3A_405 = arith.constant 0 : i32
      %dma_start3A_406 = arith.constant 0 : i32
      %dma_start3A_407 = tpu.memref_slice %arg10[%dma_start3A_403, %dma_start3A_405, %dma_start3A_406] : memref<2x128x128xf32, #tpu.memory_space<vmem>> -> memref<1x128x128xf32, #tpu.memory_space<vmem>>
      %dma_start3A_408 = tpu.memref_squeeze %dma_start3A_407 : memref<1x128x128xf32, #tpu.memory_space<vmem>> -> memref<128x128xf32, #tpu.memory_space<vmem>>
      %dma_start3A_409 = arith.constant 0 : i32
      %dma_start3A_410 = tpu.memref_slice %arg9[%rem3A_51, %dma_start3A_404, %dma_start3A_409] : memref<2x16x128xi32, #tpu.memory_space<vmem>> -> memref<1x1x128xi32, #tpu.memory_space<vmem>>
      %dma_start3A_411 = tpu.memref_squeeze %dma_start3A_410 : memref<1x1x128xi32, #tpu.memory_space<vmem>> -> memref<128xi32, #tpu.memory_space<vmem>>
      %dma_start3A_412 = arith.constant 0 : i32
      %dma_start3A_413 = arith.constant 0 : i32
      %dma_start3A_414 = tpu.memref_slice %arg7[%dma_start3A_412, %dma_start3A_413] : memref<10240x128xf32, #tpu.memory_space<vmem_shared>> -> memref<10240x128xf32, #tpu.memory_space<vmem_shared>>
      tpu.enqueue_indirect_dma source(%dma_start3A_408 : memref<128x128xf32, #tpu.memory_space<vmem>>) target(%dma_start3A_414 : memref<10240x128xf32, #tpu.memory_space<vmem_shared>>) offsets(%dma_start3A_411 : memref<128xi32, #tpu.memory_space<vmem>>) semaphore(%arg14 : memref<!tpu.dma_semaphore, #tpu.memory_space<semaphore_mem>>) {add = true}
      %dma_wait3A_415 = arith.constant 0 : i32
      %dma_wait3A_416 = arith.constant 7 : i32
      %dma_wait3A_417 = arith.constant 0 : i32
      %dma_wait3A_418 = arith.constant 0 : i32
      %dma_wait3A_419 = tpu.memref_slice %arg10[%dma_wait3A_415, %dma_wait3A_417, %dma_wait3A_418] : memref<2x128x128xf32, #tpu.memory_space<vmem>> -> memref<1x128x128xf32, #tpu.memory_space<vmem>>
      %dma_wait3A_420 = tpu.memref_squeeze %dma_wait3A_419 : memref<1x128x128xf32, #tpu.memory_space<vmem>> -> memref<128x128xf32, #tpu.memory_space<vmem>>
      %dma_wait3A_421 = arith.constant 0 : i32
      %dma_wait3A_422 = tpu.memref_slice %arg9[%rem3A_51, %dma_wait3A_416, %dma_wait3A_421] : memref<2x16x128xi32, #tpu.memory_space<vmem>> -> memref<1x1x128xi32, #tpu.memory_space<vmem>>
      %dma_wait3A_423 = tpu.memref_squeeze %dma_wait3A_422 : memref<1x1x128xi32, #tpu.memory_space<vmem>> -> memref<128xi32, #tpu.memory_space<vmem>>
      %dma_wait3A_424 = arith.constant 0 : i32
      %dma_wait3A_425 = arith.constant 0 : i32
      %dma_wait3A_426 = tpu.memref_slice %arg7[%dma_wait3A_424, %dma_wait3A_425] : memref<10240x128xf32, #tpu.memory_space<vmem_shared>> -> memref<10240x128xf32, #tpu.memory_space<vmem_shared>>
      tpu.wait_indirect_dma semaphore(%arg13 : memref<!tpu.dma_semaphore, #tpu.memory_space<semaphore_mem>>) src(%dma_wait3A_420 : memref<128x128xf32, #tpu.memory_space<vmem>>) dst(%dma_wait3A_426 : memref<10240x128xf32, #tpu.memory_space<vmem_shared>>)
      %dma_start3A_427 = arith.constant 8 : i32
      %dma_start3A_428 = arith.constant 0 : i32
      %dma_start3A_429 = arith.constant 0 : i32
      %dma_start3A_430 = arith.constant 0 : i32
      %dma_start3A_431 = tpu.memref_slice %arg10[%dma_start3A_428, %dma_start3A_429, %dma_start3A_430] : memref<2x128x128xf32, #tpu.memory_space<vmem>> -> memref<1x128x128xf32, #tpu.memory_space<vmem>>
      %dma_start3A_432 = tpu.memref_squeeze %dma_start3A_431 : memref<1x128x128xf32, #tpu.memory_space<vmem>> -> memref<128x128xf32, #tpu.memory_space<vmem>>
      %dma_start3A_433 = arith.constant 0 : i32
      %dma_start3A_434 = tpu.memref_slice %arg8[%rem3A_51, %dma_start3A_427, %dma_start3A_433] : memref<2x16x128xi32, #tpu.memory_space<vmem>> -> memref<1x1x128xi32, #tpu.memory_space<vmem>>
      %dma_start3A_435 = tpu.memref_squeeze %dma_start3A_434 : memref<1x1x128xi32, #tpu.memory_space<vmem>> -> memref<128xi32, #tpu.memory_space<vmem>>
      %dma_start3A_436 = arith.constant 0 : i32
      %dma_start3A_437 = arith.constant 0 : i32
      %dma_start3A_438 = tpu.memref_slice %arg2[%dma_start3A_436, %dma_start3A_437] : memref<10240x128xf32, #tpu.memory_space<hbm>> -> memref<10240x128xf32, #tpu.memory_space<hbm>>
      tpu.enqueue_indirect_dma source(%dma_start3A_438 : memref<10240x128xf32, #tpu.memory_space<hbm>>) target(%dma_start3A_432 : memref<128x128xf32, #tpu.memory_space<vmem>>) offsets(%dma_start3A_435 : memref<128xi32, #tpu.memory_space<vmem>>) semaphore(%arg11 : memref<!tpu.dma_semaphore, #tpu.memory_space<semaphore_mem>>)
      %dma_wait3A_439 = arith.constant 8 : i32
      %dma_wait3A_440 = arith.constant 0 : i32
      %dma_wait3A_441 = arith.constant 0 : i32
      %dma_wait3A_442 = arith.constant 0 : i32
      %dma_wait3A_443 = tpu.memref_slice %arg10[%dma_wait3A_440, %dma_wait3A_441, %dma_wait3A_442] : memref<2x128x128xf32, #tpu.memory_space<vmem>> -> memref<1x128x128xf32, #tpu.memory_space<vmem>>
      %dma_wait3A_444 = tpu.memref_squeeze %dma_wait3A_443 : memref<1x128x128xf32, #tpu.memory_space<vmem>> -> memref<128x128xf32, #tpu.memory_space<vmem>>
      %dma_wait3A_445 = arith.constant 0 : i32
      %dma_wait3A_446 = tpu.memref_slice %arg8[%rem3A_51, %dma_wait3A_439, %dma_wait3A_445] : memref<2x16x128xi32, #tpu.memory_space<vmem>> -> memref<1x1x128xi32, #tpu.memory_space<vmem>>
      %dma_wait3A_447 = tpu.memref_squeeze %dma_wait3A_446 : memref<1x1x128xi32, #tpu.memory_space<vmem>> -> memref<128xi32, #tpu.memory_space<vmem>>
      %dma_wait3A_448 = arith.constant 0 : i32
      %dma_wait3A_449 = arith.constant 0 : i32
      %dma_wait3A_450 = tpu.memref_slice %arg2[%dma_wait3A_448, %dma_wait3A_449] : memref<10240x128xf32, #tpu.memory_space<hbm>> -> memref<10240x128xf32, #tpu.memory_space<hbm>>
      tpu.wait_indirect_dma semaphore(%arg11 : memref<!tpu.dma_semaphore, #tpu.memory_space<semaphore_mem>>) src(%dma_wait3A_450 : memref<10240x128xf32, #tpu.memory_space<hbm>>) dst(%dma_wait3A_444 : memref<128x128xf32, #tpu.memory_space<vmem>>)
      %dma_start3A_451 = arith.constant 0 : i32
      %dma_start3A_452 = arith.constant 8 : i32
      %dma_start3A_453 = arith.constant 0 : i32
      %dma_start3A_454 = arith.constant 0 : i32
      %dma_start3A_455 = tpu.memref_slice %arg10[%dma_start3A_451, %dma_start3A_453, %dma_start3A_454] : memref<2x128x128xf32, #tpu.memory_space<vmem>> -> memref<1x128x128xf32, #tpu.memory_space<vmem>>
      %dma_start3A_456 = tpu.memref_squeeze %dma_start3A_455 : memref<1x128x128xf32, #tpu.memory_space<vmem>> -> memref<128x128xf32, #tpu.memory_space<vmem>>
      %dma_start3A_457 = arith.constant 0 : i32
      %dma_start3A_458 = tpu.memref_slice %arg9[%rem3A_51, %dma_start3A_452, %dma_start3A_457] : memref<2x16x128xi32, #tpu.memory_space<vmem>> -> memref<1x1x128xi32, #tpu.memory_space<vmem>>
      %dma_start3A_459 = tpu.memref_squeeze %dma_start3A_458 : memref<1x1x128xi32, #tpu.memory_space<vmem>> -> memref<128xi32, #tpu.memory_space<vmem>>
      %dma_start3A_460 = arith.constant 0 : i32
      %dma_start3A_461 = arith.constant 0 : i32
      %dma_start3A_462 = tpu.memref_slice %arg7[%dma_start3A_460, %dma_start3A_461] : memref<10240x128xf32, #tpu.memory_space<vmem_shared>> -> memref<10240x128xf32, #tpu.memory_space<vmem_shared>>
      tpu.enqueue_indirect_dma source(%dma_start3A_456 : memref<128x128xf32, #tpu.memory_space<vmem>>) target(%dma_start3A_462 : memref<10240x128xf32, #tpu.memory_space<vmem_shared>>) offsets(%dma_start3A_459 : memref<128xi32, #tpu.memory_space<vmem>>) semaphore(%arg13 : memref<!tpu.dma_semaphore, #tpu.memory_space<semaphore_mem>>) {add = true}
      %dma_wait3A_463 = arith.constant 1 : i32
      %dma_wait3A_464 = arith.constant 8 : i32
      %dma_wait3A_465 = arith.constant 0 : i32
      %dma_wait3A_466 = arith.constant 0 : i32
      %dma_wait3A_467 = tpu.memref_slice %arg10[%dma_wait3A_463, %dma_wait3A_465, %dma_wait3A_466] : memref<2x128x128xf32, #tpu.memory_space<vmem>> -> memref<1x128x128xf32, #tpu.memory_space<vmem>>
      %dma_wait3A_468 = tpu.memref_squeeze %dma_wait3A_467 : memref<1x128x128xf32, #tpu.memory_space<vmem>> -> memref<128x128xf32, #tpu.memory_space<vmem>>
      %dma_wait3A_469 = arith.constant 0 : i32
      %dma_wait3A_470 = tpu.memref_slice %arg9[%rem3A_51, %dma_wait3A_464, %dma_wait3A_469] : memref<2x16x128xi32, #tpu.memory_space<vmem>> -> memref<1x1x128xi32, #tpu.memory_space<vmem>>
      %dma_wait3A_471 = tpu.memref_squeeze %dma_wait3A_470 : memref<1x1x128xi32, #tpu.memory_space<vmem>> -> memref<128xi32, #tpu.memory_space<vmem>>
      %dma_wait3A_472 = arith.constant 0 : i32
      %dma_wait3A_473 = arith.constant 0 : i32
      %dma_wait3A_474 = tpu.memref_slice %arg7[%dma_wait3A_472, %dma_wait3A_473] : memref<10240x128xf32, #tpu.memory_space<vmem_shared>> -> memref<10240x128xf32, #tpu.memory_space<vmem_shared>>
      tpu.wait_indirect_dma semaphore(%arg14 : memref<!tpu.dma_semaphore, #tpu.memory_space<semaphore_mem>>) src(%dma_wait3A_468 : memref<128x128xf32, #tpu.memory_space<vmem>>) dst(%dma_wait3A_474 : memref<10240x128xf32, #tpu.memory_space<vmem_shared>>)
      %dma_start3A_475 = arith.constant 9 : i32
      %dma_start3A_476 = arith.constant 1 : i32
      %dma_start3A_477 = arith.constant 0 : i32
      %dma_start3A_478 = arith.constant 0 : i32
      %dma_start3A_479 = tpu.memref_slice %arg10[%dma_start3A_476, %dma_start3A_477, %dma_start3A_478] : memref<2x128x128xf32, #tpu.memory_space<vmem>> -> memref<1x128x128xf32, #tpu.memory_space<vmem>>
      %dma_start3A_480 = tpu.memref_squeeze %dma_start3A_479 : memref<1x128x128xf32, #tpu.memory_space<vmem>> -> memref<128x128xf32, #tpu.memory_space<vmem>>
      %dma_start3A_481 = arith.constant 0 : i32
      %dma_start3A_482 = tpu.memref_slice %arg8[%rem3A_51, %dma_start3A_475, %dma_start3A_481] : memref<2x16x128xi32, #tpu.memory_space<vmem>> -> memref<1x1x128xi32, #tpu.memory_space<vmem>>
      %dma_start3A_483 = tpu.memref_squeeze %dma_start3A_482 : memref<1x1x128xi32, #tpu.memory_space<vmem>> -> memref<128xi32, #tpu.memory_space<vmem>>
      %dma_start3A_484 = arith.constant 0 : i32
      %dma_start3A_485 = arith.constant 0 : i32
      %dma_start3A_486 = tpu.memref_slice %arg2[%dma_start3A_484, %dma_start3A_485] : memref<10240x128xf32, #tpu.memory_space<hbm>> -> memref<10240x128xf32, #tpu.memory_space<hbm>>
      tpu.enqueue_indirect_dma source(%dma_start3A_486 : memref<10240x128xf32, #tpu.memory_space<hbm>>) target(%dma_start3A_480 : memref<128x128xf32, #tpu.memory_space<vmem>>) offsets(%dma_start3A_483 : memref<128xi32, #tpu.memory_space<vmem>>) semaphore(%arg12 : memref<!tpu.dma_semaphore, #tpu.memory_space<semaphore_mem>>)
      %dma_wait3A_487 = arith.constant 9 : i32
      %dma_wait3A_488 = arith.constant 1 : i32
      %dma_wait3A_489 = arith.constant 0 : i32
      %dma_wait3A_490 = arith.constant 0 : i32
      %dma_wait3A_491 = tpu.memref_slice %arg10[%dma_wait3A_488, %dma_wait3A_489, %dma_wait3A_490] : memref<2x128x128xf32, #tpu.memory_space<vmem>> -> memref<1x128x128xf32, #tpu.memory_space<vmem>>
      %dma_wait3A_492 = tpu.memref_squeeze %dma_wait3A_491 : memref<1x128x128xf32, #tpu.memory_space<vmem>> -> memref<128x128xf32, #tpu.memory_space<vmem>>
      %dma_wait3A_493 = arith.constant 0 : i32
      %dma_wait3A_494 = tpu.memref_slice %arg8[%rem3A_51, %dma_wait3A_487, %dma_wait3A_493] : memref<2x16x128xi32, #tpu.memory_space<vmem>> -> memref<1x1x128xi32, #tpu.memory_space<vmem>>
      %dma_wait3A_495 = tpu.memref_squeeze %dma_wait3A_494 : memref<1x1x128xi32, #tpu.memory_space<vmem>> -> memref<128xi32, #tpu.memory_space<vmem>>
      %dma_wait3A_496 = arith.constant 0 : i32
      %dma_wait3A_497 = arith.constant 0 : i32
      %dma_wait3A_498 = tpu.memref_slice %arg2[%dma_wait3A_496, %dma_wait3A_497] : memref<10240x128xf32, #tpu.memory_space<hbm>> -> memref<10240x128xf32, #tpu.memory_space<hbm>>
      tpu.wait_indirect_dma semaphore(%arg12 : memref<!tpu.dma_semaphore, #tpu.memory_space<semaphore_mem>>) src(%dma_wait3A_498 : memref<10240x128xf32, #tpu.memory_space<hbm>>) dst(%dma_wait3A_492 : memref<128x128xf32, #tpu.memory_space<vmem>>)
      %dma_start3A_499 = arith.constant 1 : i32
      %dma_start3A_500 = arith.constant 9 : i32
      %dma_start3A_501 = arith.constant 0 : i32
      %dma_start3A_502 = arith.constant 0 : i32
      %dma_start3A_503 = tpu.memref_slice %arg10[%dma_start3A_499, %dma_start3A_501, %dma_start3A_502] : memref<2x128x128xf32, #tpu.memory_space<vmem>> -> memref<1x128x128xf32, #tpu.memory_space<vmem>>
      %dma_start3A_504 = tpu.memref_squeeze %dma_start3A_503 : memref<1x128x128xf32, #tpu.memory_space<vmem>> -> memref<128x128xf32, #tpu.memory_space<vmem>>
      %dma_start3A_505 = arith.constant 0 : i32
      %dma_start3A_506 = tpu.memref_slice %arg9[%rem3A_51, %dma_start3A_500, %dma_start3A_505] : memref<2x16x128xi32, #tpu.memory_space<vmem>> -> memref<1x1x128xi32, #tpu.memory_space<vmem>>
      %dma_start3A_507 = tpu.memref_squeeze %dma_start3A_506 : memref<1x1x128xi32, #tpu.memory_space<vmem>> -> memref<128xi32, #tpu.memory_space<vmem>>
      %dma_start3A_508 = arith.constant 0 : i32
      %dma_start3A_509 = arith.constant 0 : i32
      %dma_start3A_510 = tpu.memref_slice %arg7[%dma_start3A_508, %dma_start3A_509] : memref<10240x128xf32, #tpu.memory_space<vmem_shared>> -> memref<10240x128xf32, #tpu.memory_space<vmem_shared>>
      tpu.enqueue_indirect_dma source(%dma_start3A_504 : memref<128x128xf32, #tpu.memory_space<vmem>>) target(%dma_start3A_510 : memref<10240x128xf32, #tpu.memory_space<vmem_shared>>) offsets(%dma_start3A_507 : memref<128xi32, #tpu.memory_space<vmem>>) semaphore(%arg14 : memref<!tpu.dma_semaphore, #tpu.memory_space<semaphore_mem>>) {add = true}
      %dma_wait3A_511 = arith.constant 0 : i32
      %dma_wait3A_512 = arith.constant 9 : i32
      %dma_wait3A_513 = arith.constant 0 : i32
      %dma_wait3A_514 = arith.constant 0 : i32
      %dma_wait3A_515 = tpu.memref_slice %arg10[%dma_wait3A_511, %dma_wait3A_513, %dma_wait3A_514] : memref<2x128x128xf32, #tpu.memory_space<vmem>> -> memref<1x128x128xf32, #tpu.memory_space<vmem>>
      %dma_wait3A_516 = tpu.memref_squeeze %dma_wait3A_515 : memref<1x128x128xf32, #tpu.memory_space<vmem>> -> memref<128x128xf32, #tpu.memory_space<vmem>>
      %dma_wait3A_517 = arith.constant 0 : i32
      %dma_wait3A_518 = tpu.memref_slice %arg9[%rem3A_51, %dma_wait3A_512, %dma_wait3A_517] : memref<2x16x128xi32, #tpu.memory_space<vmem>> -> memref<1x1x128xi32, #tpu.memory_space<vmem>>
      %dma_wait3A_519 = tpu.memref_squeeze %dma_wait3A_518 : memref<1x1x128xi32, #tpu.memory_space<vmem>> -> memref<128xi32, #tpu.memory_space<vmem>>
      %dma_wait3A_520 = arith.constant 0 : i32
      %dma_wait3A_521 = arith.constant 0 : i32
      %dma_wait3A_522 = tpu.memref_slice %arg7[%dma_wait3A_520, %dma_wait3A_521] : memref<10240x128xf32, #tpu.memory_space<vmem_shared>> -> memref<10240x128xf32, #tpu.memory_space<vmem_shared>>
      tpu.wait_indirect_dma semaphore(%arg13 : memref<!tpu.dma_semaphore, #tpu.memory_space<semaphore_mem>>) src(%dma_wait3A_516 : memref<128x128xf32, #tpu.memory_space<vmem>>) dst(%dma_wait3A_522 : memref<10240x128xf32, #tpu.memory_space<vmem_shared>>)
      %dma_start3A_523 = arith.constant 10 : i32
      %dma_start3A_524 = arith.constant 0 : i32
      %dma_start3A_525 = arith.constant 0 : i32
      %dma_start3A_526 = arith.constant 0 : i32
      %dma_start3A_527 = tpu.memref_slice %arg10[%dma_start3A_524, %dma_start3A_525, %dma_start3A_526] : memref<2x128x128xf32, #tpu.memory_space<vmem>> -> memref<1x128x128xf32, #tpu.memory_space<vmem>>
      %dma_start3A_528 = tpu.memref_squeeze %dma_start3A_527 : memref<1x128x128xf32, #tpu.memory_space<vmem>> -> memref<128x128xf32, #tpu.memory_space<vmem>>
      %dma_start3A_529 = arith.constant 0 : i32
      %dma_start3A_530 = tpu.memref_slice %arg8[%rem3A_51, %dma_start3A_523, %dma_start3A_529] : memref<2x16x128xi32, #tpu.memory_space<vmem>> -> memref<1x1x128xi32, #tpu.memory_space<vmem>>
      %dma_start3A_531 = tpu.memref_squeeze %dma_start3A_530 : memref<1x1x128xi32, #tpu.memory_space<vmem>> -> memref<128xi32, #tpu.memory_space<vmem>>
      %dma_start3A_532 = arith.constant 0 : i32
      %dma_start3A_533 = arith.constant 0 : i32
      %dma_start3A_534 = tpu.memref_slice %arg2[%dma_start3A_532, %dma_start3A_533] : memref<10240x128xf32, #tpu.memory_space<hbm>> -> memref<10240x128xf32, #tpu.memory_space<hbm>>
      tpu.enqueue_indirect_dma source(%dma_start3A_534 : memref<10240x128xf32, #tpu.memory_space<hbm>>) target(%dma_start3A_528 : memref<128x128xf32, #tpu.memory_space<vmem>>) offsets(%dma_start3A_531 : memref<128xi32, #tpu.memory_space<vmem>>) semaphore(%arg11 : memref<!tpu.dma_semaphore, #tpu.memory_space<semaphore_mem>>)
      %dma_wait3A_535 = arith.constant 10 : i32
      %dma_wait3A_536 = arith.constant 0 : i32
      %dma_wait3A_537 = arith.constant 0 : i32
      %dma_wait3A_538 = arith.constant 0 : i32
      %dma_wait3A_539 = tpu.memref_slice %arg10[%dma_wait3A_536, %dma_wait3A_537, %dma_wait3A_538] : memref<2x128x128xf32, #tpu.memory_space<vmem>> -> memref<1x128x128xf32, #tpu.memory_space<vmem>>
      %dma_wait3A_540 = tpu.memref_squeeze %dma_wait3A_539 : memref<1x128x128xf32, #tpu.memory_space<vmem>> -> memref<128x128xf32, #tpu.memory_space<vmem>>
      %dma_wait3A_541 = arith.constant 0 : i32
      %dma_wait3A_542 = tpu.memref_slice %arg8[%rem3A_51, %dma_wait3A_535, %dma_wait3A_541] : memref<2x16x128xi32, #tpu.memory_space<vmem>> -> memref<1x1x128xi32, #tpu.memory_space<vmem>>
      %dma_wait3A_543 = tpu.memref_squeeze %dma_wait3A_542 : memref<1x1x128xi32, #tpu.memory_space<vmem>> -> memref<128xi32, #tpu.memory_space<vmem>>
      %dma_wait3A_544 = arith.constant 0 : i32
      %dma_wait3A_545 = arith.constant 0 : i32
      %dma_wait3A_546 = tpu.memref_slice %arg2[%dma_wait3A_544, %dma_wait3A_545] : memref<10240x128xf32, #tpu.memory_space<hbm>> -> memref<10240x128xf32, #tpu.memory_space<hbm>>
      tpu.wait_indirect_dma semaphore(%arg11 : memref<!tpu.dma_semaphore, #tpu.memory_space<semaphore_mem>>) src(%dma_wait3A_546 : memref<10240x128xf32, #tpu.memory_space<hbm>>) dst(%dma_wait3A_540 : memref<128x128xf32, #tpu.memory_space<vmem>>)
      %dma_start3A_547 = arith.constant 0 : i32
      %dma_start3A_548 = arith.constant 10 : i32
      %dma_start3A_549 = arith.constant 0 : i32
      %dma_start3A_550 = arith.constant 0 : i32
      %dma_start3A_551 = tpu.memref_slice %arg10[%dma_start3A_547, %dma_start3A_549, %dma_start3A_550] : memref<2x128x128xf32, #tpu.memory_space<vmem>> -> memref<1x128x128xf32, #tpu.memory_space<vmem>>
      %dma_start3A_552 = tpu.memref_squeeze %dma_start3A_551 : memref<1x128x128xf32, #tpu.memory_space<vmem>> -> memref<128x128xf32, #tpu.memory_space<vmem>>
      %dma_start3A_553 = arith.constant 0 : i32
      %dma_start3A_554 = tpu.memref_slice %arg9[%rem3A_51, %dma_start3A_548, %dma_start3A_553] : memref<2x16x128xi32, #tpu.memory_space<vmem>> -> memref<1x1x128xi32, #tpu.memory_space<vmem>>
      %dma_start3A_555 = tpu.memref_squeeze %dma_start3A_554 : memref<1x1x128xi32, #tpu.memory_space<vmem>> -> memref<128xi32, #tpu.memory_space<vmem>>
      %dma_start3A_556 = arith.constant 0 : i32
      %dma_start3A_557 = arith.constant 0 : i32
      %dma_start3A_558 = tpu.memref_slice %arg7[%dma_start3A_556, %dma_start3A_557] : memref<10240x128xf32, #tpu.memory_space<vmem_shared>> -> memref<10240x128xf32, #tpu.memory_space<vmem_shared>>
      tpu.enqueue_indirect_dma source(%dma_start3A_552 : memref<128x128xf32, #tpu.memory_space<vmem>>) target(%dma_start3A_558 : memref<10240x128xf32, #tpu.memory_space<vmem_shared>>) offsets(%dma_start3A_555 : memref<128xi32, #tpu.memory_space<vmem>>) semaphore(%arg13 : memref<!tpu.dma_semaphore, #tpu.memory_space<semaphore_mem>>) {add = true}
      %dma_wait3A_559 = arith.constant 1 : i32
      %dma_wait3A_560 = arith.constant 10 : i32
      %dma_wait3A_561 = arith.constant 0 : i32
      %dma_wait3A_562 = arith.constant 0 : i32
      %dma_wait3A_563 = tpu.memref_slice %arg10[%dma_wait3A_559, %dma_wait3A_561, %dma_wait3A_562] : memref<2x128x128xf32, #tpu.memory_space<vmem>> -> memref<1x128x128xf32, #tpu.memory_space<vmem>>
      %dma_wait3A_564 = tpu.memref_squeeze %dma_wait3A_563 : memref<1x128x128xf32, #tpu.memory_space<vmem>> -> memref<128x128xf32, #tpu.memory_space<vmem>>
      %dma_wait3A_565 = arith.constant 0 : i32
      %dma_wait3A_566 = tpu.memref_slice %arg9[%rem3A_51, %dma_wait3A_560, %dma_wait3A_565] : memref<2x16x128xi32, #tpu.memory_space<vmem>> -> memref<1x1x128xi32, #tpu.memory_space<vmem>>
      %dma_wait3A_567 = tpu.memref_squeeze %dma_wait3A_566 : memref<1x1x128xi32, #tpu.memory_space<vmem>> -> memref<128xi32, #tpu.memory_space<vmem>>
      %dma_wait3A_568 = arith.constant 0 : i32
      %dma_wait3A_569 = arith.constant 0 : i32
      %dma_wait3A_570 = tpu.memref_slice %arg7[%dma_wait3A_568, %dma_wait3A_569] : memref<10240x128xf32, #tpu.memory_space<vmem_shared>> -> memref<10240x128xf32, #tpu.memory_space<vmem_shared>>
      tpu.wait_indirect_dma semaphore(%arg14 : memref<!tpu.dma_semaphore, #tpu.memory_space<semaphore_mem>>) src(%dma_wait3A_564 : memref<128x128xf32, #tpu.memory_space<vmem>>) dst(%dma_wait3A_570 : memref<10240x128xf32, #tpu.memory_space<vmem_shared>>)
      %dma_start3A_571 = arith.constant 11 : i32
      %dma_start3A_572 = arith.constant 1 : i32
      %dma_start3A_573 = arith.constant 0 : i32
      %dma_start3A_574 = arith.constant 0 : i32
      %dma_start3A_575 = tpu.memref_slice %arg10[%dma_start3A_572, %dma_start3A_573, %dma_start3A_574] : memref<2x128x128xf32, #tpu.memory_space<vmem>> -> memref<1x128x128xf32, #tpu.memory_space<vmem>>
      %dma_start3A_576 = tpu.memref_squeeze %dma_start3A_575 : memref<1x128x128xf32, #tpu.memory_space<vmem>> -> memref<128x128xf32, #tpu.memory_space<vmem>>
      %dma_start3A_577 = arith.constant 0 : i32
      %dma_start3A_578 = tpu.memref_slice %arg8[%rem3A_51, %dma_start3A_571, %dma_start3A_577] : memref<2x16x128xi32, #tpu.memory_space<vmem>> -> memref<1x1x128xi32, #tpu.memory_space<vmem>>
      %dma_start3A_579 = tpu.memref_squeeze %dma_start3A_578 : memref<1x1x128xi32, #tpu.memory_space<vmem>> -> memref<128xi32, #tpu.memory_space<vmem>>
      %dma_start3A_580 = arith.constant 0 : i32
      %dma_start3A_581 = arith.constant 0 : i32
      %dma_start3A_582 = tpu.memref_slice %arg2[%dma_start3A_580, %dma_start3A_581] : memref<10240x128xf32, #tpu.memory_space<hbm>> -> memref<10240x128xf32, #tpu.memory_space<hbm>>
      tpu.enqueue_indirect_dma source(%dma_start3A_582 : memref<10240x128xf32, #tpu.memory_space<hbm>>) target(%dma_start3A_576 : memref<128x128xf32, #tpu.memory_space<vmem>>) offsets(%dma_start3A_579 : memref<128xi32, #tpu.memory_space<vmem>>) semaphore(%arg12 : memref<!tpu.dma_semaphore, #tpu.memory_space<semaphore_mem>>)
      %dma_wait3A_583 = arith.constant 11 : i32
      %dma_wait3A_584 = arith.constant 1 : i32
      %dma_wait3A_585 = arith.constant 0 : i32
      %dma_wait3A_586 = arith.constant 0 : i32
      %dma_wait3A_587 = tpu.memref_slice %arg10[%dma_wait3A_584, %dma_wait3A_585, %dma_wait3A_586] : memref<2x128x128xf32, #tpu.memory_space<vmem>> -> memref<1x128x128xf32, #tpu.memory_space<vmem>>
      %dma_wait3A_588 = tpu.memref_squeeze %dma_wait3A_587 : memref<1x128x128xf32, #tpu.memory_space<vmem>> -> memref<128x128xf32, #tpu.memory_space<vmem>>
      %dma_wait3A_589 = arith.constant 0 : i32
      %dma_wait3A_590 = tpu.memref_slice %arg8[%rem3A_51, %dma_wait3A_583, %dma_wait3A_589] : memref<2x16x128xi32, #tpu.memory_space<vmem>> -> memref<1x1x128xi32, #tpu.memory_space<vmem>>
      %dma_wait3A_591 = tpu.memref_squeeze %dma_wait3A_590 : memref<1x1x128xi32, #tpu.memory_space<vmem>> -> memref<128xi32, #tpu.memory_space<vmem>>
      %dma_wait3A_592 = arith.constant 0 : i32
      %dma_wait3A_593 = arith.constant 0 : i32
      %dma_wait3A_594 = tpu.memref_slice %arg2[%dma_wait3A_592, %dma_wait3A_593] : memref<10240x128xf32, #tpu.memory_space<hbm>> -> memref<10240x128xf32, #tpu.memory_space<hbm>>
      tpu.wait_indirect_dma semaphore(%arg12 : memref<!tpu.dma_semaphore, #tpu.memory_space<semaphore_mem>>) src(%dma_wait3A_594 : memref<10240x128xf32, #tpu.memory_space<hbm>>) dst(%dma_wait3A_588 : memref<128x128xf32, #tpu.memory_space<vmem>>)
      %dma_start3A_595 = arith.constant 1 : i32
      %dma_start3A_596 = arith.constant 11 : i32
      %dma_start3A_597 = arith.constant 0 : i32
      %dma_start3A_598 = arith.constant 0 : i32
      %dma_start3A_599 = tpu.memref_slice %arg10[%dma_start3A_595, %dma_start3A_597, %dma_start3A_598] : memref<2x128x128xf32, #tpu.memory_space<vmem>> -> memref<1x128x128xf32, #tpu.memory_space<vmem>>
      %dma_start3A_600 = tpu.memref_squeeze %dma_start3A_599 : memref<1x128x128xf32, #tpu.memory_space<vmem>> -> memref<128x128xf32, #tpu.memory_space<vmem>>
      %dma_start3A_601 = arith.constant 0 : i32
      %dma_start3A_602 = tpu.memref_slice %arg9[%rem3A_51, %dma_start3A_596, %dma_start3A_601] : memref<2x16x128xi32, #tpu.memory_space<vmem>> -> memref<1x1x128xi32, #tpu.memory_space<vmem>>
      %dma_start3A_603 = tpu.memref_squeeze %dma_start3A_602 : memref<1x1x128xi32, #tpu.memory_space<vmem>> -> memref<128xi32, #tpu.memory_space<vmem>>
      %dma_start3A_604 = arith.constant 0 : i32
      %dma_start3A_605 = arith.constant 0 : i32
      %dma_start3A_606 = tpu.memref_slice %arg7[%dma_start3A_604, %dma_start3A_605] : memref<10240x128xf32, #tpu.memory_space<vmem_shared>> -> memref<10240x128xf32, #tpu.memory_space<vmem_shared>>
      tpu.enqueue_indirect_dma source(%dma_start3A_600 : memref<128x128xf32, #tpu.memory_space<vmem>>) target(%dma_start3A_606 : memref<10240x128xf32, #tpu.memory_space<vmem_shared>>) offsets(%dma_start3A_603 : memref<128xi32, #tpu.memory_space<vmem>>) semaphore(%arg14 : memref<!tpu.dma_semaphore, #tpu.memory_space<semaphore_mem>>) {add = true}
      %dma_wait3A_607 = arith.constant 0 : i32
      %dma_wait3A_608 = arith.constant 11 : i32
      %dma_wait3A_609 = arith.constant 0 : i32
      %dma_wait3A_610 = arith.constant 0 : i32
      %dma_wait3A_611 = tpu.memref_slice %arg10[%dma_wait3A_607, %dma_wait3A_609, %dma_wait3A_610] : memref<2x128x128xf32, #tpu.memory_space<vmem>> -> memref<1x128x128xf32, #tpu.memory_space<vmem>>
      %dma_wait3A_612 = tpu.memref_squeeze %dma_wait3A_611 : memref<1x128x128xf32, #tpu.memory_space<vmem>> -> memref<128x128xf32, #tpu.memory_space<vmem>>
      %dma_wait3A_613 = arith.constant 0 : i32
      %dma_wait3A_614 = tpu.memref_slice %arg9[%rem3A_51, %dma_wait3A_608, %dma_wait3A_613] : memref<2x16x128xi32, #tpu.memory_space<vmem>> -> memref<1x1x128xi32, #tpu.memory_space<vmem>>
      %dma_wait3A_615 = tpu.memref_squeeze %dma_wait3A_614 : memref<1x1x128xi32, #tpu.memory_space<vmem>> -> memref<128xi32, #tpu.memory_space<vmem>>
      %dma_wait3A_616 = arith.constant 0 : i32
      %dma_wait3A_617 = arith.constant 0 : i32
      %dma_wait3A_618 = tpu.memref_slice %arg7[%dma_wait3A_616, %dma_wait3A_617] : memref<10240x128xf32, #tpu.memory_space<vmem_shared>> -> memref<10240x128xf32, #tpu.memory_space<vmem_shared>>
      tpu.wait_indirect_dma semaphore(%arg13 : memref<!tpu.dma_semaphore, #tpu.memory_space<semaphore_mem>>) src(%dma_wait3A_612 : memref<128x128xf32, #tpu.memory_space<vmem>>) dst(%dma_wait3A_618 : memref<10240x128xf32, #tpu.memory_space<vmem_shared>>)
      %dma_start3A_619 = arith.constant 12 : i32
      %dma_start3A_620 = arith.constant 0 : i32
      %dma_start3A_621 = arith.constant 0 : i32
      %dma_start3A_622 = arith.constant 0 : i32
      %dma_start3A_623 = tpu.memref_slice %arg10[%dma_start3A_620, %dma_start3A_621, %dma_start3A_622] : memref<2x128x128xf32, #tpu.memory_space<vmem>> -> memref<1x128x128xf32, #tpu.memory_space<vmem>>
      %dma_start3A_624 = tpu.memref_squeeze %dma_start3A_623 : memref<1x128x128xf32, #tpu.memory_space<vmem>> -> memref<128x128xf32, #tpu.memory_space<vmem>>
      %dma_start3A_625 = arith.constant 0 : i32
      %dma_start3A_626 = tpu.memref_slice %arg8[%rem3A_51, %dma_start3A_619, %dma_start3A_625] : memref<2x16x128xi32, #tpu.memory_space<vmem>> -> memref<1x1x128xi32, #tpu.memory_space<vmem>>
      %dma_start3A_627 = tpu.memref_squeeze %dma_start3A_626 : memref<1x1x128xi32, #tpu.memory_space<vmem>> -> memref<128xi32, #tpu.memory_space<vmem>>
      %dma_start3A_628 = arith.constant 0 : i32
      %dma_start3A_629 = arith.constant 0 : i32
      %dma_start3A_630 = tpu.memref_slice %arg2[%dma_start3A_628, %dma_start3A_629] : memref<10240x128xf32, #tpu.memory_space<hbm>> -> memref<10240x128xf32, #tpu.memory_space<hbm>>
      tpu.enqueue_indirect_dma source(%dma_start3A_630 : memref<10240x128xf32, #tpu.memory_space<hbm>>) target(%dma_start3A_624 : memref<128x128xf32, #tpu.memory_space<vmem>>) offsets(%dma_start3A_627 : memref<128xi32, #tpu.memory_space<vmem>>) semaphore(%arg11 : memref<!tpu.dma_semaphore, #tpu.memory_space<semaphore_mem>>)
      %dma_wait3A_631 = arith.constant 12 : i32
      %dma_wait3A_632 = arith.constant 0 : i32
      %dma_wait3A_633 = arith.constant 0 : i32
      %dma_wait3A_634 = arith.constant 0 : i32
      %dma_wait3A_635 = tpu.memref_slice %arg10[%dma_wait3A_632, %dma_wait3A_633, %dma_wait3A_634] : memref<2x128x128xf32, #tpu.memory_space<vmem>> -> memref<1x128x128xf32, #tpu.memory_space<vmem>>
      %dma_wait3A_636 = tpu.memref_squeeze %dma_wait3A_635 : memref<1x128x128xf32, #tpu.memory_space<vmem>> -> memref<128x128xf32, #tpu.memory_space<vmem>>
      %dma_wait3A_637 = arith.constant 0 : i32
      %dma_wait3A_638 = tpu.memref_slice %arg8[%rem3A_51, %dma_wait3A_631, %dma_wait3A_637] : memref<2x16x128xi32, #tpu.memory_space<vmem>> -> memref<1x1x128xi32, #tpu.memory_space<vmem>>
      %dma_wait3A_639 = tpu.memref_squeeze %dma_wait3A_638 : memref<1x1x128xi32, #tpu.memory_space<vmem>> -> memref<128xi32, #tpu.memory_space<vmem>>
      %dma_wait3A_640 = arith.constant 0 : i32
      %dma_wait3A_641 = arith.constant 0 : i32
      %dma_wait3A_642 = tpu.memref_slice %arg2[%dma_wait3A_640, %dma_wait3A_641] : memref<10240x128xf32, #tpu.memory_space<hbm>> -> memref<10240x128xf32, #tpu.memory_space<hbm>>
      tpu.wait_indirect_dma semaphore(%arg11 : memref<!tpu.dma_semaphore, #tpu.memory_space<semaphore_mem>>) src(%dma_wait3A_642 : memref<10240x128xf32, #tpu.memory_space<hbm>>) dst(%dma_wait3A_636 : memref<128x128xf32, #tpu.memory_space<vmem>>)
      %dma_start3A_643 = arith.constant 0 : i32
      %dma_start3A_644 = arith.constant 12 : i32
      %dma_start3A_645 = arith.constant 0 : i32
      %dma_start3A_646 = arith.constant 0 : i32
      %dma_start3A_647 = tpu.memref_slice %arg10[%dma_start3A_643, %dma_start3A_645, %dma_start3A_646] : memref<2x128x128xf32, #tpu.memory_space<vmem>> -> memref<1x128x128xf32, #tpu.memory_space<vmem>>
      %dma_start3A_648 = tpu.memref_squeeze %dma_start3A_647 : memref<1x128x128xf32, #tpu.memory_space<vmem>> -> memref<128x128xf32, #tpu.memory_space<vmem>>
      %dma_start3A_649 = arith.constant 0 : i32
      %dma_start3A_650 = tpu.memref_slice %arg9[%rem3A_51, %dma_start3A_644, %dma_start3A_649] : memref<2x16x128xi32, #tpu.memory_space<vmem>> -> memref<1x1x128xi32, #tpu.memory_space<vmem>>
      %dma_start3A_651 = tpu.memref_squeeze %dma_start3A_650 : memref<1x1x128xi32, #tpu.memory_space<vmem>> -> memref<128xi32, #tpu.memory_space<vmem>>
      %dma_start3A_652 = arith.constant 0 : i32
      %dma_start3A_653 = arith.constant 0 : i32
      %dma_start3A_654 = tpu.memref_slice %arg7[%dma_start3A_652, %dma_start3A_653] : memref<10240x128xf32, #tpu.memory_space<vmem_shared>> -> memref<10240x128xf32, #tpu.memory_space<vmem_shared>>
      tpu.enqueue_indirect_dma source(%dma_start3A_648 : memref<128x128xf32, #tpu.memory_space<vmem>>) target(%dma_start3A_654 : memref<10240x128xf32, #tpu.memory_space<vmem_shared>>) offsets(%dma_start3A_651 : memref<128xi32, #tpu.memory_space<vmem>>) semaphore(%arg13 : memref<!tpu.dma_semaphore, #tpu.memory_space<semaphore_mem>>) {add = true}
      %dma_wait3A_655 = arith.constant 1 : i32
      %dma_wait3A_656 = arith.constant 12 : i32
      %dma_wait3A_657 = arith.constant 0 : i32
      %dma_wait3A_658 = arith.constant 0 : i32
      %dma_wait3A_659 = tpu.memref_slice %arg10[%dma_wait3A_655, %dma_wait3A_657, %dma_wait3A_658] : memref<2x128x128xf32, #tpu.memory_space<vmem>> -> memref<1x128x128xf32, #tpu.memory_space<vmem>>
      %dma_wait3A_660 = tpu.memref_squeeze %dma_wait3A_659 : memref<1x128x128xf32, #tpu.memory_space<vmem>> -> memref<128x128xf32, #tpu.memory_space<vmem>>
      %dma_wait3A_661 = arith.constant 0 : i32
      %dma_wait3A_662 = tpu.memref_slice %arg9[%rem3A_51, %dma_wait3A_656, %dma_wait3A_661] : memref<2x16x128xi32, #tpu.memory_space<vmem>> -> memref<1x1x128xi32, #tpu.memory_space<vmem>>
      %dma_wait3A_663 = tpu.memref_squeeze %dma_wait3A_662 : memref<1x1x128xi32, #tpu.memory_space<vmem>> -> memref<128xi32, #tpu.memory_space<vmem>>
      %dma_wait3A_664 = arith.constant 0 : i32
      %dma_wait3A_665 = arith.constant 0 : i32
      %dma_wait3A_666 = tpu.memref_slice %arg7[%dma_wait3A_664, %dma_wait3A_665] : memref<10240x128xf32, #tpu.memory_space<vmem_shared>> -> memref<10240x128xf32, #tpu.memory_space<vmem_shared>>
      tpu.wait_indirect_dma semaphore(%arg14 : memref<!tpu.dma_semaphore, #tpu.memory_space<semaphore_mem>>) src(%dma_wait3A_660 : memref<128x128xf32, #tpu.memory_space<vmem>>) dst(%dma_wait3A_666 : memref<10240x128xf32, #tpu.memory_space<vmem_shared>>)
      %dma_start3A_667 = arith.constant 13 : i32
      %dma_start3A_668 = arith.constant 1 : i32
      %dma_start3A_669 = arith.constant 0 : i32
      %dma_start3A_670 = arith.constant 0 : i32
      %dma_start3A_671 = tpu.memref_slice %arg10[%dma_start3A_668, %dma_start3A_669, %dma_start3A_670] : memref<2x128x128xf32, #tpu.memory_space<vmem>> -> memref<1x128x128xf32, #tpu.memory_space<vmem>>
      %dma_start3A_672 = tpu.memref_squeeze %dma_start3A_671 : memref<1x128x128xf32, #tpu.memory_space<vmem>> -> memref<128x128xf32, #tpu.memory_space<vmem>>
      %dma_start3A_673 = arith.constant 0 : i32
      %dma_start3A_674 = tpu.memref_slice %arg8[%rem3A_51, %dma_start3A_667, %dma_start3A_673] : memref<2x16x128xi32, #tpu.memory_space<vmem>> -> memref<1x1x128xi32, #tpu.memory_space<vmem>>
      %dma_start3A_675 = tpu.memref_squeeze %dma_start3A_674 : memref<1x1x128xi32, #tpu.memory_space<vmem>> -> memref<128xi32, #tpu.memory_space<vmem>>
      %dma_start3A_676 = arith.constant 0 : i32
      %dma_start3A_677 = arith.constant 0 : i32
      %dma_start3A_678 = tpu.memref_slice %arg2[%dma_start3A_676, %dma_start3A_677] : memref<10240x128xf32, #tpu.memory_space<hbm>> -> memref<10240x128xf32, #tpu.memory_space<hbm>>
      tpu.enqueue_indirect_dma source(%dma_start3A_678 : memref<10240x128xf32, #tpu.memory_space<hbm>>) target(%dma_start3A_672 : memref<128x128xf32, #tpu.memory_space<vmem>>) offsets(%dma_start3A_675 : memref<128xi32, #tpu.memory_space<vmem>>) semaphore(%arg12 : memref<!tpu.dma_semaphore, #tpu.memory_space<semaphore_mem>>)
      %dma_wait3A_679 = arith.constant 13 : i32
      %dma_wait3A_680 = arith.constant 1 : i32
      %dma_wait3A_681 = arith.constant 0 : i32
      %dma_wait3A_682 = arith.constant 0 : i32
      %dma_wait3A_683 = tpu.memref_slice %arg10[%dma_wait3A_680, %dma_wait3A_681, %dma_wait3A_682] : memref<2x128x128xf32, #tpu.memory_space<vmem>> -> memref<1x128x128xf32, #tpu.memory_space<vmem>>
      %dma_wait3A_684 = tpu.memref_squeeze %dma_wait3A_683 : memref<1x128x128xf32, #tpu.memory_space<vmem>> -> memref<128x128xf32, #tpu.memory_space<vmem>>
      %dma_wait3A_685 = arith.constant 0 : i32
      %dma_wait3A_686 = tpu.memref_slice %arg8[%rem3A_51, %dma_wait3A_679, %dma_wait3A_685] : memref<2x16x128xi32, #tpu.memory_space<vmem>> -> memref<1x1x128xi32, #tpu.memory_space<vmem>>
      %dma_wait3A_687 = tpu.memref_squeeze %dma_wait3A_686 : memref<1x1x128xi32, #tpu.memory_space<vmem>> -> memref<128xi32, #tpu.memory_space<vmem>>
      %dma_wait3A_688 = arith.constant 0 : i32
      %dma_wait3A_689 = arith.constant 0 : i32
      %dma_wait3A_690 = tpu.memref_slice %arg2[%dma_wait3A_688, %dma_wait3A_689] : memref<10240x128xf32, #tpu.memory_space<hbm>> -> memref<10240x128xf32, #tpu.memory_space<hbm>>
      tpu.wait_indirect_dma semaphore(%arg12 : memref<!tpu.dma_semaphore, #tpu.memory_space<semaphore_mem>>) src(%dma_wait3A_690 : memref<10240x128xf32, #tpu.memory_space<hbm>>) dst(%dma_wait3A_684 : memref<128x128xf32, #tpu.memory_space<vmem>>)
      %dma_start3A_691 = arith.constant 1 : i32
      %dma_start3A_692 = arith.constant 13 : i32
      %dma_start3A_693 = arith.constant 0 : i32
      %dma_start3A_694 = arith.constant 0 : i32
      %dma_start3A_695 = tpu.memref_slice %arg10[%dma_start3A_691, %dma_start3A_693, %dma_start3A_694] : memref<2x128x128xf32, #tpu.memory_space<vmem>> -> memref<1x128x128xf32, #tpu.memory_space<vmem>>
      %dma_start3A_696 = tpu.memref_squeeze %dma_start3A_695 : memref<1x128x128xf32, #tpu.memory_space<vmem>> -> memref<128x128xf32, #tpu.memory_space<vmem>>
      %dma_start3A_697 = arith.constant 0 : i32
      %dma_start3A_698 = tpu.memref_slice %arg9[%rem3A_51, %dma_start3A_692, %dma_start3A_697] : memref<2x16x128xi32, #tpu.memory_space<vmem>> -> memref<1x1x128xi32, #tpu.memory_space<vmem>>
      %dma_start3A_699 = tpu.memref_squeeze %dma_start3A_698 : memref<1x1x128xi32, #tpu.memory_space<vmem>> -> memref<128xi32, #tpu.memory_space<vmem>>
      %dma_start3A_700 = arith.constant 0 : i32
      %dma_start3A_701 = arith.constant 0 : i32
      %dma_start3A_702 = tpu.memref_slice %arg7[%dma_start3A_700, %dma_start3A_701] : memref<10240x128xf32, #tpu.memory_space<vmem_shared>> -> memref<10240x128xf32, #tpu.memory_space<vmem_shared>>
      tpu.enqueue_indirect_dma source(%dma_start3A_696 : memref<128x128xf32, #tpu.memory_space<vmem>>) target(%dma_start3A_702 : memref<10240x128xf32, #tpu.memory_space<vmem_shared>>) offsets(%dma_start3A_699 : memref<128xi32, #tpu.memory_space<vmem>>) semaphore(%arg14 : memref<!tpu.dma_semaphore, #tpu.memory_space<semaphore_mem>>) {add = true}
      %dma_wait3A_703 = arith.constant 0 : i32
      %dma_wait3A_704 = arith.constant 13 : i32
      %dma_wait3A_705 = arith.constant 0 : i32
      %dma_wait3A_706 = arith.constant 0 : i32
      %dma_wait3A_707 = tpu.memref_slice %arg10[%dma_wait3A_703, %dma_wait3A_705, %dma_wait3A_706] : memref<2x128x128xf32, #tpu.memory_space<vmem>> -> memref<1x128x128xf32, #tpu.memory_space<vmem>>
      %dma_wait3A_708 = tpu.memref_squeeze %dma_wait3A_707 : memref<1x128x128xf32, #tpu.memory_space<vmem>> -> memref<128x128xf32, #tpu.memory_space<vmem>>
      %dma_wait3A_709 = arith.constant 0 : i32
      %dma_wait3A_710 = tpu.memref_slice %arg9[%rem3A_51, %dma_wait3A_704, %dma_wait3A_709] : memref<2x16x128xi32, #tpu.memory_space<vmem>> -> memref<1x1x128xi32, #tpu.memory_space<vmem>>
      %dma_wait3A_711 = tpu.memref_squeeze %dma_wait3A_710 : memref<1x1x128xi32, #tpu.memory_space<vmem>> -> memref<128xi32, #tpu.memory_space<vmem>>
      %dma_wait3A_712 = arith.constant 0 : i32
      %dma_wait3A_713 = arith.constant 0 : i32
      %dma_wait3A_714 = tpu.memref_slice %arg7[%dma_wait3A_712, %dma_wait3A_713] : memref<10240x128xf32, #tpu.memory_space<vmem_shared>> -> memref<10240x128xf32, #tpu.memory_space<vmem_shared>>
      tpu.wait_indirect_dma semaphore(%arg13 : memref<!tpu.dma_semaphore, #tpu.memory_space<semaphore_mem>>) src(%dma_wait3A_708 : memref<128x128xf32, #tpu.memory_space<vmem>>) dst(%dma_wait3A_714 : memref<10240x128xf32, #tpu.memory_space<vmem_shared>>)
      %dma_start3A_715 = arith.constant 14 : i32
      %dma_start3A_716 = arith.constant 0 : i32
      %dma_start3A_717 = arith.constant 0 : i32
      %dma_start3A_718 = arith.constant 0 : i32
      %dma_start3A_719 = tpu.memref_slice %arg10[%dma_start3A_716, %dma_start3A_717, %dma_start3A_718] : memref<2x128x128xf32, #tpu.memory_space<vmem>> -> memref<1x128x128xf32, #tpu.memory_space<vmem>>
      %dma_start3A_720 = tpu.memref_squeeze %dma_start3A_719 : memref<1x128x128xf32, #tpu.memory_space<vmem>> -> memref<128x128xf32, #tpu.memory_space<vmem>>
      %dma_start3A_721 = arith.constant 0 : i32
      %dma_start3A_722 = tpu.memref_slice %arg8[%rem3A_51, %dma_start3A_715, %dma_start3A_721] : memref<2x16x128xi32, #tpu.memory_space<vmem>> -> memref<1x1x128xi32, #tpu.memory_space<vmem>>
      %dma_start3A_723 = tpu.memref_squeeze %dma_start3A_722 : memref<1x1x128xi32, #tpu.memory_space<vmem>> -> memref<128xi32, #tpu.memory_space<vmem>>
      %dma_start3A_724 = arith.constant 0 : i32
      %dma_start3A_725 = arith.constant 0 : i32
      %dma_start3A_726 = tpu.memref_slice %arg2[%dma_start3A_724, %dma_start3A_725] : memref<10240x128xf32, #tpu.memory_space<hbm>> -> memref<10240x128xf32, #tpu.memory_space<hbm>>
      tpu.enqueue_indirect_dma source(%dma_start3A_726 : memref<10240x128xf32, #tpu.memory_space<hbm>>) target(%dma_start3A_720 : memref<128x128xf32, #tpu.memory_space<vmem>>) offsets(%dma_start3A_723 : memref<128xi32, #tpu.memory_space<vmem>>) semaphore(%arg11 : memref<!tpu.dma_semaphore, #tpu.memory_space<semaphore_mem>>)
      %dma_wait3A_727 = arith.constant 14 : i32
      %dma_wait3A_728 = arith.constant 0 : i32
      %dma_wait3A_729 = arith.constant 0 : i32
      %dma_wait3A_730 = arith.constant 0 : i32
      %dma_wait3A_731 = tpu.memref_slice %arg10[%dma_wait3A_728, %dma_wait3A_729, %dma_wait3A_730] : memref<2x128x128xf32, #tpu.memory_space<vmem>> -> memref<1x128x128xf32, #tpu.memory_space<vmem>>
      %dma_wait3A_732 = tpu.memref_squeeze %dma_wait3A_731 : memref<1x128x128xf32, #tpu.memory_space<vmem>> -> memref<128x128xf32, #tpu.memory_space<vmem>>
      %dma_wait3A_733 = arith.constant 0 : i32
      %dma_wait3A_734 = tpu.memref_slice %arg8[%rem3A_51, %dma_wait3A_727, %dma_wait3A_733] : memref<2x16x128xi32, #tpu.memory_space<vmem>> -> memref<1x1x128xi32, #tpu.memory_space<vmem>>
      %dma_wait3A_735 = tpu.memref_squeeze %dma_wait3A_734 : memref<1x1x128xi32, #tpu.memory_space<vmem>> -> memref<128xi32, #tpu.memory_space<vmem>>
      %dma_wait3A_736 = arith.constant 0 : i32
      %dma_wait3A_737 = arith.constant 0 : i32
      %dma_wait3A_738 = tpu.memref_slice %arg2[%dma_wait3A_736, %dma_wait3A_737] : memref<10240x128xf32, #tpu.memory_space<hbm>> -> memref<10240x128xf32, #tpu.memory_space<hbm>>
      tpu.wait_indirect_dma semaphore(%arg11 : memref<!tpu.dma_semaphore, #tpu.memory_space<semaphore_mem>>) src(%dma_wait3A_738 : memref<10240x128xf32, #tpu.memory_space<hbm>>) dst(%dma_wait3A_732 : memref<128x128xf32, #tpu.memory_space<vmem>>)
      %dma_start3A_739 = arith.constant 0 : i32
      %dma_start3A_740 = arith.constant 14 : i32
      %dma_start3A_741 = arith.constant 0 : i32
      %dma_start3A_742 = arith.constant 0 : i32
      %dma_start3A_743 = tpu.memref_slice %arg10[%dma_start3A_739, %dma_start3A_741, %dma_start3A_742] : memref<2x128x128xf32, #tpu.memory_space<vmem>> -> memref<1x128x128xf32, #tpu.memory_space<vmem>>
      %dma_start3A_744 = tpu.memref_squeeze %dma_start3A_743 : memref<1x128x128xf32, #tpu.memory_space<vmem>> -> memref<128x128xf32, #tpu.memory_space<vmem>>
      %dma_start3A_745 = arith.constant 0 : i32
      %dma_start3A_746 = tpu.memref_slice %arg9[%rem3A_51, %dma_start3A_740, %dma_start3A_745] : memref<2x16x128xi32, #tpu.memory_space<vmem>> -> memref<1x1x128xi32, #tpu.memory_space<vmem>>
      %dma_start3A_747 = tpu.memref_squeeze %dma_start3A_746 : memref<1x1x128xi32, #tpu.memory_space<vmem>> -> memref<128xi32, #tpu.memory_space<vmem>>
      %dma_start3A_748 = arith.constant 0 : i32
      %dma_start3A_749 = arith.constant 0 : i32
      %dma_start3A_750 = tpu.memref_slice %arg7[%dma_start3A_748, %dma_start3A_749] : memref<10240x128xf32, #tpu.memory_space<vmem_shared>> -> memref<10240x128xf32, #tpu.memory_space<vmem_shared>>
      tpu.enqueue_indirect_dma source(%dma_start3A_744 : memref<128x128xf32, #tpu.memory_space<vmem>>) target(%dma_start3A_750 : memref<10240x128xf32, #tpu.memory_space<vmem_shared>>) offsets(%dma_start3A_747 : memref<128xi32, #tpu.memory_space<vmem>>) semaphore(%arg13 : memref<!tpu.dma_semaphore, #tpu.memory_space<semaphore_mem>>) {add = true}
      %dma_wait3A_751 = arith.constant 1 : i32
      %dma_wait3A_752 = arith.constant 14 : i32
      %dma_wait3A_753 = arith.constant 0 : i32
      %dma_wait3A_754 = arith.constant 0 : i32
      %dma_wait3A_755 = tpu.memref_slice %arg10[%dma_wait3A_751, %dma_wait3A_753, %dma_wait3A_754] : memref<2x128x128xf32, #tpu.memory_space<vmem>> -> memref<1x128x128xf32, #tpu.memory_space<vmem>>
      %dma_wait3A_756 = tpu.memref_squeeze %dma_wait3A_755 : memref<1x128x128xf32, #tpu.memory_space<vmem>> -> memref<128x128xf32, #tpu.memory_space<vmem>>
      %dma_wait3A_757 = arith.constant 0 : i32
      %dma_wait3A_758 = tpu.memref_slice %arg9[%rem3A_51, %dma_wait3A_752, %dma_wait3A_757] : memref<2x16x128xi32, #tpu.memory_space<vmem>> -> memref<1x1x128xi32, #tpu.memory_space<vmem>>
      %dma_wait3A_759 = tpu.memref_squeeze %dma_wait3A_758 : memref<1x1x128xi32, #tpu.memory_space<vmem>> -> memref<128xi32, #tpu.memory_space<vmem>>
      %dma_wait3A_760 = arith.constant 0 : i32
      %dma_wait3A_761 = arith.constant 0 : i32
      %dma_wait3A_762 = tpu.memref_slice %arg7[%dma_wait3A_760, %dma_wait3A_761] : memref<10240x128xf32, #tpu.memory_space<vmem_shared>> -> memref<10240x128xf32, #tpu.memory_space<vmem_shared>>
      tpu.wait_indirect_dma semaphore(%arg14 : memref<!tpu.dma_semaphore, #tpu.memory_space<semaphore_mem>>) src(%dma_wait3A_756 : memref<128x128xf32, #tpu.memory_space<vmem>>) dst(%dma_wait3A_762 : memref<10240x128xf32, #tpu.memory_space<vmem_shared>>)
      %dma_start3A_763 = arith.constant 15 : i32
      %dma_start3A_764 = arith.constant 1 : i32
      %dma_start3A_765 = arith.constant 0 : i32
      %dma_start3A_766 = arith.constant 0 : i32
      %dma_start3A_767 = tpu.memref_slice %arg10[%dma_start3A_764, %dma_start3A_765, %dma_start3A_766] : memref<2x128x128xf32, #tpu.memory_space<vmem>> -> memref<1x128x128xf32, #tpu.memory_space<vmem>>
      %dma_start3A_768 = tpu.memref_squeeze %dma_start3A_767 : memref<1x128x128xf32, #tpu.memory_space<vmem>> -> memref<128x128xf32, #tpu.memory_space<vmem>>
      %dma_start3A_769 = arith.constant 0 : i32
      %dma_start3A_770 = tpu.memref_slice %arg8[%rem3A_51, %dma_start3A_763, %dma_start3A_769] : memref<2x16x128xi32, #tpu.memory_space<vmem>> -> memref<1x1x128xi32, #tpu.memory_space<vmem>>
      %dma_start3A_771 = tpu.memref_squeeze %dma_start3A_770 : memref<1x1x128xi32, #tpu.memory_space<vmem>> -> memref<128xi32, #tpu.memory_space<vmem>>
      %dma_start3A_772 = arith.constant 0 : i32
      %dma_start3A_773 = arith.constant 0 : i32
      %dma_start3A_774 = tpu.memref_slice %arg2[%dma_start3A_772, %dma_start3A_773] : memref<10240x128xf32, #tpu.memory_space<hbm>> -> memref<10240x128xf32, #tpu.memory_space<hbm>>
      tpu.enqueue_indirect_dma source(%dma_start3A_774 : memref<10240x128xf32, #tpu.memory_space<hbm>>) target(%dma_start3A_768 : memref<128x128xf32, #tpu.memory_space<vmem>>) offsets(%dma_start3A_771 : memref<128xi32, #tpu.memory_space<vmem>>) semaphore(%arg12 : memref<!tpu.dma_semaphore, #tpu.memory_space<semaphore_mem>>)
      %dma_wait3A_775 = arith.constant 15 : i32
      %dma_wait3A_776 = arith.constant 1 : i32
      %dma_wait3A_777 = arith.constant 0 : i32
      %dma_wait3A_778 = arith.constant 0 : i32
      %dma_wait3A_779 = tpu.memref_slice %arg10[%dma_wait3A_776, %dma_wait3A_777, %dma_wait3A_778] : memref<2x128x128xf32, #tpu.memory_space<vmem>> -> memref<1x128x128xf32, #tpu.memory_space<vmem>>
      %dma_wait3A_780 = tpu.memref_squeeze %dma_wait3A_779 : memref<1x128x128xf32, #tpu.memory_space<vmem>> -> memref<128x128xf32, #tpu.memory_space<vmem>>
      %dma_wait3A_781 = arith.constant 0 : i32
      %dma_wait3A_782 = tpu.memref_slice %arg8[%rem3A_51, %dma_wait3A_775, %dma_wait3A_781] : memref<2x16x128xi32, #tpu.memory_space<vmem>> -> memref<1x1x128xi32, #tpu.memory_space<vmem>>
      %dma_wait3A_783 = tpu.memref_squeeze %dma_wait3A_782 : memref<1x1x128xi32, #tpu.memory_space<vmem>> -> memref<128xi32, #tpu.memory_space<vmem>>
      %dma_wait3A_784 = arith.constant 0 : i32
      %dma_wait3A_785 = arith.constant 0 : i32
      %dma_wait3A_786 = tpu.memref_slice %arg2[%dma_wait3A_784, %dma_wait3A_785] : memref<10240x128xf32, #tpu.memory_space<hbm>> -> memref<10240x128xf32, #tpu.memory_space<hbm>>
      tpu.wait_indirect_dma semaphore(%arg12 : memref<!tpu.dma_semaphore, #tpu.memory_space<semaphore_mem>>) src(%dma_wait3A_786 : memref<10240x128xf32, #tpu.memory_space<hbm>>) dst(%dma_wait3A_780 : memref<128x128xf32, #tpu.memory_space<vmem>>)
      %dma_start3A_787 = arith.constant 1 : i32
      %dma_start3A_788 = arith.constant 15 : i32
      %dma_start3A_789 = arith.constant 0 : i32
      %dma_start3A_790 = arith.constant 0 : i32
      %dma_start3A_791 = tpu.memref_slice %arg10[%dma_start3A_787, %dma_start3A_789, %dma_start3A_790] : memref<2x128x128xf32, #tpu.memory_space<vmem>> -> memref<1x128x128xf32, #tpu.memory_space<vmem>>
      %dma_start3A_792 = tpu.memref_squeeze %dma_start3A_791 : memref<1x128x128xf32, #tpu.memory_space<vmem>> -> memref<128x128xf32, #tpu.memory_space<vmem>>
      %dma_start3A_793 = arith.constant 0 : i32
      %dma_start3A_794 = tpu.memref_slice %arg9[%rem3A_51, %dma_start3A_788, %dma_start3A_793] : memref<2x16x128xi32, #tpu.memory_space<vmem>> -> memref<1x1x128xi32, #tpu.memory_space<vmem>>
      %dma_start3A_795 = tpu.memref_squeeze %dma_start3A_794 : memref<1x1x128xi32, #tpu.memory_space<vmem>> -> memref<128xi32, #tpu.memory_space<vmem>>
      %dma_start3A_796 = arith.constant 0 : i32
      %dma_start3A_797 = arith.constant 0 : i32
      %dma_start3A_798 = tpu.memref_slice %arg7[%dma_start3A_796, %dma_start3A_797] : memref<10240x128xf32, #tpu.memory_space<vmem_shared>> -> memref<10240x128xf32, #tpu.memory_space<vmem_shared>>
      tpu.enqueue_indirect_dma source(%dma_start3A_792 : memref<128x128xf32, #tpu.memory_space<vmem>>) target(%dma_start3A_798 : memref<10240x128xf32, #tpu.memory_space<vmem_shared>>) offsets(%dma_start3A_795 : memref<128xi32, #tpu.memory_space<vmem>>) semaphore(%arg14 : memref<!tpu.dma_semaphore, #tpu.memory_space<semaphore_mem>>) {add = true}
      %lt3A_799 = arith.constant 4 : i32
      %lt3A_800 = arith.cmpi slt, %add3A_50, %lt3A_799 : i32
      %convert_element_type3A_801 = arith.extui %lt3A_800 : i1 to i32
      %cond3A_802 = arith.constant 0 : i32
      %cond3A_803 = arith.cmpi ne, %convert_element_type3A_801, %cond3A_802 : i32
      scf.if %cond3A_803 {
        %dma_wait3A_804 = arith.constant 0 : i32
        %dma_wait3A_805 = arith.constant 0 : i32
        %dma_wait3A_806 = tpu.memref_slice %arg8[%rem3A_55, %dma_wait3A_804, %dma_wait3A_805] : memref<2x16x128xi32, #tpu.memory_space<vmem>> -> memref<1x16x128xi32, #tpu.memory_space<vmem>>
        %dma_wait3A_807 = tpu.memref_squeeze %dma_wait3A_806 : memref<1x16x128xi32, #tpu.memory_space<vmem>> -> memref<16x128xi32, #tpu.memory_space<vmem>>
        %dma_wait3A_808 = arith.constant 0 : i32
        %dma_wait3A_809 = tpu.memref_slice %arg3[%add3A, %multiple_of3A_60, %dma_wait3A_808] : memref<32x80x128xi32, #tpu.memory_space<hbm>> -> memref<1x16x128xi32, #tpu.memory_space<hbm>>
        %dma_wait3A_810 = tpu.memref_squeeze %dma_wait3A_809 : memref<1x16x128xi32, #tpu.memory_space<hbm>> -> memref<16x128xi32, #tpu.memory_space<hbm>>
        %dma_wait3A_811 = arith.constant 0 : i32
        %dma_wait3A_812 = arith.constant 0 : i32
        %dma_wait3A_813 = tpu.memref_slice %arg8[%rem3A_55, %dma_wait3A_811, %dma_wait3A_812] : memref<2x16x128xi32, #tpu.memory_space<vmem>> -> memref<1x16x128xi32, #tpu.memory_space<vmem>>
        %dma_wait3A_814 = tpu.memref_squeeze %dma_wait3A_813 : memref<1x16x128xi32, #tpu.memory_space<vmem>> -> memref<16x128xi32, #tpu.memory_space<vmem>>
        %dma_wait3A_815 = arith.constant 0 : i32
        %dma_wait3A_816 = tpu.memref_slice %arg3[%add3A, %multiple_of3A_60, %dma_wait3A_815] : memref<32x80x128xi32, #tpu.memory_space<hbm>> -> memref<1x16x128xi32, #tpu.memory_space<hbm>>
        %dma_wait3A_817 = tpu.memref_squeeze %dma_wait3A_816 : memref<1x16x128xi32, #tpu.memory_space<hbm>> -> memref<16x128xi32, #tpu.memory_space<hbm>>
        tpu.wait_dma2 semaphore(%arg15 : memref<!tpu.dma_semaphore, #tpu.memory_space<semaphore_mem>>) src(%dma_wait3A_817 : memref<16x128xi32, #tpu.memory_space<hbm>>) dst(%dma_wait3A_814 : memref<16x128xi32, #tpu.memory_space<vmem>>)
        %dma_wait3A_818 = arith.constant 0 : i32
        %dma_wait3A_819 = arith.constant 0 : i32
        %dma_wait3A_820 = tpu.memref_slice %arg9[%rem3A_55, %dma_wait3A_818, %dma_wait3A_819] : memref<2x16x128xi32, #tpu.memory_space<vmem>> -> memref<1x16x128xi32, #tpu.memory_space<vmem>>
        %dma_wait3A_821 = tpu.memref_squeeze %dma_wait3A_820 : memref<1x16x128xi32, #tpu.memory_space<vmem>> -> memref<16x128xi32, #tpu.memory_space<vmem>>
        %dma_wait3A_822 = arith.constant 0 : i32
        %dma_wait3A_823 = tpu.memref_slice %arg4[%add3A, %multiple_of3A_60, %dma_wait3A_822] : memref<32x80x128xi32, #tpu.memory_space<hbm>> -> memref<1x16x128xi32, #tpu.memory_space<hbm>>
        %dma_wait3A_824 = tpu.memref_squeeze %dma_wait3A_823 : memref<1x16x128xi32, #tpu.memory_space<hbm>> -> memref<16x128xi32, #tpu.memory_space<hbm>>
        %dma_wait3A_825 = arith.constant 0 : i32
        %dma_wait3A_826 = arith.constant 0 : i32
        %dma_wait3A_827 = tpu.memref_slice %arg9[%rem3A_55, %dma_wait3A_825, %dma_wait3A_826] : memref<2x16x128xi32, #tpu.memory_space<vmem>> -> memref<1x16x128xi32, #tpu.memory_space<vmem>>
        %dma_wait3A_828 = tpu.memref_squeeze %dma_wait3A_827 : memref<1x16x128xi32, #tpu.memory_space<vmem>> -> memref<16x128xi32, #tpu.memory_space<vmem>>
        %dma_wait3A_829 = arith.constant 0 : i32
        %dma_wait3A_830 = tpu.memref_slice %arg4[%add3A, %multiple_of3A_60, %dma_wait3A_829] : memref<32x80x128xi32, #tpu.memory_space<hbm>> -> memref<1x16x128xi32, #tpu.memory_space<hbm>>
        %dma_wait3A_831 = tpu.memref_squeeze %dma_wait3A_830 : memref<1x16x128xi32, #tpu.memory_space<hbm>> -> memref<16x128xi32, #tpu.memory_space<hbm>>
        tpu.wait_dma2 semaphore(%arg16 : memref<!tpu.dma_semaphore, #tpu.memory_space<semaphore_mem>>) src(%dma_wait3A_831 : memref<16x128xi32, #tpu.memory_space<hbm>>) dst(%dma_wait3A_828 : memref<16x128xi32, #tpu.memory_space<vmem>>)
        %dma_wait3A_832 = arith.constant 0 : i32
        %dma_wait3A_833 = arith.constant 15 : i32
        %dma_wait3A_834 = arith.constant 0 : i32
        %dma_wait3A_835 = arith.constant 0 : i32
        %dma_wait3A_836 = tpu.memref_slice %arg10[%dma_wait3A_832, %dma_wait3A_834, %dma_wait3A_835] : memref<2x128x128xf32, #tpu.memory_space<vmem>> -> memref<1x128x128xf32, #tpu.memory_space<vmem>>
        %dma_wait3A_837 = tpu.memref_squeeze %dma_wait3A_836 : memref<1x128x128xf32, #tpu.memory_space<vmem>> -> memref<128x128xf32, #tpu.memory_space<vmem>>
        %dma_wait3A_838 = arith.constant 0 : i32
        %dma_wait3A_839 = tpu.memref_slice %arg9[%rem3A_51, %dma_wait3A_833, %dma_wait3A_838] : memref<2x16x128xi32, #tpu.memory_space<vmem>> -> memref<1x1x128xi32, #tpu.memory_space<vmem>>
        %dma_wait3A_840 = tpu.memref_squeeze %dma_wait3A_839 : memref<1x1x128xi32, #tpu.memory_space<vmem>> -> memref<128xi32, #tpu.memory_space<vmem>>
        %dma_wait3A_841 = arith.constant 0 : i32
        %dma_wait3A_842 = arith.constant 0 : i32
        %dma_wait3A_843 = tpu.memref_slice %arg7[%dma_wait3A_841, %dma_wait3A_842] : memref<10240x128xf32, #tpu.memory_space<vmem_shared>> -> memref<10240x128xf32, #tpu.memory_space<vmem_shared>>
        tpu.wait_indirect_dma semaphore(%arg13 : memref<!tpu.dma_semaphore, #tpu.memory_space<semaphore_mem>>) src(%dma_wait3A_837 : memref<128x128xf32, #tpu.memory_space<vmem>>) dst(%dma_wait3A_843 : memref<10240x128xf32, #tpu.memory_space<vmem_shared>>)
        %dma_start3A_844 = arith.constant 0 : i32
        %dma_start3A_845 = arith.constant 0 : i32
        %dma_start3A_846 = arith.constant 0 : i32
        %dma_start3A_847 = arith.constant 0 : i32
        %dma_start3A_848 = tpu.memref_slice %arg10[%dma_start3A_845, %dma_start3A_846, %dma_start3A_847] : memref<2x128x128xf32, #tpu.memory_space<vmem>> -> memref<1x128x128xf32, #tpu.memory_space<vmem>>
        %dma_start3A_849 = tpu.memref_squeeze %dma_start3A_848 : memref<1x128x128xf32, #tpu.memory_space<vmem>> -> memref<128x128xf32, #tpu.memory_space<vmem>>
        %dma_start3A_850 = arith.constant 0 : i32
        %dma_start3A_851 = tpu.memref_slice %arg8[%rem3A_55, %dma_start3A_844, %dma_start3A_850] : memref<2x16x128xi32, #tpu.memory_space<vmem>> -> memref<1x1x128xi32, #tpu.memory_space<vmem>>
        %dma_start3A_852 = tpu.memref_squeeze %dma_start3A_851 : memref<1x1x128xi32, #tpu.memory_space<vmem>> -> memref<128xi32, #tpu.memory_space<vmem>>
        %dma_start3A_853 = arith.constant 0 : i32
        %dma_start3A_854 = arith.constant 0 : i32
        %dma_start3A_855 = tpu.memref_slice %arg2[%dma_start3A_853, %dma_start3A_854] : memref<10240x128xf32, #tpu.memory_space<hbm>> -> memref<10240x128xf32, #tpu.memory_space<hbm>>
        tpu.enqueue_indirect_dma source(%dma_start3A_855 : memref<10240x128xf32, #tpu.memory_space<hbm>>) target(%dma_start3A_849 : memref<128x128xf32, #tpu.memory_space<vmem>>) offsets(%dma_start3A_852 : memref<128xi32, #tpu.memory_space<vmem>>) semaphore(%arg11 : memref<!tpu.dma_semaphore, #tpu.memory_space<semaphore_mem>>)
      } else {
      }
    }
    %scan3A_19 = arith.constant 5 : i32
    %dma_wait3A = arith.constant 0 : i32
    %dma_wait3A_20 = arith.constant 0 : i32
    %dma_wait3A_21 = arith.constant 0 : i32
    %dma_wait3A_22 = arith.constant 0 : i32
    %dma_wait3A_23 = arith.constant 0 : i32
    %dma_wait3A_24 = tpu.memref_slice %arg10[%dma_wait3A, %dma_wait3A_22, %dma_wait3A_23] : memref<2x128x128xf32, #tpu.memory_space<vmem>> -> memref<1x128x128xf32, #tpu.memory_space<vmem>>
    %dma_wait3A_25 = tpu.memref_squeeze %dma_wait3A_24 : memref<1x128x128xf32, #tpu.memory_space<vmem>> -> memref<128x128xf32, #tpu.memory_space<vmem>>
    %dma_wait3A_26 = arith.constant 0 : i32
    %dma_wait3A_27 = tpu.memref_slice %arg9[%dma_wait3A_20, %dma_wait3A_21, %dma_wait3A_26] : memref<2x16x128xi32, #tpu.memory_space<vmem>> -> memref<1x1x128xi32, #tpu.memory_space<vmem>>
    %dma_wait3A_28 = tpu.memref_squeeze %dma_wait3A_27 : memref<1x1x128xi32, #tpu.memory_space<vmem>> -> memref<128xi32, #tpu.memory_space<vmem>>
    %dma_wait3A_29 = arith.constant 0 : i32
    %dma_wait3A_30 = arith.constant 0 : i32
    %dma_wait3A_31 = tpu.memref_slice %arg7[%dma_wait3A_29, %dma_wait3A_30] : memref<10240x128xf32, #tpu.memory_space<vmem_shared>> -> memref<10240x128xf32, #tpu.memory_space<vmem_shared>>
    tpu.wait_indirect_dma semaphore(%arg13 : memref<!tpu.dma_semaphore, #tpu.memory_space<semaphore_mem>>) src(%dma_wait3A_25 : memref<128x128xf32, #tpu.memory_space<vmem>>) dst(%dma_wait3A_31 : memref<10240x128xf32, #tpu.memory_space<vmem_shared>>)
    %dma_wait3A_32 = arith.constant 1 : i32
    %dma_wait3A_33 = arith.constant 0 : i32
    %dma_wait3A_34 = arith.constant 0 : i32
    %dma_wait3A_35 = arith.constant 0 : i32
    %dma_wait3A_36 = arith.constant 0 : i32
    %dma_wait3A_37 = tpu.memref_slice %arg10[%dma_wait3A_32, %dma_wait3A_35, %dma_wait3A_36] : memref<2x128x128xf32, #tpu.memory_space<vmem>> -> memref<1x128x128xf32, #tpu.memory_space<vmem>>
    %dma_wait3A_38 = tpu.memref_squeeze %dma_wait3A_37 : memref<1x128x128xf32, #tpu.memory_space<vmem>> -> memref<128x128xf32, #tpu.memory_space<vmem>>
    %dma_wait3A_39 = arith.constant 0 : i32
    %dma_wait3A_40 = tpu.memref_slice %arg9[%dma_wait3A_33, %dma_wait3A_34, %dma_wait3A_39] : memref<2x16x128xi32, #tpu.memory_space<vmem>> -> memref<1x1x128xi32, #tpu.memory_space<vmem>>
    %dma_wait3A_41 = tpu.memref_squeeze %dma_wait3A_40 : memref<1x1x128xi32, #tpu.memory_space<vmem>> -> memref<128xi32, #tpu.memory_space<vmem>>
    %dma_wait3A_42 = arith.constant 0 : i32
    %dma_wait3A_43 = arith.constant 0 : i32
    %dma_wait3A_44 = tpu.memref_slice %arg7[%dma_wait3A_42, %dma_wait3A_43] : memref<10240x128xf32, #tpu.memory_space<vmem_shared>> -> memref<10240x128xf32, #tpu.memory_space<vmem_shared>>
    tpu.wait_indirect_dma semaphore(%arg14 : memref<!tpu.dma_semaphore, #tpu.memory_space<semaphore_mem>>) src(%dma_wait3A_38 : memref<128x128xf32, #tpu.memory_space<vmem>>) dst(%dma_wait3A_44 : memref<10240x128xf32, #tpu.memory_space<vmem_shared>>)
    %barrier3A_45 = arith.constant 0 : index
    tpu.barrier barrier_id(%barrier3A_45)
    "tpu.region"() ({
      %run_scoped3A_46 = tpu.sem_alloc : memref<!tpu.dma_semaphore, #tpu.memory_space<semaphore_mem>>
      %dma_start3A_47 = arith.constant 0 : i32
      %dma_start3A_48 = tpu.memref_slice %arg6[%arg0, %multiple_of3A, %dma_start3A_47] : memref<2x10240x128xf32, #tpu.memory_space<hbm>> -> memref<1x640x128xf32, #tpu.memory_space<hbm>>
      %dma_start3A_49 = tpu.memref_squeeze %dma_start3A_48 : memref<1x640x128xf32, #tpu.memory_space<hbm>> -> memref<640x128xf32, #tpu.memory_space<hbm>>
      %dma_start3A_50 = arith.constant 0 : i32
      %dma_start3A_51 = tpu.memref_slice %arg7[%multiple_of3A, %dma_start3A_50] : memref<10240x128xf32, #tpu.memory_space<vmem_shared>> -> memref<640x128xf32, #tpu.memory_space<vmem_shared>>
      tpu.enqueue_dma source(%dma_start3A_51 : memref<640x128xf32, #tpu.memory_space<vmem_shared>>) target(%dma_start3A_49 : memref<640x128xf32, #tpu.memory_space<hbm>>) target_semaphore(%run_scoped3A_46 : memref<!tpu.dma_semaphore, #tpu.memory_space<semaphore_mem>>)
      %dma_wait3A_52 = arith.constant 0 : i32
      %dma_wait3A_53 = tpu.memref_slice %arg6[%arg0, %multiple_of3A, %dma_wait3A_52] : memref<2x10240x128xf32, #tpu.memory_space<hbm>> -> memref<1x640x128xf32, #tpu.memory_space<hbm>>
      %dma_wait3A_54 = tpu.memref_squeeze %dma_wait3A_53 : memref<1x640x128xf32, #tpu.memory_space<hbm>> -> memref<640x128xf32, #tpu.memory_space<hbm>>
      %dma_wait3A_55 = arith.constant 0 : i32
      %dma_wait3A_56 = tpu.memref_slice %arg7[%multiple_of3A, %dma_wait3A_55] : memref<10240x128xf32, #tpu.memory_space<vmem_shared>> -> memref<640x128xf32, #tpu.memory_space<vmem_shared>>
      tpu.wait_dma2 semaphore(%run_scoped3A_46 : memref<!tpu.dma_semaphore, #tpu.memory_space<semaphore_mem>>) src(%dma_wait3A_56 : memref<640x128xf32, #tpu.memory_space<vmem_shared>>) dst(%dma_wait3A_54 : memref<640x128xf32, #tpu.memory_space<hbm>>)
      tpu.yield
    }) : () -> ()
    return
  }
}

module attributes {stable_mosaic.version = 14 : i64} {
  func.func @_mm_body(%arg0: i32, %arg1: memref<1000x128xf32, #tpu.memory_space<vmem>>, %arg2: memref<128x128xf32, #tpu.memory_space<vmem>>, %arg3: memref<1000x128xf32, #tpu.memory_space<vmem>>) attributes {dimension_semantics = [#tpu.dimension_semantics<arbitrary>], iteration_bounds = array<i64: 10>, scalar_prefetch = 0 : i64, scratch_operands = 0 : i64, tpu.core_type = #tpu.core_type<tc>, window_params = [{transform_indices = @transform_0, window_bounds = array<i64: 1000, 128>}, {pipeline_mode = #tpu.pipeline_mode<synchronous>, transform_indices = @transform_1, window_bounds = array<i64: 128, 128>}, {transform_indices = @transform_2, window_bounds = array<i64: 1000, 128>}]} {
    %get3A = arith.constant 0 : index
    %get3A_0 = arith.constant 0 : index
    %get3A_1 = vector.load %arg1[%get3A, %get3A_0] : memref<1000x128xf32, #tpu.memory_space<vmem>>, vector<1000x128xf32>
    %get3A_2 = arith.constant 0 : index
    %get3A_3 = arith.constant 0 : index
    %get3A_4 = vector.load %arg2[%get3A_2, %get3A_3] : memref<128x128xf32, #tpu.memory_space<vmem>>, vector<128x128xf32>
    %dot_general3A = arith.constant dense<0.000000e+00> : vector<1000x128xf32>
    %dot_general3A_5 = tpu.matmul %get3A_1, %get3A_4, %dot_general3A {dimension_numbers = #tpu.dot_dimension_numbers<[1], [0], [0], [1], [0, 0, 1, 1], [], []>, transpose_lhs_hint = false} : vector<1000x128xf32>, vector<128x128xf32>, vector<1000x128xf32> -> vector<1000x128xf32>
    %swap3A = arith.constant 0 : index
    %swap3A_6 = arith.constant 0 : index
    %swap3A_7 = vector.load %arg3[%swap3A, %swap3A_6] : memref<1000x128xf32, #tpu.memory_space<vmem>>, vector<1000x128xf32>
    tpu.vector_store %arg3[%swap3A, %swap3A_6], %dot_general3A_5 {strides = array<i32>} : memref<1000x128xf32, #tpu.memory_space<vmem>>, vector<1000x128xf32>,
    return
  }
  func.func @transform_0(%arg0: i32) -> (i32, i32) {
    %c0_i32 = arith.constant 0 : i32
    %c0_i32_0 = arith.constant 0 : i32
    return %arg0, %c0_i32 : i32, i32
  }
  func.func @transform_1(%arg0: i32) -> (i32, i32) {
    %c0_i32 = arith.constant 0 : i32
    %c0_i32_0 = arith.constant 0 : i32
    %c0_i32_1 = arith.constant 0 : i32
    return %c0_i32, %c0_i32_0 : i32, i32
  }
  func.func @transform_2(%arg0: i32) -> (i32, i32) {
    %c0_i32 = arith.constant 0 : i32
    %c0_i32_0 = arith.constant 0 : i32
    return %arg0, %c0_i32 : i32, i32
  }
}

module attributes {stable_mosaic.version = 14 : i64} {
  func.func @_scale_body(%arg0: i32, %arg1: memref<1024x128xf32, #tpu.memory_space<vmem>>, %arg2: memref<2x2x1024xf32, #tpu.memory_space<vmem>>, %arg3: memref<1024x128xf32, #tpu.memory_space<vmem>>, %arg4: memref<1024x1xf32, #tpu.memory_space<vmem>>) attributes {dimension_semantics = [#tpu.dimension_semantics<arbitrary>], iteration_bounds = array<i64: 10>, scalar_prefetch = 0 : i64, scratch_operands = 0 : i64, tpu.core_type = #tpu.core_type<tc>, window_params = [{transform_indices = @transform_0, window_bounds = array<i64: 1024, 128>}, {transform_indices = @transform_1, window_bounds = array<i64: 2, 2, 1024>}, {transform_indices = @transform_2, window_bounds = array<i64: 1024, 128>}, {transform_indices = @transform_3, window_bounds = array<i64: 1024, 1>}]} {
    %get3A = arith.constant 0 : index
    %get3A_0 = arith.constant 0 : index
    %get3A_1 = arith.constant 0 : index
    %get3A_2 = vector.load %arg2[%get3A, %get3A_0, %get3A_1] : memref<2x2x1024xf32, #tpu.memory_space<vmem>>, vector<2x2x1024xf32>
    %slice3A = vector.extract_strided_slice %get3A_2 {offsets = [0, 0, 0], sizes = [1, 1, 1024], strides = [1, 1, 1]} : vector<2x2x1024xf32> to vector<1x1x1024xf32>
    %squeeze3A = vector.shape_cast %slice3A : vector<1x1x1024xf32> to vector<1024xf32>
    %slice3A_3 = vector.extract_strided_slice %get3A_2 {offsets = [1, 0, 0], sizes = [1, 1, 1024], strides = [1, 1, 1]} : vector<2x2x1024xf32> to vector<1x1x1024xf32>
    %squeeze3A_4 = vector.shape_cast %slice3A_3 : vector<1x1x1024xf32> to vector<1024xf32>
    %add3A = arith.addf %squeeze3A, %squeeze3A_4 : vector<1024xf32>
    %slice3A_5 = vector.extract_strided_slice %get3A_2 {offsets = [0, 1, 0], sizes = [1, 1, 1024], strides = [1, 1, 1]} : vector<2x2x1024xf32> to vector<1x1x1024xf32>
    %squeeze3A_6 = vector.shape_cast %slice3A_5 : vector<1x1x1024xf32> to vector<1024xf32>
    %slice3A_7 = vector.extract_strided_slice %get3A_2 {offsets = [1, 1, 0], sizes = [1, 1, 1024], strides = [1, 1, 1]} : vector<2x2x1024xf32> to vector<1x1x1024xf32>
    %squeeze3A_8 = vector.shape_cast %slice3A_7 : vector<1x1x1024xf32> to vector<1024xf32>
    %add3A_9 = arith.addf %squeeze3A_6, %squeeze3A_8 : vector<1024xf32>
    %gt3A = arith.constant 0.000000e+00 : f32
    %gt3A_10 = vector.broadcast %gt3A : f32 to vector<1024xf32>
    %gt3A_11 = arith.cmpf ogt, %add3A, %gt3A_10 : vector<1024xf32>
    %max3A = arith.constant 1.000000e+00 : f32
    %max3A_12 = vector.broadcast %max3A : f32 to vector<1024xf32>
    %max3A_13 = arith.maximumf %add3A, %max3A_12 : vector<1024xf32>
    %rsqrt3A = math.rsqrt %max3A_13 : vector<1024xf32>
    %jit3A = arith.constant 0.000000e+00 : f32
    %broadcast_in_dim3A = vector.broadcast %jit3A : f32 to vector<1024xf32>
    %select_n3A = arith.select %gt3A_11, %rsqrt3A, %broadcast_in_dim3A : vector<1024xi1>, vector<1024xf32>
    %gt3A_14 = arith.constant 0.000000e+00 : f32
    %gt3A_15 = vector.broadcast %gt3A_14 : f32 to vector<1024xf32>
    %gt3A_16 = arith.cmpf ogt, %add3A_9, %gt3A_15 : vector<1024xf32>
    %max3A_17 = arith.constant 1.000000e+00 : f32
    %max3A_18 = vector.broadcast %max3A_17 : f32 to vector<1024xf32>
    %max3A_19 = arith.maximumf %add3A_9, %max3A_18 : vector<1024xf32>
    %rsqrt3A_20 = math.rsqrt %max3A_19 : vector<1024xf32>
    %jit3A_21 = arith.constant 0.000000e+00 : f32
    %broadcast_in_dim3A_22 = vector.broadcast %jit3A_21 : f32 to vector<1024xf32>
    %select_n3A_23 = arith.select %gt3A_16, %rsqrt3A_20, %broadcast_in_dim3A_22 : vector<1024xi1>, vector<1024xf32>
    %get3A_24 = arith.constant 0 : index
    %get3A_25 = arith.constant 0 : index
    %get3A_26 = vector.load %arg1[%get3A_24, %get3A_25] : memref<1024x128xf32, #tpu.memory_space<vmem>>, vector<1024x128xf32>
    %broadcast_in_dim3A_27 = vector.shape_cast %select_n3A : vector<1024xf32> to vector<1024x1xf32>
    %mul3A = vector.broadcast %broadcast_in_dim3A_27 : vector<1024x1xf32> to vector<1024x128xf32>
    %mul3A_28 = arith.mulf %get3A_26, %mul3A : vector<1024x128xf32>
    %swap3A = arith.constant 0 : index
    %swap3A_29 = arith.constant 0 : index
    %swap3A_30 = vector.load %arg3[%swap3A, %swap3A_29] : memref<1024x128xf32, #tpu.memory_space<vmem>>, vector<1024x128xf32>
    tpu.vector_store %arg3[%swap3A, %swap3A_29], %mul3A_28 {strides = array<i32>} : memref<1024x128xf32, #tpu.memory_space<vmem>>, vector<1024x128xf32>,
    %broadcast_in_dim3A_31 = vector.shape_cast %select_n3A_23 : vector<1024xf32> to vector<1024x1xf32>
    %swap3A_32 = arith.constant 0 : index
    %swap3A_33 = arith.constant 0 : index
    %swap3A_34 = vector.load %arg4[%swap3A_32, %swap3A_33] : memref<1024x1xf32, #tpu.memory_space<vmem>>, vector<1024x1xf32>
    tpu.vector_store %arg4[%swap3A_32, %swap3A_33], %broadcast_in_dim3A_31 {strides = array<i32>} : memref<1024x1xf32, #tpu.memory_space<vmem>>, vector<1024x1xf32>,
    return
  }
  func.func @transform_0(%arg0: i32) -> (i32, i32) {
    %c0_i32 = arith.constant 0 : i32
    %c0_i32_0 = arith.constant 0 : i32
    return %arg0, %c0_i32 : i32, i32
  }
  func.func @transform_1(%arg0: i32) -> (i32, i32, i32) {
    %c0_i32 = arith.constant 0 : i32
    %c0_i32_0 = arith.constant 0 : i32
    %c0_i32_1 = arith.constant 0 : i32
    return %c0_i32, %c0_i32_0, %arg0 : i32, i32, i32
  }
  func.func @transform_2(%arg0: i32) -> (i32, i32) {
    %c0_i32 = arith.constant 0 : i32
    %c0_i32_0 = arith.constant 0 : i32
    return %arg0, %c0_i32 : i32, i32
  }
  func.func @transform_3(%arg0: i32) -> (i32, i32) {
    %c0_i32 = arith.constant 0 : i32
    %c0_i32_0 = arith.constant 0 : i32
    return %arg0, %c0_i32 : i32, i32
  }
}

module attributes {stable_mosaic.version = 14 : i64} {
  func.func @_ep_body(%arg0: i32, %arg1: memref<2x2000x128xf32, #tpu.memory_space<vmem>>, %arg2: memref<2000x1xf32, #tpu.memory_space<vmem>>, %arg3: memref<1x128xf32, #tpu.memory_space<vmem>>, %arg4: memref<2000x128xf32, #tpu.memory_space<vmem>>, %arg5: memref<2000x128xf32, #tpu.memory_space<vmem>>) attributes {dimension_semantics = [#tpu.dimension_semantics<arbitrary>], iteration_bounds = array<i64: 5>, scalar_prefetch = 0 : i64, scratch_operands = 0 : i64, tpu.core_type = #tpu.core_type<tc>, window_params = [{transform_indices = @transform_0, window_bounds = array<i64: 2, 2000, 128>}, {transform_indices = @transform_1, window_bounds = array<i64: 2000, 1>}, {pipeline_mode = #tpu.pipeline_mode<synchronous>, transform_indices = @transform_2, window_bounds = array<i64: 1, 128>}, {transform_indices = @transform_3, window_bounds = array<i64: 2000, 128>}, {transform_indices = @transform_4, window_bounds = array<i64: 2000, 128>}]} {
    %get3A = arith.constant 0 : index
    %get3A_0 = arith.constant 0 : index
    %get3A_1 = arith.constant 0 : index
    %get3A_2 = vector.load %arg1[%get3A, %get3A_0, %get3A_1] : memref<2x2000x128xf32, #tpu.memory_space<vmem>>, vector<2x2000x128xf32>
    %slice3A = vector.extract_strided_slice %get3A_2 {offsets = [0, 0, 0], sizes = [1, 2000, 128], strides = [1, 1, 1]} : vector<2x2000x128xf32> to vector<1x2000x128xf32>
    %squeeze3A = vector.shape_cast %slice3A : vector<1x2000x128xf32> to vector<2000x128xf32>
    %slice3A_3 = vector.extract_strided_slice %get3A_2 {offsets = [1, 0, 0], sizes = [1, 2000, 128], strides = [1, 1, 1]} : vector<2x2000x128xf32> to vector<1x2000x128xf32>
    %squeeze3A_4 = vector.shape_cast %slice3A_3 : vector<1x2000x128xf32> to vector<2000x128xf32>
    %add3A = arith.addf %squeeze3A, %squeeze3A_4 : vector<2000x128xf32>
    %get3A_5 = arith.constant 0 : index
    %get3A_6 = arith.constant 0 : index
    %get3A_7 = vector.load %arg2[%get3A_5, %get3A_6] : memref<2000x1xf32, #tpu.memory_space<vmem>>, vector<2000x1xf32>
    %mul3A = vector.broadcast %get3A_7 : vector<2000x1xf32> to vector<2000x128xf32>
    %mul3A_8 = arith.mulf %add3A, %mul3A : vector<2000x128xf32>
    %get3A_9 = arith.constant 0 : index
    %get3A_10 = arith.constant 0 : index
    %get3A_11 = vector.load %arg3[%get3A_9, %get3A_10] : memref<1x128xf32, #tpu.memory_space<vmem>>, vector<1x128xf32>
    %add3A_12 = vector.broadcast %get3A_11 : vector<1x128xf32> to vector<2000x128xf32>
    %add3A_13 = arith.addf %mul3A_8, %add3A_12 : vector<2000x128xf32>
    %reduce_sum3A = arith.constant dense<0.000000e+00> : vector<2000xf32>
    %reduce_sum3A_14 = vector.multi_reduction <add>, %add3A_13, %reduce_sum3A [1] : vector<2000x128xf32> to vector<2000xf32>
    %broadcast_in_dim3A = vector.shape_cast %reduce_sum3A_14 : vector<2000xf32> to vector<2000x1xf32>
    %div3A = arith.constant 1.280000e+02 : f32
    %div3A_15 = vector.broadcast %div3A : f32 to vector<2000x1xf32>
    %div3A_16 = arith.divf %broadcast_in_dim3A, %div3A_15 : vector<2000x1xf32>
    %sub3A = vector.broadcast %div3A_16 : vector<2000x1xf32> to vector<2000x128xf32>
    %sub3A_17 = arith.subf %add3A_13, %sub3A : vector<2000x128xf32>
    %mul3A_18 = arith.mulf %sub3A_17, %sub3A_17 : vector<2000x128xf32>
    %reduce_sum3A_19 = arith.constant dense<0.000000e+00> : vector<2000xf32>
    %reduce_sum3A_20 = vector.multi_reduction <add>, %mul3A_18, %reduce_sum3A_19 [1] : vector<2000x128xf32> to vector<2000xf32>
    %broadcast_in_dim3A_21 = vector.shape_cast %reduce_sum3A_20 : vector<2000xf32> to vector<2000x1xf32>
    %div3A_22 = arith.constant 1.280000e+02 : f32
    %div3A_23 = vector.broadcast %div3A_22 : f32 to vector<2000x1xf32>
    %div3A_24 = arith.divf %broadcast_in_dim3A_21, %div3A_23 : vector<2000x1xf32>
    %add3A_25 = arith.constant 9.99999974E-6 : f32
    %add3A_26 = vector.broadcast %add3A_25 : f32 to vector<2000x1xf32>
    %add3A_27 = arith.addf %div3A_24, %add3A_26 : vector<2000x1xf32>
    %sqrt3A = math.sqrt %add3A_27 : vector<2000x1xf32>
    %div3A_28 = vector.broadcast %sqrt3A : vector<2000x1xf32> to vector<2000x128xf32>
    %div3A_29 = arith.divf %sub3A_17, %div3A_28 : vector<2000x128xf32>
    %max3A = arith.constant 0.000000e+00 : f32
    %max3A_30 = vector.broadcast %max3A : f32 to vector<2000x128xf32>
    %max3A_31 = arith.maximumf %div3A_29, %max3A_30 : vector<2000x128xf32>
    %get3A_32 = arith.constant 0 : index
    %get3A_33 = arith.constant 0 : index
    %get3A_34 = vector.load %arg4[%get3A_32, %get3A_33] : memref<2000x128xf32, #tpu.memory_space<vmem>>, vector<2000x128xf32>
    %add3A_35 = arith.addf %max3A_31, %get3A_34 : vector<2000x128xf32>
    %swap3A = arith.constant 0 : index
    %swap3A_36 = arith.constant 0 : index
    %swap3A_37 = vector.load %arg5[%swap3A, %swap3A_36] : memref<2000x128xf32, #tpu.memory_space<vmem>>, vector<2000x128xf32>
    tpu.vector_store %arg5[%swap3A, %swap3A_36], %add3A_35 {strides = array<i32>} : memref<2000x128xf32, #tpu.memory_space<vmem>>, vector<2000x128xf32>,
    return
  }
  func.func @transform_0(%arg0: i32) -> (i32, i32, i32) {
    %c0_i32 = arith.constant 0 : i32
    %c0_i32_0 = arith.constant 0 : i32
    %c0_i32_1 = arith.constant 0 : i32
    return %c0_i32, %arg0, %c0_i32_0 : i32, i32, i32
  }
  func.func @transform_1(%arg0: i32) -> (i32, i32) {
    %c0_i32 = arith.constant 0 : i32
    %c0_i32_0 = arith.constant 0 : i32
    return %arg0, %c0_i32 : i32, i32
  }
  func.func @transform_2(%arg0: i32) -> (i32, i32) {
    %c0_i32 = arith.constant 0 : i32
    %c0_i32_0 = arith.constant 0 : i32
    %c0_i32_1 = arith.constant 0 : i32
    return %c0_i32, %c0_i32_0 : i32, i32
  }
  func.func @transform_3(%arg0: i32) -> (i32, i32) {
    %c0_i32 = arith.constant 0 : i32
    %c0_i32_0 = arith.constant 0 : i32
    return %arg0, %c0_i32 : i32, i32
  }
  func.func @transform_4(%arg0: i32) -> (i32, i32) {
    %c0_i32 = arith.constant 0 : i32
    %c0_i32_0 = arith.constant 0 : i32
    return %arg0, %c0_i32 : i32, i32
  }
}

</mosaic_0001>

<sc_bundles>
// kernel: kernel.10.cloned.1.call-start
scs
__scs_entry_jumppad:
0x0: {  	(pc) =	sbr.rel $0x88, $3  }
0x1: {  	(tag) =	ssettag $0x0;
	lr =	simm.s32 $0x1  }
0x2: {  	[smem:$0x3F9D] =	sst lr;
	_ =	strace $0xD0000000  }
0x3: {  	_ = 	snop  }
0x4: {  	_ = 	snop  }
0x5: {  	_ = 	snop  }
0x6: {  	_ = 	snop  }
0x7: {  	_ = 	snop  }
__scs_overlays_trampoline_lowered:
0x8: {  	[smem:$0x3FAC] =	sst s0  }
0x9: {  	[smem:$0x3FAD] =	sst s1  }
0xa: {  	[smem:$0x3FAE] =	sst s2  }
0xb: {  	[smem:$0x3FAF] =	sst s3  }
0xc: {  	[smem:$0x3FB0] =	sst s4  }
0xd: {  	[smem:$0x3FB1] =	sst s5  }
0xe: {  	[smem:$0x3FB2] =	sst s6  }
0xf: {  	[smem:$0x3FB3] =	sst s7  }
0x10: {  	[smem:$0x3FB4] =	sst s8  }
0x11: {  	[smem:$0x3FB5] =	sst s9;
	s0 =	simm.s32 @!p0 $0x0  }
0x12: {  	s1 =	sld [smem:$0x3F9B];
	s0 =	simm.s32 @p0 $0x1  }
0x13: {  	[smem:$0x3FB6] =	sst s0;
	s0 =	simm.s32 @!p1 $0x0  }
0x14: {  	s2 =	sld [smem:$0x3F9A];
	s0 =	simm.s32 @p1 $0x1  }
0x15: {  	[smem:$0x3FB7] =	sst s0;
	s0 =	simm.s32 @!p2 $0x0  }
0x16: {  	s3 =	sld [smem:$0x3FDB];
	s0 =	simm.s32 @p2 $0x1  }
0x17: {  	s4 =	simm.s32 $0x1BF5;
	[smem:$0x3FB9] =	sst s0  }
0x18: {  	s0 =	sld [smem:$0x3F9C];
	_ =	swait.ge [sflag:s4], $0x0  }
0x19: {  	s7 =	sld [smem:$0x3F9D]  }
0x1a: {  	s8 =	sadd.s32 $0xFFFFE003, lr  }
0x1b: {  	s9 =	sadd.s32 $0xFFFFFEF7, lr;
	s5 =	simm.s32 $0xFFFFFFFF;
	p2 =	slt.u32 s8, $0xFFFFF086  }
0x1c: {  	p1 =	slt.u32 s9, $0xF7A;
	s5 =	simm.s32 @!p2 $0x0  }
0x1d: {  	s5 =	simm.s32 @p1 $0x1;
	p0 =	seq.s32 s7, s2  }
0x1e: {  	s7 =	smul.u32 @!p0 $0xF7A, s2;
	p2 =	seq.s32 @!p0 s5, $0x0  }
0x1f: {  	s9 =	smul.u32 $0xF7A, s1;
	s8 =	simm.s32 @!p0 $0x1BF5;
	p2 =	por !p2, p0  }
0x20: {  	[sflag:s8] =	ssyncset.s32 @!p0 $0xFFFFF086;
	s6 =	sadd.s32 @!p0 s3, s7;
	s7 =	simm.s32 @!p0 $0x108  }
0x21: {  	s3 =	sadd.s32 s3, s9;
	s6 =	sadd.s32 @!p0 $0x88, s6;
	s7 =	simm.s32 @p2 $0x1082  }
0x22: {  	[simem:s7], [sflag:s8] =	dma.local @!p0 [hbm:s6], $0xF7A  }
0x23: {  	s9 =	sor.u32 $0xD0000000, s2;
	s6 =	simm.s32 $0x108;
	_ =	swait.ge @!p0 [sflag:s8], $0x0  }
0x24: {  	s3 =	sadd.s32 $0x88, s3;
	s6 =	simm.s32 @!p1 $0x1082;
	[sflag:s4] =	ssyncset.s32 $0xFFFFF086  }
0x25: {  	[simem:s6], [sflag:s4] =	dma.local [hbm:s3], $0xF7A  }
0x26: {  	[smem:$0x3F9D] =	sst s1;
	(tag) =	ssettag s2;
	_ =	strace s9  }
0x27: {  	s1 =	sld [smem:$0x3FAD]  }
0x28: {  	s2 =	sld [smem:$0x3FAE]  }
0x29: {  	s4 =	sld [smem:$0x3FB0]  }
0x2a: {  	p0 =	seq.s32 s5, $0x0;
	s5 =	sld [smem:$0x3FB1]  }
0x2b: {  	s6 =	sld [smem:$0x3FB2]  }
0x2c: {  	s7 =	sld [smem:$0x3FB3]  }
0x2d: {  	s3 =	simm.s32 $0x108;
	s8 =	sld [smem:$0x3FB4]  }
0x2e: {  	s3 =	simm.s32 @!p0 $0x1082;
	s9 =	sld [smem:$0x3FB5]  }
0x2f: {  	lr =	sadd.s32 s0, s3;
	s0 =	sld [smem:$0x3FAC]  }
0x30: {  	s3 =	sld [smem:$0x3FAF]  }
0x31: {  	[smem:$0x3FB8] =	sst s10  }
0x32: {  	s10 =	sld [smem:$0x3FB6];
	_ =	sdelay $0x3  }
0x33: {  	p0 =	seq.s32 s10, $0x1;
	s10 =	sld [smem:$0x3FB8];
	_ =	sdelay $0x3  }
0x34: {  	[smem:$0x3FB8] =	sst s10  }
0x35: {  	s10 =	sld [smem:$0x3FB7];
	_ =	sdelay $0x3  }
0x36: {  	p1 =	seq.s32 s10, $0x1;
	s10 =	sld [smem:$0x3FB8];
	_ =	sdelay $0x3  }
0x37: {  	[smem:$0x3FB8] =	sst s10  }
0x38: {  	s10 =	sld [smem:$0x3FB9]  }
0x39: {  	_ = 	snop;
	(pc) =	sbr.ind lr, $3  }
0x3a: {  	_ = 	snop  }
0x3b: {  	_ = 	snop  }
0x3c: {  	p2 =	seq.s32 s10, $0x1;
	s10 =	sld [smem:$0x3FB8]  }
0x3d: {  	_ =	shalt  }
0x3e: {  	_ =	shalt  }
0x3f: {  	_ =	shalt  }
0x40: {  	_ =	shalt  }
0x41: {  	_ =	shalt  }
0x42: {  	_ =	shalt  }
0x43: {  	_ =	shalt  }
0x44: {  	_ =	shalt  }
0x45: {  	_ =	shalt  }
0x46: {  	_ =	shalt  }
0x47: {  	_ =	shalt  }
0x48: {  	_ =	shalt  }
0x49: {  	_ =	shalt  }
0x4a: {  	_ =	shalt  }
0x4b: {  	_ =	shalt  }
0x4c: {  	_ =	shalt  }
0x4d: {  	_ =	shalt  }
0x4e: {  	_ =	shalt  }
0x4f: {  	_ =	shalt  }
0x50: {  	_ =	shalt  }
0x51: {  	_ =	shalt  }
0x52: {  	_ =	shalt  }
0x53: {  	_ =	shalt  }
0x54: {  	_ =	shalt  }
0x55: {  	_ =	shalt  }
0x56: {  	_ =	shalt  }
0x57: {  	_ =	shalt  }
0x58: {  	_ =	shalt  }
0x59: {  	_ =	shalt  }
0x5a: {  	_ =	shalt  }
0x5b: {  	_ =	shalt  }
0x5c: {  	_ =	shalt  }
0x5d: {  	_ =	shalt  }
0x5e: {  	_ =	shalt  }
0x5f: {  	_ =	shalt  }
0x60: {  	_ =	shalt  }
0x61: {  	_ =	shalt  }
0x62: {  	_ =	shalt  }
0x63: {  	_ =	shalt  }
0x64: {  	_ =	shalt  }
0x65: {  	_ =	shalt  }
0x66: {  	_ =	shalt  }
0x67: {  	_ =	shalt  }
0x68: {  	_ =	shalt  }
0x69: {  	_ =	shalt  }
0x6a: {  	_ =	shalt  }
0x6b: {  	_ =	shalt  }
0x6c: {  	_ =	shalt  }
0x6d: {  	_ =	shalt  }
0x6e: {  	_ =	shalt  }
0x6f: {  	_ =	shalt  }
0x70: {  	_ =	shalt  }
0x71: {  	_ =	shalt  }
0x72: {  	_ =	shalt  }
0x73: {  	_ =	shalt  }
0x74: {  	_ =	shalt  }
0x75: {  	_ =	shalt  }
0x76: {  	_ =	shalt  }
0x77: {  	_ =	shalt  }
0x78: {  	_ =	shalt  }
0x79: {  	_ =	shalt  }
0x7a: {  	_ =	shalt  }
0x7b: {  	_ =	shalt  }
0x7c: {  	_ =	shalt  }
0x7d: {  	_ =	shalt  }
0x7e: {  	_ =	shalt  }
0x7f: {  	_ =	shalt  }
0x80: {  	_ =	shalt  }
0x81: {  	_ =	shalt  }
0x82: {  	_ =	shalt  }
0x83: {  	_ =	shalt  }
0x84: {  	_ =	shalt  }
0x85: {  	_ =	shalt  }
0x86: {  	_ =	shalt  }
0x87: {  	_ =	shalt  }
.Lfunc_end0:
.L_simem_size_0:
called_computation.1_lowered:
.L_overlay_start_0:
0x88: {  	s2 =	sld [smem:$0x3FD9]  }
0x89: {  	s3 =	sld [smem:$0x3FFE];
	_ =	sdelay $0x1  }
0x8a: {  	s1 =	srdreg.scid  }
0x8b: {  	s0 =	sand.u32 $0x1, s1  }
0x8c: {  	s17 =	sshll.u32 s0, $0xA;
	s2 =	sadd.s32 s3, s2  }
0x8d: {  	s2 =	sadd.s32 s2, s17  }
0x8e: {  	[smem:$0x3FC4] =	sst s2  }
0x8f: {  	_ = 	snop  }
0x90: {  	s2 =	sld [smem:$0x3FD0];
	(tm) =	ssettm $0x1  }
0x91: {  	s18 =	sld [smem:$0x3FFB];
	_ =	sdelay $0x3  }
0x92: {  	_ =	strace s18  }
0x93: {  	s3 =	sld [smem:$0x3FFC];
	_ =	sdelay $0x3  }
0x94: {  	_ =	strace s3  }
0x95: {  	s3 =	sld [smem:$0x3FFD];
	_ =	sdelay $0x3  }
0x96: {  	_ =	strace s3  }
0x97: {  	_ =	strace $0x8FFFFFFF  }
0x98: {  	s19 =	sld [smem:$0x3FDB];
	_ =	sdelay $0x1  }
0x99: {  	s4 =	simm.s32 $_scs_section_size  }
0x9a: {  	s5 =	simm.s32 $_size__tile_overlayer_lowered;
	s6 =	simm.s32 $_tile_overlayer_lowered  }
0x9b: {  	s22 =	simm.s32 $0x1BFF;
	s21 =	sshll.u32 s6, $0x1;
	s3 =	sadd.s32 s4, s19  }
0x9c: {  	s7 =	simm.s32 $0x0;
	s20 =	sshll.u32 s5, $0x1;
	s5 =	sadd.s32 s21, s3  }
0x9d: {  	[timem:s7], [sflag:s22] =	dma.local [hbm:s5], s20  }
0x9e: {  	_ =	swait.ge [sflag:s22], s20  }
0x9f: {  	s4 =	ssub.s32 $0x0, s20;
	[sflag:s22] =	ssyncset.done $0x0  }
0xa0: {  	[sflag:s22] =	ssyncadd.s32 s4;
	_ =	sdelay $0x1  }
0xa1: {  	s23 =	simm.s32 $0x1B8B  }
0xa2: {  	_ =	swait.ge [sflag:s23], $0x1  }
0xa3: {  	[sflag:s23] =	ssyncset.done $0x0  }
0xa4: {  	s25 =	simm.s32 $0x1B8E;
	s24 =	sld [smem:$0x3FFE];
	[sflag:s23] =	ssyncadd.s32 $0xFFFFFFFF  }
0xa5: {  	s26 =	simm.s32 $execute0_lowered;
	[smem:$0x3FD2] =	sst s25  }
0xa6: {  	s5 =	sshll.u32 s26, $0x1;
	_ =	strace $0x80000049;
	[dreg:$0x1] =	wrdreg $0xFFFFFFFF  }
0xa7: {  	s28 =	simm.s32 $_size_execute0_lowered;
	s3 =	sadd.s32 s3, s5;
	[dreg:$0x0] =	wrdreg $0x0  }
0xa8: {  	s5 =	sshll.u32 s28, $0x1;
	[dreg:$0x2] =	wrdreg s3  }
0xa9: {  	[dreg:$0x3] =	wrdreg s5  }
0xaa: {  	[dreg:$0x4] =	wrdreg $0xC0  }
0xab: {  	_ =	task [dreg:s7], $0x5FFFF  }
0xac: {  	[dreg:$0x1] =	wrdreg $0xFFFFFFFF  }
0xad: {  	[dreg:$0x0] =	wrdreg $0x60  }
0xae: {  	[dreg:$0x2] =	wrdreg s24  }
0xaf: {  	[dreg:$0x3] =	wrdreg s2  }
0xb0: {  	[dreg:$0x4] =	wrdreg $0x0  }
0xb1: {  	[dreg:$0x5] =	wrdreg $0x9  }
0xb2: {  	_ =	task.clear_ibuf [dreg:s7], $0x6FFFF;
	_ =	strace $0x90000049  }
0xb3: {  	s29 =	simm.s32 $0x9;
	_ =	strace $0x8000004B  }
0xb4: {  	_ =	swait.ge [sflag:s29], $0x1  }
0xb5: {  	[sflag:s29] =	ssyncadd.s32 $0xFFFFFFFF  }
0xb6: {  	_ =	strace $0x9000004B  }
0xb7: {  	_ =	sfence  }
0xb8: {  	s30 =	sld [smem:$0x0];
	_ =	sdelay $0x2  }
0xb9: {  	s31 =	sshll.u32 s1, $0xD;
	s1 =	sshrl.u32 s1, $0x2  }
0xba: {  	s3 =	sand.u32 $0x4000, s31;
	s1 =	sadd.s32 s1, s30  }
0xbb: {  	s0 =	sor.u32 s3, s0;
	s1 =	sshll.u32 s1, $0x11  }
0xbc: {  	s0 =	sor.u32 s1, s0  }
0xbd: {  	s0 =	sadd.s32 $0x8F2B, s0  }
0xbe: {  	[sflag:s0] =	ssyncadd.remote.s32 $0x1  }
0xbf: {  	_ =	sfence.sel $0xFFFF  }
0xc0: {  	[dreg:$0x0] =	wrdreg $0xFFFFFFFF;
	(pc) =	sbr.abs _section_cstart, $3  }
0xc1: {  	[dreg:$0x1] =	wrdreg $0xFFFFFFFF  }
0xc2: {  	_ =	task.clear_ibuf [dreg:s7], $0x2FFFF;
	_ =	strace $0x9FFFFFFF  }
0xc3: {  	(tm) =	ssettm $0x7FFFFFFF  }
tec
execute0_lowered:
.L_overlay_start_1:
0x0: {  	(tag) =	ssettag $0x1  }
0x1: {  	s8 =	rddreg [dreg:$0x0]  }
0x2: {  	s1 =	rddreg [dreg:$0x1]  }
0x3: {  	s2 =	rddreg [dreg:$0x2];
	s3 =	srdreg.scid  }
0x4: {  	s4 =	simm.s32 $0x0;
	s0 =	stileid.u32;
	s17 =	simm.s32 $0x15000  }
0x5: {  	s18 =	simm.s32 $0x80;
	s19 =	simm.s32 $0x16000;
	s20 =	simm.s32 $0x1  }
0x6: {  	s21 =	simm.s32 $0x1A000;
	s22 =	simm.s32 $0x2;
	s23 =	simm.s32 $0x3  }
0x7: {  	s24 =	simm.s32 $0x4;
	s9 =	sand.u32 $0x1, s3;
	s11 =	smul.u32 $0x14000, s0  }
0x8: {  	[smem:$0x7FF] =	sst s4;
	s5 =	sadd.s32 $0xB400, s8;
	s13 =	smul.u32 $0x50000, s0  }
0x9: {  	s6 =	sadd.s32 $0x1400, s8;
	s7 =	sadd.s32 $0x33400, s8;
	s30 =	smul.u32 $0x2800, s0  }
0xa: {  	s29 =	sshll.u32 s0, $0x6;
	s10 =	smul.u32 $0x140000, s9;
	_ =	strace $0x8000004A  }
0xb: {  	s25 =	sshll.u32 s9, $0x4;
	s12 =	ssub.s32 $0x2, s9;
	s26 =	smul.u32 $0x28000, s9  }
0xc: {  	s14 =	sshrl.u32 s12, $0x1;
	s28 =	sshrl.u32 s13, $0x2;
	s10 =	sadd.s32 s11, s10  }
0xd: {  	s11 =	sor.u32 s0, s25;
	s12 =	ssub.s32 s12, s14;
	s16 =	sadd.s32 s28, s2  }
0xe: {  	s13 =	sadd.s32 s30, s26;
	s25 =	simm.s32 $0x0;
	s10 =	sshrl.u32 s10, $0x3  }
0xf: {  	s11 =	smul.u32 $0x2800, s11;
	s12 =	smax.u32 s12, $0x1;
	s13 =	sadd.s32 $0x800, s13  }
0x10: {  	s14 =	sshrl.u32 s16, $0x3;
	s16 =	simm.s32 $0x14000;
	s15 =	sadd.s32 s10, s8  }
0x11: {  	s8 =	sor.u32 $0x1C07, s29;
	s31 =	sshrl.u32 s11, $0x3;
	s11 =	sadd.s32 $0x35C00, s15  }
0x12: {  	s15 =	simm.s32 $0x7;
	s9 =	sadd.s32 s6, s31;
	s10 =	sadd.s32 s1, s31  }
.LBB2_1:
0x13: {  	[spmem:s14], [sflag:s8] =	dma.local [hbm:s7], $0x2800  }
0x14: {  	_ =	swait.ge [sflag:s15], $0x2800  }
0x15: {  	[sflag:s15] =	ssyncset.done $0x0  }
0x16: {  	[sflag:s15] =	ssyncadd.s32 $0xFFFFD800  }
0x17: {  	[tilespmem:s16], [sflag:$0x7] =	stream.linear.gather [hbm4b:s9+s4], $0x800, $0x38;
	[tilespmem:$0x1E000] =	vst v63  }
0x18: {  	_ =	swait.ge [sflag:s15], $0x800  }
0x19: {  	[sflag:s15] =	ssyncset.done $0x0  }
0x1a: {  	[sflag:s15] =	ssyncadd.s32 $0xFFFFF800  }
0x1b: {  	[tilespmem:s17], [sflag:$0x7] =	stream.linear.gather [hbm4b:s10+s4], $0x800, $0x38;
	[tilespmem:$0x1E000] =	vst v63  }
0x1c: {  	_ =	swait.ge [sflag:s15], $0x800  }
0x1d: {  	[sflag:s15] =	ssyncset.done $0x0  }
0x1e: {  	[sflag:s15] =	ssyncadd.s32 $0xFFFFF800  }
0x1f: {  	s26 =	simm.s32 $0x1;
	s28 =	simm.s32 $0x0;
	[bflag:$0x0] =	sbarrier.arrive $0xFFFF  }
0x20: {  	[tilespmem:s19], [sflag:$0x1] =	stream.indirect.gather [hbm4b:s5+s18], $0x80, s16, s18, $0xb8;
	[tilespmem:$0x1E000] =	vst v63  }
.LBB2_2:
0x21: {  	p0 =	seq.s32 s28, $0x2000  }
0x22: {  	s29 =	sand.u32 $0x1, s26;
	s30 =	sadd.s32 @!p0 s28, s13  }
0x23: {  	s31 =	sshll.u32 @!p0 s29, $0xB;
	s30 =	sshrl.u32 @!p0 s30, $0x3  }
0x24: {  	s3 =	simm.s32 @!p0 $0x0;
	s29 =	sor.u32 @!p0 $0x14000, s31;
	s0 =	sadd.s32 @!p0 s6, s30  }
0x25: {  	[tilespmem:s29], [sflag:$0x5] =	stream.linear.gather @!p0 [hbm4b:s0+s3], $0x800, $0x38;
	[tilespmem:$0x1E000] =	vst v63  }
0x26: {  	s30 =	sadd.s32 @!p0 s1, s30;
	s0 =	sor.u32 @!p0 $0x15000, s31  }
0x27: {  	[tilespmem:s0], [sflag:$0x6] =	stream.linear.gather @!p0 [hbm4b:s30+s3], $0x800, $0x38;
	[tilespmem:$0x1E000] =	vst v63  }
0x28: {  	_ =	swait.ge [sflag:s20], $0x4000  }
0x29: {  	p1 =	seq.s32 s28, $0x0;
	s30 =	sand.u32 $0x800, s28;
	[sflag:s20] =	ssyncset.done $0x0  }
0x2a: {  	s0 =	simm.s32 @!p1 $0x4;
	s31 =	sor.u32 $0x15000, s30;
	[sflag:s20] =	ssyncadd.s32 $0xFFFFC000  }
0x2b: {  	[spmem:s2] =	stream.indirect.scatter.add.f32 [tilespmem:s19], [sflag:$0x3], $0x80, s31, s18, $0xb8;
	[tilespmem:$0x1E000] =	vst v63  }
0x2c: {  	_ =	swait.ge @!p1 [sflag:s0], $0x4000  }
0x2d: {  	[sflag:s0] =	ssyncset.done @!p1 $0x0  }
0x2e: {  	s3 =	sor.u32 $0x14080, s30;
	[sflag:s0] =	ssyncadd.s32 @!p1 $0xFFFFC000  }
0x2f: {  	[tilespmem:s21], [sflag:$0x2] =	stream.indirect.gather [hbm4b:s5+s18], $0x80, s3, s18, $0xb8;
	[tilespmem:$0x1E000] =	vst v63  }
0x30: {  	_ =	swait.ge [sflag:s22], $0x4000  }
0x31: {  	[sflag:s22] =	ssyncset.done $0x0  }
0x32: {  	s31 =	sor.u32 $0x15080, s30;
	[sflag:s22] =	ssyncadd.s32 $0xFFFFC000  }
0x33: {  	[spmem:s2] =	stream.indirect.scatter.add.f32 [tilespmem:s21], [sflag:$0x4], $0x80, s31, s18, $0xb8;
	[tilespmem:$0x1E000] =	vst v63  }
0x34: {  	_ =	swait.ge [sflag:s23], $0x4000  }
0x35: {  	[sflag:s23] =	ssyncset.done $0x0  }
0x36: {  	s3 =	sor.u32 $0x14100, s30;
	[sflag:s23] =	ssyncadd.s32 $0xFFFFC000  }
0x37: {  	[tilespmem:s19], [sflag:$0x1] =	stream.indirect.gather [hbm4b:s5+s18], $0x80, s3, s18, $0xb8;
	[tilespmem:$0x1E000] =	vst v63  }
0x38: {  	_ =	swait.ge [sflag:s20], $0x4000  }
0x39: {  	[sflag:s20] =	ssyncset.done $0x0  }
0x3a: {  	s31 =	sor.u32 $0x15100, s30;
	[sflag:s20] =	ssyncadd.s32 $0xFFFFC000  }
0x3b: {  	[spmem:s2] =	stream.indirect.scatter.add.f32 [tilespmem:s19], [sflag:$0x3], $0x80, s31, s18, $0xb8;
	[tilespmem:$0x1E000] =	vst v63  }
0x3c: {  	_ =	swait.ge [sflag:s24], $0x4000  }
0x3d: {  	[sflag:s24] =	ssyncset.done $0x0  }
0x3e: {  	s3 =	sor.u32 $0x14180, s30;
	[sflag:s24] =	ssyncadd.s32 $0xFFFFC000  }
0x3f: {  	[tilespmem:s21], [sflag:$0x2] =	stream.indirect.gather [hbm4b:s5+s18], $0x80, s3, s18, $0xb8;
	[tilespmem:$0x1E000] =	vst v63  }
0x40: {  	_ =	swait.ge [sflag:s22], $0x4000  }
0x41: {  	[sflag:s22] =	ssyncset.done $0x0  }
0x42: {  	s31 =	sor.u32 $0x15180, s30;
	[sflag:s22] =	ssyncadd.s32 $0xFFFFC000  }
0x43: {  	[spmem:s2] =	stream.indirect.scatter.add.f32 [tilespmem:s21], [sflag:$0x4], $0x80, s31, s18, $0xb8;
	[tilespmem:$0x1E000] =	vst v63  }
0x44: {  	_ =	swait.ge [sflag:s23], $0x4000  }
0x45: {  	[sflag:s23] =	ssyncset.done $0x0  }
0x46: {  	s3 =	sor.u32 $0x14200, s30;
	[sflag:s23] =	ssyncadd.s32 $0xFFFFC000  }
0x47: {  	[tilespmem:s19], [sflag:$0x1] =	stream.indirect.gather [hbm4b:s5+s18], $0x80, s3, s18, $0xb8;
	[tilespmem:$0x1E000] =	vst v63  }
0x48: {  	_ =	swait.ge [sflag:s20], $0x4000  }
0x49: {  	[sflag:s20] =	ssyncset.done $0x0  }
0x4a: {  	s31 =	sor.u32 $0x15200, s30;
	[sflag:s20] =	ssyncadd.s32 $0xFFFFC000  }
0x4b: {  	[spmem:s2] =	stream.indirect.scatter.add.f32 [tilespmem:s19], [sflag:$0x3], $0x80, s31, s18, $0xb8;
	[tilespmem:$0x1E000] =	vst v63  }
0x4c: {  	_ =	swait.ge [sflag:s24], $0x4000  }
0x4d: {  	[sflag:s24] =	ssyncset.done $0x0  }
0x4e: {  	s3 =	sor.u32 $0x14280, s30;
	[sflag:s24] =	ssyncadd.s32 $0xFFFFC000  }
0x4f: {  	[tilespmem:s21], [sflag:$0x2] =	stream.indirect.gather [hbm4b:s5+s18], $0x80, s3, s18, $0xb8;
	[tilespmem:$0x1E000] =	vst v63  }
0x50: {  	_ =	swait.ge [sflag:s22], $0x4000  }
0x51: {  	[sflag:s22] =	ssyncset.done $0x0  }
0x52: {  	s31 =	sor.u32 $0x15280, s30;
	[sflag:s22] =	ssyncadd.s32 $0xFFFFC000  }
0x53: {  	[spmem:s2] =	stream.indirect.scatter.add.f32 [tilespmem:s21], [sflag:$0x4], $0x80, s31, s18, $0xb8;
	[tilespmem:$0x1E000] =	vst v63  }
0x54: {  	_ =	swait.ge [sflag:s23], $0x4000  }
0x55: {  	[sflag:s23] =	ssyncset.done $0x0  }
0x56: {  	s3 =	sor.u32 $0x14300, s30;
	[sflag:s23] =	ssyncadd.s32 $0xFFFFC000  }
0x57: {  	[tilespmem:s19], [sflag:$0x1] =	stream.indirect.gather [hbm4b:s5+s18], $0x80, s3, s18, $0xb8;
	[tilespmem:$0x1E000] =	vst v63  }
0x58: {  	_ =	swait.ge [sflag:s20], $0x4000  }
0x59: {  	[sflag:s20] =	ssyncset.done $0x0  }
0x5a: {  	s31 =	sor.u32 $0x15300, s30;
	[sflag:s20] =	ssyncadd.s32 $0xFFFFC000  }
0x5b: {  	[spmem:s2] =	stream.indirect.scatter.add.f32 [tilespmem:s19], [sflag:$0x3], $0x80, s31, s18, $0xb8;
	[tilespmem:$0x1E000] =	vst v63  }
0x5c: {  	_ =	swait.ge [sflag:s24], $0x4000  }
0x5d: {  	[sflag:s24] =	ssyncset.done $0x0  }
0x5e: {  	s3 =	sor.u32 $0x14380, s30;
	[sflag:s24] =	ssyncadd.s32 $0xFFFFC000  }
0x5f: {  	[tilespmem:s21], [sflag:$0x2] =	stream.indirect.gather [hbm4b:s5+s18], $0x80, s3, s18, $0xb8;
	[tilespmem:$0x1E000] =	vst v63  }
0x60: {  	_ =	swait.ge [sflag:s22], $0x4000  }
0x61: {  	[sflag:s22] =	ssyncset.done $0x0  }
0x62: {  	s31 =	sor.u32 $0x15380, s30;
	[sflag:s22] =	ssyncadd.s32 $0xFFFFC000  }
0x63: {  	[spmem:s2] =	stream.indirect.scatter.add.f32 [tilespmem:s21], [sflag:$0x4], $0x80, s31, s18, $0xb8;
	[tilespmem:$0x1E000] =	vst v63  }
0x64: {  	_ =	swait.ge [sflag:s23], $0x4000  }
0x65: {  	[sflag:s23] =	ssyncset.done $0x0  }
0x66: {  	s3 =	sor.u32 $0x14400, s30;
	[sflag:s23] =	ssyncadd.s32 $0xFFFFC000  }
0x67: {  	[tilespmem:s19], [sflag:$0x1] =	stream.indirect.gather [hbm4b:s5+s18], $0x80, s3, s18, $0xb8;
	[tilespmem:$0x1E000] =	vst v63  }
0x68: {  	_ =	swait.ge [sflag:s20], $0x4000  }
0x69: {  	[sflag:s20] =	ssyncset.done $0x0  }
0x6a: {  	s31 =	sor.u32 $0x15400, s30;
	[sflag:s20] =	ssyncadd.s32 $0xFFFFC000  }
0x6b: {  	[spmem:s2] =	stream.indirect.scatter.add.f32 [tilespmem:s19], [sflag:$0x3], $0x80, s31, s18, $0xb8;
	[tilespmem:$0x1E000] =	vst v63  }
0x6c: {  	_ =	swait.ge [sflag:s24], $0x4000  }
0x6d: {  	[sflag:s24] =	ssyncset.done $0x0  }
0x6e: {  	s3 =	sor.u32 $0x14480, s30;
	[sflag:s24] =	ssyncadd.s32 $0xFFFFC000  }
0x6f: {  	[tilespmem:s21], [sflag:$0x2] =	stream.indirect.gather [hbm4b:s5+s18], $0x80, s3, s18, $0xb8;
	[tilespmem:$0x1E000] =	vst v63  }
0x70: {  	_ =	swait.ge [sflag:s22], $0x4000  }
0x71: {  	[sflag:s22] =	ssyncset.done $0x0  }
0x72: {  	s31 =	sor.u32 $0x15480, s30;
	[sflag:s22] =	ssyncadd.s32 $0xFFFFC000  }
0x73: {  	[spmem:s2] =	stream.indirect.scatter.add.f32 [tilespmem:s21], [sflag:$0x4], $0x80, s31, s18, $0xb8;
	[tilespmem:$0x1E000] =	vst v63  }
0x74: {  	_ =	swait.ge [sflag:s23], $0x4000  }
0x75: {  	[sflag:s23] =	ssyncset.done $0x0  }
0x76: {  	s3 =	sor.u32 $0x14500, s30;
	[sflag:s23] =	ssyncadd.s32 $0xFFFFC000  }
0x77: {  	[tilespmem:s19], [sflag:$0x1] =	stream.indirect.gather [hbm4b:s5+s18], $0x80, s3, s18, $0xb8;
	[tilespmem:$0x1E000] =	vst v63  }
0x78: {  	_ =	swait.ge [sflag:s20], $0x4000  }
0x79: {  	[sflag:s20] =	ssyncset.done $0x0  }
0x7a: {  	s31 =	sor.u32 $0x15500, s30;
	[sflag:s20] =	ssyncadd.s32 $0xFFFFC000  }
0x7b: {  	[spmem:s2] =	stream.indirect.scatter.add.f32 [tilespmem:s19], [sflag:$0x3], $0x80, s31, s18, $0xb8;
	[tilespmem:$0x1E000] =	vst v63  }
0x7c: {  	_ =	swait.ge [sflag:s24], $0x4000  }
0x7d: {  	[sflag:s24] =	ssyncset.done $0x0  }
0x7e: {  	s3 =	sor.u32 $0x14580, s30;
	[sflag:s24] =	ssyncadd.s32 $0xFFFFC000  }
0x7f: {  	[tilespmem:s21], [sflag:$0x2] =	stream.indirect.gather [hbm4b:s5+s18], $0x80, s3, s18, $0xb8;
	[tilespmem:$0x1E000] =	vst v63  }
0x80: {  	_ =	swait.ge [sflag:s22], $0x4000  }
0x81: {  	[sflag:s22] =	ssyncset.done $0x0  }
0x82: {  	s31 =	sor.u32 $0x15580, s30;
	[sflag:s22] =	ssyncadd.s32 $0xFFFFC000  }
0x83: {  	[spmem:s2] =	stream.indirect.scatter.add.f32 [tilespmem:s21], [sflag:$0x4], $0x80, s31, s18, $0xb8;
	[tilespmem:$0x1E000] =	vst v63  }
0x84: {  	_ =	swait.ge [sflag:s23], $0x4000  }
0x85: {  	[sflag:s23] =	ssyncset.done $0x0  }
0x86: {  	s3 =	sor.u32 $0x14600, s30;
	[sflag:s23] =	ssyncadd.s32 $0xFFFFC000  }
0x87: {  	[tilespmem:s19], [sflag:$0x1] =	stream.indirect.gather [hbm4b:s5+s18], $0x80, s3, s18, $0xb8;
	[tilespmem:$0x1E000] =	vst v63  }
0x88: {  	_ =	swait.ge [sflag:s20], $0x4000  }
0x89: {  	[sflag:s20] =	ssyncset.done $0x0  }
0x8a: {  	s31 =	sor.u32 $0x15600, s30;
	[sflag:s20] =	ssyncadd.s32 $0xFFFFC000  }
0x8b: {  	[spmem:s2] =	stream.indirect.scatter.add.f32 [tilespmem:s19], [sflag:$0x3], $0x80, s31, s18, $0xb8;
	[tilespmem:$0x1E000] =	vst v63  }
0x8c: {  	_ =	swait.ge [sflag:s24], $0x4000  }
0x8d: {  	[sflag:s24] =	ssyncset.done $0x0  }
0x8e: {  	s3 =	sor.u32 $0x14680, s30;
	[sflag:s24] =	ssyncadd.s32 $0xFFFFC000  }
0x8f: {  	[tilespmem:s21], [sflag:$0x2] =	stream.indirect.gather [hbm4b:s5+s18], $0x80, s3, s18, $0xb8;
	[tilespmem:$0x1E000] =	vst v63  }
0x90: {  	_ =	swait.ge [sflag:s22], $0x4000  }
0x91: {  	[sflag:s22] =	ssyncset.done $0x0  }
0x92: {  	s31 =	sor.u32 $0x15680, s30;
	[sflag:s22] =	ssyncadd.s32 $0xFFFFC000  }
0x93: {  	[spmem:s2] =	stream.indirect.scatter.add.f32 [tilespmem:s21], [sflag:$0x4], $0x80, s31, s18, $0xb8;
	[tilespmem:$0x1E000] =	vst v63  }
0x94: {  	_ =	swait.ge [sflag:s23], $0x4000  }
0x95: {  	[sflag:s23] =	ssyncset.done $0x0  }
0x96: {  	s3 =	sor.u32 $0x14700, s30;
	[sflag:s23] =	ssyncadd.s32 $0xFFFFC000  }
0x97: {  	[tilespmem:s19], [sflag:$0x1] =	stream.indirect.gather [hbm4b:s5+s18], $0x80, s3, s18, $0xb8;
	[tilespmem:$0x1E000] =	vst v63  }
0x98: {  	_ =	swait.ge [sflag:s20], $0x4000  }
0x99: {  	[sflag:s20] =	ssyncset.done $0x0  }
0x9a: {  	s31 =	sor.u32 $0x15700, s30;
	[sflag:s20] =	ssyncadd.s32 $0xFFFFC000  }
0x9b: {  	[spmem:s2] =	stream.indirect.scatter.add.f32 [tilespmem:s19], [sflag:$0x3], $0x80, s31, s18, $0xb8;
	[tilespmem:$0x1E000] =	vst v63  }
0x9c: {  	_ =	swait.ge [sflag:s24], $0x4000  }
0x9d: {  	[sflag:s24] =	ssyncset.done $0x0  }
0x9e: {  	s3 =	sor.u32 $0x14780, s30;
	[sflag:s24] =	ssyncadd.s32 $0xFFFFC000  }
0x9f: {  	[tilespmem:s21], [sflag:$0x2] =	stream.indirect.gather [hbm4b:s5+s18], $0x80, s3, s18, $0xb8;
	[tilespmem:$0x1E000] =	vst v63  }
0xa0: {  	_ =	swait.ge [sflag:s22], $0x4000  }
0xa1: {  	[sflag:s22] =	ssyncset.done $0x0  }
0xa2: {  	s0 =	simm.s32 @!p0 $0x5;
	s31 =	sor.u32 $0x15780, s30;
	[sflag:s22] =	ssyncadd.s32 $0xFFFFC000  }
0xa3: {  	[spmem:s2] =	stream.indirect.scatter.add.f32 [tilespmem:s21], [sflag:$0x4], $0x80, s31, s18, $0xb8;
	[tilespmem:$0x1E000] =	vst v63  }
0xa4: {  	_ =	swait.ge @!p0 [sflag:s0], $0x800  }
0xa5: {  	[sflag:s0] =	ssyncset.done @!p0 $0x0  }
0xa6: {  	s28 =	sadd.s32 @!p0 $0x800, s28;
	[sflag:s0] =	ssyncadd.s32 @!p0 $0xFFFFF800;
	s0 =	simm.s32 @!p0 $0x6  }
0xa7: {  	p1 =	sne.s32 @!p0 s28, $0x2800;
	_ =	swait.ge @!p0 [sflag:s0], $0x800  }
0xa8: {  	p1 =	por p0, !p1;
	[sflag:s0] =	ssyncset.done @!p0 $0x0  }
.Ltmp0:
0xa9: {  	[sflag:s0] =	ssyncadd.s32 @!p0 $0xFFFFF800;
	s0 =	simm.s32 @!p0 $0x3;
	(pc) =	sbr.rel @!p1 .LBB2_2-.Ltmp0, $4  }
0xaa: {  	_ =	swait.ge @!p0 [sflag:s0], $0x4000  }
0xab: {  	s26 =	sadd.s32 @!p0 $0x1, s26;
	[sflag:s0] =	ssyncset.done @!p0 $0x0  }
0xac: {  	s3 =	simm.s32 @!p0 $0x16000;
	[sflag:s0] =	ssyncadd.s32 @!p0 $0xFFFFC000;
	s0 =	simm.s32 @!p0 $0x80  }
0xad: {  	[tilespmem:s3], [sflag:$0x1] =	stream.indirect.gather @!p0 [hbm4b:s5+s0], $0x80, s29, s0, $0xb8;
	[tilespmem:$0x1E000] =	vst v63  }
0xae: {  	_ =	swait.ge [sflag:s23], $0x4000  }
0xaf: {  	[sflag:s23] =	ssyncset.done $0x0  }
0xb0: {  	[sflag:s23] =	ssyncadd.s32 $0xFFFFC000  }
0xb1: {  	_ =	swait.ge [sflag:s24], $0x4000  }
0xb2: {  	s25 =	sadd.s32 $0x1, s25;
	[sflag:s24] =	ssyncset.done $0x0  }
0xb3: {  	p0 =	sne.s32 s25, s12;
	[sflag:s24] =	ssyncadd.s32 $0xFFFFC000  }
.Ltmp1:
0xb4: {  	[bflag:$0x0] =	sbarrier.arrive $0xFFFF;
	(pc) =	sbr.rel @p0 .LBB2_1-.Ltmp1, $4  }
0xb5: {  	[hbm:s11], [sflag:s8] =	dma.local [spmem:s14], $0x2800  }
0xb6: {  	_ =	swait.ge [sflag:s15], $0x2800  }
0xb7: {  	[sflag:s15] =	ssyncset.done $0x0  }
0xb8: {  	[sflag:s15] =	ssyncadd.s32 $0xFFFFD800  }
0xb9: {  	_ =	sfence.sel $0x180000  }
0xba: {  	[bflag:$0x0] =	sbarrier.arrive $0xFFFF  }
0xbb: {  	_ =	strace $0x9000004A  }
0xbc: {  	s0 =	stileid.u32;
	[bflag:$0x2] =	sbarrier.arrive $0xFFFF  }
0xbd: {  	p0 =	sne.s32 s0, $0x0;
	s0 =	rddreg [dreg:$0x3]  }
0xbe: {  	s0 =	sadd.s32 @!p0 $0x100000, s0  }
0xbf: {  	[sflag:s0] =	ssyncadd.tile.s32 @!p0 $0x1;
	_ =	shalt  }
.Lfunc_end2:
_tile_overlayer_lowered:
.L_overlay_start_2:
0xc0: {  	(tag) =	ssettag $0x2  }
0xc1: {  	s0 =	rddreg [dreg:$0x0];
	s2 =	stileid.u32  }
0xc2: {  	s1 =	rddreg [dreg:$0x1];
	p0 =	sne.s32 s2, $0x0  }
0xc3: {  	s3 =	rddreg [dreg:$0x2];
	[bflag:$0x3] =	sbarrier.arrive $0xFFFF;
	s2 =	simm.s32 @!p0 $0x1C07  }
0xc4: {  	[timem:s3], [sflag:s2] =	dma.local @!p0 [hbm:s0], s1  }
0xc5: {  	s0 =	simm.s32 @!p0 $0x7  }
0xc6: {  	_ =	swait.ge @!p0 [sflag:s0], s1  }
0xc7: {  	s1 =	ssub.s32 @!p0 $0x0, s1;
	[sflag:s0] =	ssyncset.done @!p0 $0x0  }
0xc8: {  	[sflag:s0] =	ssyncadd.s32 @!p0 s1  }
0xc9: {  	[bflag:$0x3] =	sbarrier.arrive $0xFFFF  }
0xca: {  	_ =	shalt  }

// kernel: kernel.7.cloned.1.call-start
scs
__scs_entry_jumppad:
0x0: {  	(pc) =	sbr.rel $0x88, $3  }
0x1: {  	(tag) =	ssettag $0x0;
	lr =	simm.s32 $0x1  }
0x2: {  	[smem:$0x3F9D] =	sst lr;
	_ =	strace $0xD0000000  }
0x3: {  	_ = 	snop  }
0x4: {  	_ = 	snop  }
0x5: {  	_ = 	snop  }
0x6: {  	_ = 	snop  }
0x7: {  	_ = 	snop  }
__scs_overlays_trampoline_lowered:
0x8: {  	[smem:$0x3FAC] =	sst s0  }
0x9: {  	[smem:$0x3FAD] =	sst s1  }
0xa: {  	[smem:$0x3FAE] =	sst s2  }
0xb: {  	[smem:$0x3FAF] =	sst s3  }
0xc: {  	[smem:$0x3FB0] =	sst s4  }
0xd: {  	[smem:$0x3FB1] =	sst s5  }
0xe: {  	[smem:$0x3FB2] =	sst s6  }
0xf: {  	[smem:$0x3FB3] =	sst s7  }
0x10: {  	[smem:$0x3FB4] =	sst s8  }
0x11: {  	[smem:$0x3FB5] =	sst s9;
	s0 =	simm.s32 @!p0 $0x0  }
0x12: {  	s1 =	sld [smem:$0x3F9B];
	s0 =	simm.s32 @p0 $0x1  }
0x13: {  	[smem:$0x3FB6] =	sst s0;
	s0 =	simm.s32 @!p1 $0x0  }
0x14: {  	s2 =	sld [smem:$0x3F9A];
	s0 =	simm.s32 @p1 $0x1  }
0x15: {  	[smem:$0x3FB7] =	sst s0;
	s0 =	simm.s32 @!p2 $0x0  }
0x16: {  	s3 =	sld [smem:$0x3FDB];
	s0 =	simm.s32 @p2 $0x1  }
0x17: {  	s4 =	simm.s32 $0x1BF5;
	[smem:$0x3FB9] =	sst s0  }
0x18: {  	s0 =	sld [smem:$0x3F9C];
	_ =	swait.ge [sflag:s4], $0x0  }
0x19: {  	s7 =	sld [smem:$0x3F9D]  }
0x1a: {  	s8 =	sadd.s32 $0xFFFFE003, lr  }
0x1b: {  	s9 =	sadd.s32 $0xFFFFFEF7, lr;
	s5 =	simm.s32 $0xFFFFFFFF;
	p2 =	slt.u32 s8, $0xFFFFF086  }
0x1c: {  	p1 =	slt.u32 s9, $0xF7A;
	s5 =	simm.s32 @!p2 $0x0  }
0x1d: {  	s5 =	simm.s32 @p1 $0x1;
	p0 =	seq.s32 s7, s2  }
0x1e: {  	s7 =	smul.u32 @!p0 $0xF7A, s2;
	p2 =	seq.s32 @!p0 s5, $0x0  }
0x1f: {  	s9 =	smul.u32 $0xF7A, s1;
	s8 =	simm.s32 @!p0 $0x1BF5;
	p2 =	por !p2, p0  }
0x20: {  	[sflag:s8] =	ssyncset.s32 @!p0 $0xFFFFF086;
	s6 =	sadd.s32 @!p0 s3, s7;
	s7 =	simm.s32 @!p0 $0x108  }
0x21: {  	s3 =	sadd.s32 s3, s9;
	s6 =	sadd.s32 @!p0 $0x88, s6;
	s7 =	simm.s32 @p2 $0x1082  }
0x22: {  	[simem:s7], [sflag:s8] =	dma.local @!p0 [hbm:s6], $0xF7A  }
0x23: {  	s9 =	sor.u32 $0xD0000000, s2;
	s6 =	simm.s32 $0x108;
	_ =	swait.ge @!p0 [sflag:s8], $0x0  }
0x24: {  	s3 =	sadd.s32 $0x88, s3;
	s6 =	simm.s32 @!p1 $0x1082;
	[sflag:s4] =	ssyncset.s32 $0xFFFFF086  }
0x25: {  	[simem:s6], [sflag:s4] =	dma.local [hbm:s3], $0xF7A  }
0x26: {  	[smem:$0x3F9D] =	sst s1;
	(tag) =	ssettag s2;
	_ =	strace s9  }
0x27: {  	s1 =	sld [smem:$0x3FAD]  }
0x28: {  	s2 =	sld [smem:$0x3FAE]  }
0x29: {  	s4 =	sld [smem:$0x3FB0]  }
0x2a: {  	p0 =	seq.s32 s5, $0x0;
	s5 =	sld [smem:$0x3FB1]  }
0x2b: {  	s6 =	sld [smem:$0x3FB2]  }
0x2c: {  	s7 =	sld [smem:$0x3FB3]  }
0x2d: {  	s3 =	simm.s32 $0x108;
	s8 =	sld [smem:$0x3FB4]  }
0x2e: {  	s3 =	simm.s32 @!p0 $0x1082;
	s9 =	sld [smem:$0x3FB5]  }
0x2f: {  	lr =	sadd.s32 s0, s3;
	s0 =	sld [smem:$0x3FAC]  }
0x30: {  	s3 =	sld [smem:$0x3FAF]  }
0x31: {  	[smem:$0x3FB8] =	sst s10  }
0x32: {  	s10 =	sld [smem:$0x3FB6];
	_ =	sdelay $0x3  }
0x33: {  	p0 =	seq.s32 s10, $0x1;
	s10 =	sld [smem:$0x3FB8];
	_ =	sdelay $0x3  }
0x34: {  	[smem:$0x3FB8] =	sst s10  }
0x35: {  	s10 =	sld [smem:$0x3FB7];
	_ =	sdelay $0x3  }
0x36: {  	p1 =	seq.s32 s10, $0x1;
	s10 =	sld [smem:$0x3FB8];
	_ =	sdelay $0x3  }
0x37: {  	[smem:$0x3FB8] =	sst s10  }
0x38: {  	s10 =	sld [smem:$0x3FB9]  }
0x39: {  	_ = 	snop;
	(pc) =	sbr.ind lr, $3  }
0x3a: {  	_ = 	snop  }
0x3b: {  	_ = 	snop  }
0x3c: {  	p2 =	seq.s32 s10, $0x1;
	s10 =	sld [smem:$0x3FB8]  }
0x3d: {  	_ =	shalt  }
0x3e: {  	_ =	shalt  }
0x3f: {  	_ =	shalt  }
0x40: {  	_ =	shalt  }
0x41: {  	_ =	shalt  }
0x42: {  	_ =	shalt  }
0x43: {  	_ =	shalt  }
0x44: {  	_ =	shalt  }
0x45: {  	_ =	shalt  }
0x46: {  	_ =	shalt  }
0x47: {  	_ =	shalt  }
0x48: {  	_ =	shalt  }
0x49: {  	_ =	shalt  }
0x4a: {  	_ =	shalt  }
0x4b: {  	_ =	shalt  }
0x4c: {  	_ =	shalt  }
0x4d: {  	_ =	shalt  }
0x4e: {  	_ =	shalt  }
0x4f: {  	_ =	shalt  }
0x50: {  	_ =	shalt  }
0x51: {  	_ =	shalt  }
0x52: {  	_ =	shalt  }
0x53: {  	_ =	shalt  }
0x54: {  	_ =	shalt  }
0x55: {  	_ =	shalt  }
0x56: {  	_ =	shalt  }
0x57: {  	_ =	shalt  }
0x58: {  	_ =	shalt  }
0x59: {  	_ =	shalt  }
0x5a: {  	_ =	shalt  }
0x5b: {  	_ =	shalt  }
0x5c: {  	_ =	shalt  }
0x5d: {  	_ =	shalt  }
0x5e: {  	_ =	shalt  }
0x5f: {  	_ =	shalt  }
0x60: {  	_ =	shalt  }
0x61: {  	_ =	shalt  }
0x62: {  	_ =	shalt  }
0x63: {  	_ =	shalt  }
0x64: {  	_ =	shalt  }
0x65: {  	_ =	shalt  }
0x66: {  	_ =	shalt  }
0x67: {  	_ =	shalt  }
0x68: {  	_ =	shalt  }
0x69: {  	_ =	shalt  }
0x6a: {  	_ =	shalt  }
0x6b: {  	_ =	shalt  }
0x6c: {  	_ =	shalt  }
0x6d: {  	_ =	shalt  }
0x6e: {  	_ =	shalt  }
0x6f: {  	_ =	shalt  }
0x70: {  	_ =	shalt  }
0x71: {  	_ =	shalt  }
0x72: {  	_ =	shalt  }
0x73: {  	_ =	shalt  }
0x74: {  	_ =	shalt  }
0x75: {  	_ =	shalt  }
0x76: {  	_ =	shalt  }
0x77: {  	_ =	shalt  }
0x78: {  	_ =	shalt  }
0x79: {  	_ =	shalt  }
0x7a: {  	_ =	shalt  }
0x7b: {  	_ =	shalt  }
0x7c: {  	_ =	shalt  }
0x7d: {  	_ =	shalt  }
0x7e: {  	_ =	shalt  }
0x7f: {  	_ =	shalt  }
0x80: {  	_ =	shalt  }
0x81: {  	_ =	shalt  }
0x82: {  	_ =	shalt  }
0x83: {  	_ =	shalt  }
0x84: {  	_ =	shalt  }
0x85: {  	_ =	shalt  }
0x86: {  	_ =	shalt  }
0x87: {  	_ =	shalt  }
.Lfunc_end0:
.L_simem_size_0:
called_computation_lowered:
.L_overlay_start_0:
0x88: {  	s2 =	sld [smem:$0x3FD9]  }
0x89: {  	s3 =	sld [smem:$0x3FFE];
	_ =	sdelay $0x1  }
0x8a: {  	s1 =	srdreg.scid  }
0x8b: {  	s0 =	sand.u32 $0x1, s1  }
0x8c: {  	s17 =	sshll.u32 s0, $0xA;
	s2 =	sadd.s32 s3, s2  }
0x8d: {  	s2 =	sadd.s32 s2, s17  }
0x8e: {  	[smem:$0x3FC4] =	sst s2  }
0x8f: {  	_ = 	snop  }
0x90: {  	s2 =	sld [smem:$0x3FD0];
	(tm) =	ssettm $0x1  }
0x91: {  	s18 =	sld [smem:$0x3FFB];
	_ =	sdelay $0x3  }
0x92: {  	_ =	strace s18  }
0x93: {  	s3 =	sld [smem:$0x3FFC];
	_ =	sdelay $0x3  }
0x94: {  	_ =	strace s3  }
0x95: {  	s3 =	sld [smem:$0x3FFD];
	_ =	sdelay $0x3  }
0x96: {  	_ =	strace s3  }
0x97: {  	_ =	strace $0x8FFFFFFF  }
0x98: {  	s19 =	sld [smem:$0x3FDB];
	_ =	sdelay $0x1  }
0x99: {  	s4 =	simm.s32 $_scs_section_size  }
0x9a: {  	s5 =	simm.s32 $_size__tile_overlayer_lowered;
	s6 =	simm.s32 $_tile_overlayer_lowered  }
0x9b: {  	s22 =	simm.s32 $0x1BFF;
	s21 =	sshll.u32 s6, $0x1;
	s3 =	sadd.s32 s4, s19  }
0x9c: {  	s7 =	simm.s32 $0x0;
	s20 =	sshll.u32 s5, $0x1;
	s5 =	sadd.s32 s21, s3  }
0x9d: {  	[timem:s7], [sflag:s22] =	dma.local [hbm:s5], s20  }
0x9e: {  	_ =	swait.ge [sflag:s22], s20  }
0x9f: {  	s4 =	ssub.s32 $0x0, s20;
	[sflag:s22] =	ssyncset.done $0x0  }
0xa0: {  	[sflag:s22] =	ssyncadd.s32 s4;
	_ =	sdelay $0x1  }
0xa1: {  	s23 =	simm.s32 $0x1B8B  }
0xa2: {  	_ =	swait.ge [sflag:s23], $0x1  }
0xa3: {  	[sflag:s23] =	ssyncset.done $0x0  }
0xa4: {  	s25 =	simm.s32 $0x1B8E;
	s24 =	sld [smem:$0x3FFE];
	[sflag:s23] =	ssyncadd.s32 $0xFFFFFFFF  }
0xa5: {  	s26 =	simm.s32 $execute0_lowered;
	[smem:$0x3FD2] =	sst s25  }
0xa6: {  	s5 =	sshll.u32 s26, $0x1;
	_ =	strace $0x80000046;
	[dreg:$0x1] =	wrdreg $0xFFFFFFFF  }
0xa7: {  	s28 =	simm.s32 $_size_execute0_lowered;
	s3 =	sadd.s32 s3, s5;
	[dreg:$0x0] =	wrdreg $0x0  }
0xa8: {  	s5 =	sshll.u32 s28, $0x1;
	[dreg:$0x2] =	wrdreg s3  }
0xa9: {  	[dreg:$0x3] =	wrdreg s5  }
0xaa: {  	[dreg:$0x4] =	wrdreg $0xC0  }
0xab: {  	_ =	task [dreg:s7], $0x5FFFF  }
0xac: {  	[dreg:$0x1] =	wrdreg $0xFFFFFFFF  }
0xad: {  	[dreg:$0x0] =	wrdreg $0x60  }
0xae: {  	[dreg:$0x2] =	wrdreg s24  }
0xaf: {  	[dreg:$0x3] =	wrdreg s2  }
0xb0: {  	[dreg:$0x4] =	wrdreg $0x0  }
0xb1: {  	[dreg:$0x5] =	wrdreg $0x2800  }
0xb2: {  	[dreg:$0x6] =	wrdreg $0x9  }
0xb3: {  	_ =	task.clear_ibuf [dreg:s7], $0x7FFFF;
	_ =	strace $0x90000046  }
0xb4: {  	s29 =	simm.s32 $0x9;
	_ =	strace $0x80000048  }
0xb5: {  	_ =	swait.ge [sflag:s29], $0x1  }
0xb6: {  	[sflag:s29] =	ssyncadd.s32 $0xFFFFFFFF  }
0xb7: {  	_ =	strace $0x90000048  }
0xb8: {  	_ =	sfence  }
0xb9: {  	s30 =	sld [smem:$0x0];
	_ =	sdelay $0x2  }
0xba: {  	s31 =	sshll.u32 s1, $0xD;
	s1 =	sshrl.u32 s1, $0x2  }
0xbb: {  	s3 =	sand.u32 $0x4000, s31;
	s1 =	sadd.s32 s1, s30  }
0xbc: {  	s0 =	sor.u32 s3, s0;
	s1 =	sshll.u32 s1, $0x11  }
0xbd: {  	s0 =	sor.u32 s1, s0  }
0xbe: {  	s0 =	sadd.s32 $0x8F2B, s0  }
0xbf: {  	[sflag:s0] =	ssyncadd.remote.s32 $0x1  }
0xc0: {  	_ =	sfence.sel $0xFFFF  }
0xc1: {  	[dreg:$0x0] =	wrdreg $0xFFFFFFFF;
	(pc) =	sbr.abs _section_cstart, $3  }
0xc2: {  	[dreg:$0x1] =	wrdreg $0xFFFFFFFF  }
0xc3: {  	_ =	task.clear_ibuf [dreg:s7], $0x2FFFF;
	_ =	strace $0x9FFFFFFF  }
0xc4: {  	(tm) =	ssettm $0x7FFFFFFF  }
0xc5: {  	_ =	shalt  }
tec
execute0_lowered:
.L_overlay_start_1:
0x0: {  	(tag) =	ssettag $0x1  }
0x1: {  	s6 =	rddreg [dreg:$0x0]  }
0x2: {  	s8 =	rddreg [dreg:$0x1]  }
0x3: {  	s0 =	srdreg.scid;
	s2 =	rddreg [dreg:$0x2]  }
0x4: {  	s3 =	rddreg [dreg:$0x3];
	s4 =	simm.s32 $0x0;
	s15 =	simm.s32 $0x500  }
0x5: {  	s16 =	simm.s32 $0x80;
	s5 =	sand.u32 $0x1, s0;
	s0 =	stileid.u32  }
0x6: {  	s17 =	simm.s32 $0x2D00;
	s18 =	simm.s32 $0x0;
	s7 =	smul.u32 $0x280, s0  }
0x7: {  	[smem:$0x7FF] =	sst s4;
	s1 =	sshll.u32 s5, $0x4;
	s10 =	smul.u32 $0x5000, s5  }
0x8: {  	s12 =	ssub.s32 $0x2, s5;
	s5 =	sadd.s32 $0xB400, s6;
	s1 =	sor.u32 s0, s1  }
0x9: {  	s30 =	sshll.u32 s0, $0x6;
	s13 =	sshrl.u32 s12, $0x1;
	s9 =	smul.u32 $0x500, s1  }
0xa: {  	s1 =	rddreg [dreg:$0x4];
	_ =	strace $0x80000047;
	s10 =	sadd.s32 s7, s10  }
0xb: {  	s12 =	ssub.s32 s12, s13;
	s31 =	sadd.s32 s7, s2;
	s14 =	sadd.s32 s7, s3  }
0xc: {  	s13 =	simm.s32 $0x1;
	s10 =	sshrl.u32 s10, $0x3;
	s14 =	sshrl.u32 s14, $0x3  }
0xd: {  	s11 =	sadd.s32 s9, s6;
	s10 =	sadd.s32 s10, s6;
	s6 =	sor.u32 $0x1C01, s30  }
0xe: {  	s8 =	sadd.s32 s8, s9;
	s7 =	sadd.s32 $0x1400, s11;
	s9 =	sadd.s32 $0xB600, s10  }
0xf: {  	v0 =	vimm.f32 $1.000000000e+00;
	s10 =	sadd.s32 $0xBB00, s10;
	s11 =	smax.u32 s12, $0x1;
	s12 =	sshrl.u32 s31, $0x3  }
.LBB2_1:
0x10: {  	[tilespmem:$0x2D00] =	vst v0  }
0x11: {  	[tilespmem:$0x2D10] =	vst v0  }
0x12: {  	[tilespmem:$0x2D20] =	vst v0  }
0x13: {  	[tilespmem:$0x2D30] =	vst v0  }
0x14: {  	[tilespmem:$0x2D40] =	vst v0  }
0x15: {  	[tilespmem:$0x2D50] =	vst v0  }
0x16: {  	[tilespmem:$0x2D60] =	vst v0  }
0x17: {  	[tilespmem:$0x2D70] =	vst v0  }
0x18: {  	[spmem:s12], [sflag:s6] =	dma.local [hbm:s5], $0x50  }
0x19: {  	_ =	swait.ge [sflag:s13], $0x50  }
0x1a: {  	[sflag:s13] =	ssyncset.done $0x0  }
0x1b: {  	[sflag:s13] =	ssyncadd.s32 $0xFFFFFFB0  }
0x1c: {  	[spmem:s14], [sflag:s6] =	dma.local [hbm:s5], $0x50  }
0x1d: {  	_ =	swait.ge [sflag:s13], $0x50  }
0x1e: {  	[sflag:s13] =	ssyncset.done $0x0  }
0x1f: {  	[sflag:s13] =	ssyncadd.s32 $0xFFFFFFB0  }
0x20: {  	[bflag:$0x0] =	sbarrier.arrive $0xFFFF  }
0x21: {  	[tilespmem:s15], [sflag:$0x1] =	stream.linear.gather [hbm4b:s7+s4], $0x2800, $0x38;
	[tilespmem:$0x2D80] =	vst v63  }
0x22: {  	_ =	swait.ge [sflag:s13], $0x2800  }
0x23: {  	[sflag:s13] =	ssyncset.done $0x0  }
0x24: {  	s19 =	simm.s32 $0x500;
	[sflag:s13] =	ssyncadd.s32 $0xFFFFD800  }
0x25: {  	[spmem:s2] =	stream.indirect.scatter.add.f32 [tilespmem:s17], [sflag:$0x1], $0x1, s19, s16, $0xb8;
	[tilespmem:$0x2D80] =	vst v63  }
0x26: {  	s19 =	simm.s32 $0x200;
	_ =	swait.ge [sflag:s13], $0x80  }
.LBB2_2:
0x27: {  	s20 =	sshra.s32 s19, $0x2;
	[sflag:s13] =	ssyncset.done $0x0;
	p0 =	sne.s32 s19, $0x9E00  }
.Ltmp0:
0x28: {  	s20 =	sadd.s32 $0x500, s20;
	[sflag:s13] =	ssyncadd.s32 $0xFFFFFF80;
	(pc) =	sbr.rel @p0 .LBB2_2-.Ltmp0, $3  }
0x29: {  	[spmem:s2] =	stream.indirect.scatter.add.f32 [tilespmem:s17], [sflag:$0x1], $0x1, s20, s16, $0xb8;
	[tilespmem:$0x2D80] =	vst v63  }
0x2a: {  	s19 =	sadd.s32 $0x200, s19;
	_ =	sdelay $0x1  }
0x2b: {  	_ =	swait.ge [sflag:s13], $0x80  }
0x2c: {  	[sflag:s13] =	ssyncset.done $0x0  }
0x2d: {  	s19 =	simm.s32 $0x0;
	[sflag:s13] =	ssyncadd.s32 $0xFFFFFF80  }
0x2e: {  	[tilespmem:s15], [sflag:$0x1] =	stream.linear.gather [hbm4b:s8+s19], $0x2800, $0x38;
	[tilespmem:$0x2D80] =	vst v63  }
0x2f: {  	_ =	swait.ge [sflag:s13], $0x2800  }
0x30: {  	[sflag:s13] =	ssyncset.done $0x0  }
0x31: {  	s31 =	simm.s32 $0x500;
	[sflag:s13] =	ssyncadd.s32 $0xFFFFD800  }
0x32: {  	[spmem:s3] =	stream.indirect.scatter.add.f32 [tilespmem:s17], [sflag:$0x1], $0x1, s31, s16, $0xb8;
	[tilespmem:$0x2D80] =	vst v63  }
0x33: {  	s19 =	simm.s32 $0x200;
	_ =	swait.ge [sflag:s13], $0x80  }
.LBB2_4:
0x34: {  	s20 =	sshra.s32 s19, $0x2;
	[sflag:s13] =	ssyncset.done $0x0;
	p0 =	sne.s32 s19, $0x9E00  }
.Ltmp1:
0x35: {  	s20 =	sadd.s32 $0x500, s20;
	[sflag:s13] =	ssyncadd.s32 $0xFFFFFF80;
	(pc) =	sbr.rel @p0 .LBB2_4-.Ltmp1, $3  }
0x36: {  	[spmem:s3] =	stream.indirect.scatter.add.f32 [tilespmem:s17], [sflag:$0x1], $0x1, s20, s16, $0xb8;
	[tilespmem:$0x2D80] =	vst v63  }
0x37: {  	s19 =	sadd.s32 $0x200, s19;
	_ =	sdelay $0x1  }
0x38: {  	_ =	swait.ge [sflag:s13], $0x80  }
0x39: {  	[sflag:s13] =	ssyncset.done $0x0  }
0x3a: {  	[sflag:s13] =	ssyncadd.s32 $0xFFFFFF80  }
0x3b: {  	[bflag:$0x0] =	sbarrier.arrive $0xFFFF  }
0x3c: {  	[hbm:s9], [sflag:s6] =	dma.local [spmem:s12], $0x50  }
0x3d: {  	s18 =	sadd.s32 $0x1, s18;
	_ =	swait.ge [sflag:s13], $0x50  }
0x3e: {  	p0 =	sne.s32 s18, s11;
	[sflag:s13] =	ssyncset.done $0x0  }
.Ltmp2:
0x3f: {  	[sflag:s13] =	ssyncadd.s32 $0xFFFFFFB0;
	(pc) =	sbr.rel @p0 .LBB2_1-.Ltmp2, $4  }
0x40: {  	[hbm:s10], [sflag:s6] =	dma.local [spmem:s14], $0x50  }
0x41: {  	_ =	swait.ge [sflag:s13], $0x50  }
0x42: {  	[sflag:s13] =	ssyncset.done $0x0  }
0x43: {  	[sflag:s13] =	ssyncadd.s32 $0xFFFFFFB0  }
0x44: {  	_ =	sfence.sel $0x180000  }
0x45: {  	[bflag:$0x0] =	sbarrier.arrive $0xFFFF  }
0x46: {  	p0 =	sne.s32 s0, $0x0;
	_ =	strace $0x90000047  }
0x47: {  	s0 =	sadd.s32 @!p0 $0x100000, s1;
	[bflag:$0x2] =	sbarrier.arrive $0xFFFF  }
0x48: {  	[sflag:s0] =	ssyncadd.tile.s32 @!p0 $0x1;
	_ =	shalt  }
.Lfunc_end2:
_tile_overlayer_lowered:
.L_overlay_start_2:
0x49: {  	(tag) =	ssettag $0x2  }
0x4a: {  	s0 =	rddreg [dreg:$0x0];
	s2 =	stileid.u32  }
0x4b: {  	s1 =	rddreg [dreg:$0x1];
	p0 =	sne.s32 s2, $0x0  }
0x4c: {  	s3 =	rddreg [dreg:$0x2];
	[bflag:$0x3] =	sbarrier.arrive $0xFFFF;
	s2 =	simm.s32 @!p0 $0x1C01  }
0x4d: {  	[timem:s3], [sflag:s2] =	dma.local @!p0 [hbm:s0], s1  }
0x4e: {  	s0 =	simm.s32 @!p0 $0x1  }
0x4f: {  	_ =	swait.ge @!p0 [sflag:s0], s1  }
0x50: {  	s1 =	ssub.s32 @!p0 $0x0, s1;
	[sflag:s0] =	ssyncset.done @!p0 $0x0  }
0x51: {  	[sflag:s0] =	ssyncadd.s32 @!p0 s1  }
0x52: {  	[bflag:$0x3] =	sbarrier.arrive $0xFFFF  }
0x53: {  	_ =	shalt  }

</sc_bundles>
